<compile_context>
chip_gen: v7x
topology: tpu7x:2x2x1
jax: 0.10.2.dev20260603
libtpu: 0.0.44.dev20260713+nightly
codegen_flags: <defaults>
</compile_context>

<pallas_src>
import functools

import jax
import jax.numpy as jnp
from jax import lax
from jax.experimental import pallas as pl
from jax.experimental.pallas import tpu as pltpu
from jax.experimental.pallas import tpu_sc as plsc

N = 50000
CIN = 32
COUT = 32
KVOL = 27
PACK = 4
YW = PACK * COUT

NW = 32
ROWS_PER_W = 1664
NPAD = NW * ROWS_PER_W
BLK = 512
NB = NPAD // PACK // BLK


def _tc_body(x_ref, w_ref, b_ref, y_ref):
    x = x_ref[...]
    for k in range(KVOL):
        y = jnp.dot(x, w_ref[k], preferred_element_type=jnp.float32)
        if k == 0:
            y = y + b_ref[...]
        y_ref[k] = y


def _tc_gemm(x4, w4, b128):
    return pl.pallas_call(
        _tc_body,
        grid=(NB,),
        in_specs=[
            pl.BlockSpec((BLK, YW), lambda i: (i, 0)),
            pl.BlockSpec((KVOL, YW, YW), lambda i: (0, 0, 0)),
            pl.BlockSpec((1, YW), lambda i: (0, 0)),
        ],
        out_specs=pl.BlockSpec((KVOL, BLK, YW), lambda i: (0, i, 0)),
        out_shape=jax.ShapeDtypeStruct((KVOL, NPAD // PACK, YW), jnp.float32),
    )(x4, w4, b128)


def _sc_gather_sum(y, nbr1d):
    nc = 2
    mesh = plsc.VectorSubcoreMesh(
        core_axis_name="c", subcore_axis_name="s", num_cores=nc, num_subcores=16
    )

    y2d = y.reshape(KVOL * NPAD, COUT)

    @functools.partial(
        pl.kernel,
        out_type=jax.ShapeDtypeStruct((NPAD, COUT), jnp.float32),
        mesh=mesh,
        scratch_types=[
            pltpu.VMEM((KVOL * ROWS_PER_W,), jnp.int32),
            pltpu.VMEM((ROWS_PER_W, COUT), jnp.float32),
            pltpu.SemaphoreType.DMA,
            pltpu.SemaphoreType.DMA,
        ],
        compiler_params=pltpu.CompilerParams(use_tc_tiling_on_sc=False),
    )
    def sc_k(y_hbm, nbr_hbm, out_hbm, idx_v, acc_v, sem, isem):
        wid = lax.axis_index("s") * nc + lax.axis_index("c")
        base = wid * ROWS_PER_W
        idescs = [
            pltpu.async_copy(
                nbr_hbm.at[pl.ds(k * NPAD + base, ROWS_PER_W)],
                idx_v.at[pl.ds(k * ROWS_PER_W, ROWS_PER_W)],
                isem,
            )
            for k in range(KVOL)
        ]
        z = jnp.zeros((16,), jnp.float32)

        def zero_body(r, carry):
            acc_v[r, pl.ds(0, 16)] = z
            acc_v[r, pl.ds(16, 16)] = z
            return carry

        lax.fori_loop(0, ROWS_PER_W, zero_body, 0)
        for d in idescs:
            d.wait()

        descs = []
        nv = ROWS_PER_W // 16
        for k in range(KVOL):
            if k > 0:
                def off_body(j, carry, _off=k * NPAD, _base=k * nv):
                    idx_v[pl.ds((_base + j) * 16, 16)] += _off
                    return carry

                lax.fori_loop(0, nv, off_body, 0)
            descs.append(
                pltpu.async_copy(
                    y_hbm.at[idx_v.at[pl.ds(k * ROWS_PER_W, ROWS_PER_W)]],
                    acc_v,
                    sem,
                    add=True,
                )
            )
        for d in descs:
            d.wait()
        pltpu.sync_copy(acc_v, out_hbm.at[pl.ds(base, ROWS_PER_W)])

    return sc_k(y2d, nbr1d)


def kernel(in_feature, nbr_idx, weight, bias):
    w = weight.reshape(COUT, CIN, KVOL).transpose(2, 1, 0)
    w4 = jnp.einsum("tu,kcd->ktcud", jnp.eye(PACK, dtype=w.dtype), w)
    w4 = w4.reshape(KVOL, YW, YW)
    b128 = jnp.tile(bias.reshape(1, COUT), (1, PACK))
    x4 = jnp.pad(in_feature, ((0, NPAD - N), (0, 0))).reshape(NPAD // PACK, YW)
    nbr1d = jnp.pad(nbr_idx, ((0, 0), (0, NPAD - N))).reshape(-1)
    y = _tc_gemm(x4, w4, b128)
    out = _sc_gather_sum(y, nbr1d)
    return out[:N]

# --- scband reference (transcript-rebuilt; emitter-appended) ---
"""Pipeline reference for scband-sparse-conv3d-base-22359599743102 (READ-ONLY COPY).

The authoritative reference and input builder live on the scoring server;
editing this copy changes nothing except your own understanding.
"""

import jax, jax.numpy as jnp
import numpy as np

N = 50000
CIN = 32
COUT = 32
KS = 3
KVOL = KS * KS * KS


def setup_inputs(seed: int = 0) -> dict:
    key = jax.random.key(seed)
    k1, k2, k3, k4 = jax.random.split(key, 4)
    in_feature = jax.random.normal(k1, (N, CIN), dtype=jnp.float32)
    # Kernel map: for each of the 27 kernel offsets, the index of the input voxel
    # that contributes to each output voxel (gather-scatter backend formulation).
    nbr_idx = jax.random.randint(k2, (KVOL, N), 0, N, dtype=jnp.int32)
    # Parameters sized/initialized like the torch module: weight [Cout, Cin, kx, ky, kz],
    # uniform(-std, std) with std = 1/sqrt(in_channels * kernel_volume).
    std = 1.0 / np.sqrt(CIN * KVOL)
    weight = jax.random.uniform(k3, (COUT, CIN, KS, KS, KS), minval=-std, maxval=std, dtype=jnp.float32)
    bias = jax.random.uniform(k4, (COUT,), minval=-std, maxval=std, dtype=jnp.float32)
    return {"in_feature": in_feature, "nbr_idx": nbr_idx, "weight": weight, "bias": bias}


def reference(in_feature, nbr_idx, weight, bias):
    # Faithful gather-scatter sparse conv: for each kernel offset k, gather the
    # neighbor features and accumulate gathered @ W_k into the output voxels.
    cout, cin = weight.shape[0], weight.shape[1]
    kvol = weight.shape[2] * weight.shape[3] * weight.shape[4]
    w = weight.reshape(cout, cin, kvol).transpose(2, 1, 0)  # [K, Cin, Cout]
    gathered = jnp.take(in_feature, nbr_idx, axis=0)  # [K, N, Cin] (SparseCore gather)
    out = jnp.einsum('knc,kcd->nd', gathered, w) + bias  # [N, Cout]
    return out

if __name__ == "__main__":
    import jax
    _d = setup_inputs()
    print(jax.jit(kernel)(*tuple(_d.values())))

</pallas_src>

<mosaic_0001>
#map = affine_map<(d0, d1) -> (0, 0)>
#map1 = affine_map<(d0, d1) -> (0)>
module attributes {stable_mosaic.version = 14 : i64} {
  func.func @sc_k(%arg0: i32, %arg1: i32, %arg2: memref<1437696x32xf32, #tpu.memory_space<hbm>>, %arg3: memref<1437696xi32, #tpu.memory_space<hbm>>, %arg4: memref<53248x32xf32, #tpu.memory_space<hbm>>, %arg5: memref<44928xi32, #tpu.memory_space<vmem>>, %arg6: memref<1664x32xf32, #tpu.memory_space<vmem>>, %arg7: memref<!tpu.dma_semaphore, #tpu.memory_space<semaphore_mem>>, %arg8: memref<!tpu.dma_semaphore, #tpu.memory_space<semaphore_mem>>) attributes {dimension_semantics = [#tpu.dimension_semantics<core_parallel>, #tpu.dimension_semantics<subcore_parallel>], iteration_bounds = array<i64: 2, 16>, scalar_prefetch = 0 : i64, scratch_operands = 4 : i64, tpu.core_type = #tpu.core_type<sc_vector_subcore>, window_params = [{transform_indices = #map}, {transform_indices = #map1}, {transform_indices = #map}]} {
    %mul3A = arith.constant 2 : i32
    %mul3A_0 = arith.muli %arg1, %mul3A : i32
    %add3A = arith.addi %mul3A_0, %arg0 : i32
    %mul3A_1 = arith.constant 1664 : i32
    %mul3A_2 = arith.muli %add3A, %mul3A_1 : i32
    %add3A_3 = arith.constant 0 : i32
    %add3A_4 = arith.addi %add3A_3, %mul3A_2 : i32
    %dma_start3A = arith.constant 0 : i32
    %dma_start3A_5 = tpu.memref_slice %arg5[%dma_start3A] : memref<44928xi32, #tpu.memory_space<vmem>> -> memref<1664xi32, #tpu.memory_space<vmem>>
    %dma_start3A_6 = tpu.memref_slice %arg3[%add3A_4] : memref<1437696xi32, #tpu.memory_space<hbm>> -> memref<1664xi32, #tpu.memory_space<hbm>>
    %dma_start3A_7 = arith.constant 0 : i32
    %dma_start3A_8 = tpu.memref_slice %arg5[%dma_start3A_7] : memref<44928xi32, #tpu.memory_space<vmem>> -> memref<1664xi32, #tpu.memory_space<vmem>>
    %dma_start3A_9 = tpu.memref_slice %arg3[%add3A_4] : memref<1437696xi32, #tpu.memory_space<hbm>> -> memref<1664xi32, #tpu.memory_space<hbm>>
    tpu.enqueue_dma source(%dma_start3A_9 : memref<1664xi32, #tpu.memory_space<hbm>>) target(%dma_start3A_8 : memref<1664xi32, #tpu.memory_space<vmem>>) target_semaphore(%arg8 : memref<!tpu.dma_semaphore, #tpu.memory_space<semaphore_mem>>)
    %add3A_10 = arith.constant 53248 : i32
    %add3A_11 = arith.addi %add3A_10, %mul3A_2 : i32
    %dma_start3A_12 = arith.constant 1664 : i32
    %dma_start3A_13 = tpu.memref_slice %arg5[%dma_start3A_12] : memref<44928xi32, #tpu.memory_space<vmem>> -> memref<1664xi32, #tpu.memory_space<vmem>>
    %dma_start3A_14 = tpu.memref_slice %arg3[%add3A_11] : memref<1437696xi32, #tpu.memory_space<hbm>> -> memref<1664xi32, #tpu.memory_space<hbm>>
    %dma_start3A_15 = arith.constant 1664 : i32
    %dma_start3A_16 = tpu.memref_slice %arg5[%dma_start3A_15] : memref<44928xi32, #tpu.memory_space<vmem>> -> memref<1664xi32, #tpu.memory_space<vmem>>
    %dma_start3A_17 = tpu.memref_slice %arg3[%add3A_11] : memref<1437696xi32, #tpu.memory_space<hbm>> -> memref<1664xi32, #tpu.memory_space<hbm>>
    tpu.enqueue_dma source(%dma_start3A_17 : memref<1664xi32, #tpu.memory_space<hbm>>) target(%dma_start3A_16 : memref<1664xi32, #tpu.memory_space<vmem>>) target_semaphore(%arg8 : memref<!tpu.dma_semaphore, #tpu.memory_space<semaphore_mem>>)
    %add3A_18 = arith.constant 106496 : i32
    %add3A_19 = arith.addi %add3A_18, %mul3A_2 : i32
    %dma_start3A_20 = arith.constant 3328 : i32
    %dma_start3A_21 = tpu.memref_slice %arg5[%dma_start3A_20] : memref<44928xi32, #tpu.memory_space<vmem>> -> memref<1664xi32, #tpu.memory_space<vmem>>
    %dma_start3A_22 = tpu.memref_slice %arg3[%add3A_19] : memref<1437696xi32, #tpu.memory_space<hbm>> -> memref<1664xi32, #tpu.memory_space<hbm>>
    %dma_start3A_23 = arith.constant 3328 : i32
    %dma_start3A_24 = tpu.memref_slice %arg5[%dma_start3A_23] : memref<44928xi32, #tpu.memory_space<vmem>> -> memref<1664xi32, #tpu.memory_space<vmem>>
    %dma_start3A_25 = tpu.memref_slice %arg3[%add3A_19] : memref<1437696xi32, #tpu.memory_space<hbm>> -> memref<1664xi32, #tpu.memory_space<hbm>>
    tpu.enqueue_dma source(%dma_start3A_25 : memref<1664xi32, #tpu.memory_space<hbm>>) target(%dma_start3A_24 : memref<1664xi32, #tpu.memory_space<vmem>>) target_semaphore(%arg8 : memref<!tpu.dma_semaphore, #tpu.memory_space<semaphore_mem>>)
    %add3A_26 = arith.constant 159744 : i32
    %add3A_27 = arith.addi %add3A_26, %mul3A_2 : i32
    %dma_start3A_28 = arith.constant 4992 : i32
    %dma_start3A_29 = tpu.memref_slice %arg5[%dma_start3A_28] : memref<44928xi32, #tpu.memory_space<vmem>> -> memref<1664xi32, #tpu.memory_space<vmem>>
    %dma_start3A_30 = tpu.memref_slice %arg3[%add3A_27] : memref<1437696xi32, #tpu.memory_space<hbm>> -> memref<1664xi32, #tpu.memory_space<hbm>>
    %dma_start3A_31 = arith.constant 4992 : i32
    %dma_start3A_32 = tpu.memref_slice %arg5[%dma_start3A_31] : memref<44928xi32, #tpu.memory_space<vmem>> -> memref<1664xi32, #tpu.memory_space<vmem>>
    %dma_start3A_33 = tpu.memref_slice %arg3[%add3A_27] : memref<1437696xi32, #tpu.memory_space<hbm>> -> memref<1664xi32, #tpu.memory_space<hbm>>
    tpu.enqueue_dma source(%dma_start3A_33 : memref<1664xi32, #tpu.memory_space<hbm>>) target(%dma_start3A_32 : memref<1664xi32, #tpu.memory_space<vmem>>) target_semaphore(%arg8 : memref<!tpu.dma_semaphore, #tpu.memory_space<semaphore_mem>>)
    %add3A_34 = arith.constant 212992 : i32
    %add3A_35 = arith.addi %add3A_34, %mul3A_2 : i32
    %dma_start3A_36 = arith.constant 6656 : i32
    %dma_start3A_37 = tpu.memref_slice %arg5[%dma_start3A_36] : memref<44928xi32, #tpu.memory_space<vmem>> -> memref<1664xi32, #tpu.memory_space<vmem>>
    %dma_start3A_38 = tpu.memref_slice %arg3[%add3A_35] : memref<1437696xi32, #tpu.memory_space<hbm>> -> memref<1664xi32, #tpu.memory_space<hbm>>
    %dma_start3A_39 = arith.constant 6656 : i32
    %dma_start3A_40 = tpu.memref_slice %arg5[%dma_start3A_39] : memref<44928xi32, #tpu.memory_space<vmem>> -> memref<1664xi32, #tpu.memory_space<vmem>>
    %dma_start3A_41 = tpu.memref_slice %arg3[%add3A_35] : memref<1437696xi32, #tpu.memory_space<hbm>> -> memref<1664xi32, #tpu.memory_space<hbm>>
    tpu.enqueue_dma source(%dma_start3A_41 : memref<1664xi32, #tpu.memory_space<hbm>>) target(%dma_start3A_40 : memref<1664xi32, #tpu.memory_space<vmem>>) target_semaphore(%arg8 : memref<!tpu.dma_semaphore, #tpu.memory_space<semaphore_mem>>)
    %add3A_42 = arith.constant 266240 : i32
    %add3A_43 = arith.addi %add3A_42, %mul3A_2 : i32
    %dma_start3A_44 = arith.constant 8320 : i32
    %dma_start3A_45 = tpu.memref_slice %arg5[%dma_start3A_44] : memref<44928xi32, #tpu.memory_space<vmem>> -> memref<1664xi32, #tpu.memory_space<vmem>>
    %dma_start3A_46 = tpu.memref_slice %arg3[%add3A_43] : memref<1437696xi32, #tpu.memory_space<hbm>> -> memref<1664xi32, #tpu.memory_space<hbm>>
    %dma_start3A_47 = arith.constant 8320 : i32
    %dma_start3A_48 = tpu.memref_slice %arg5[%dma_start3A_47] : memref<44928xi32, #tpu.memory_space<vmem>> -> memref<1664xi32, #tpu.memory_space<vmem>>
    %dma_start3A_49 = tpu.memref_slice %arg3[%add3A_43] : memref<1437696xi32, #tpu.memory_space<hbm>> -> memref<1664xi32, #tpu.memory_space<hbm>>
    tpu.enqueue_dma source(%dma_start3A_49 : memref<1664xi32, #tpu.memory_space<hbm>>) target(%dma_start3A_48 : memref<1664xi32, #tpu.memory_space<vmem>>) target_semaphore(%arg8 : memref<!tpu.dma_semaphore, #tpu.memory_space<semaphore_mem>>)
    %add3A_50 = arith.constant 319488 : i32
    %add3A_51 = arith.addi %add3A_50, %mul3A_2 : i32
    %dma_start3A_52 = arith.constant 9984 : i32
    %dma_start3A_53 = tpu.memref_slice %arg5[%dma_start3A_52] : memref<44928xi32, #tpu.memory_space<vmem>> -> memref<1664xi32, #tpu.memory_space<vmem>>
    %dma_start3A_54 = tpu.memref_slice %arg3[%add3A_51] : memref<1437696xi32, #tpu.memory_space<hbm>> -> memref<1664xi32, #tpu.memory_space<hbm>>
    %dma_start3A_55 = arith.constant 9984 : i32
    %dma_start3A_56 = tpu.memref_slice %arg5[%dma_start3A_55] : memref<44928xi32, #tpu.memory_space<vmem>> -> memref<1664xi32, #tpu.memory_space<vmem>>
    %dma_start3A_57 = tpu.memref_slice %arg3[%add3A_51] : memref<1437696xi32, #tpu.memory_space<hbm>> -> memref<1664xi32, #tpu.memory_space<hbm>>
    tpu.enqueue_dma source(%dma_start3A_57 : memref<1664xi32, #tpu.memory_space<hbm>>) target(%dma_start3A_56 : memref<1664xi32, #tpu.memory_space<vmem>>) target_semaphore(%arg8 : memref<!tpu.dma_semaphore, #tpu.memory_space<semaphore_mem>>)
    %add3A_58 = arith.constant 372736 : i32
    %add3A_59 = arith.addi %add3A_58, %mul3A_2 : i32
    %dma_start3A_60 = arith.constant 11648 : i32
    %dma_start3A_61 = tpu.memref_slice %arg5[%dma_start3A_60] : memref<44928xi32, #tpu.memory_space<vmem>> -> memref<1664xi32, #tpu.memory_space<vmem>>
    %dma_start3A_62 = tpu.memref_slice %arg3[%add3A_59] : memref<1437696xi32, #tpu.memory_space<hbm>> -> memref<1664xi32, #tpu.memory_space<hbm>>
    %dma_start3A_63 = arith.constant 11648 : i32
    %dma_start3A_64 = tpu.memref_slice %arg5[%dma_start3A_63] : memref<44928xi32, #tpu.memory_space<vmem>> -> memref<1664xi32, #tpu.memory_space<vmem>>
    %dma_start3A_65 = tpu.memref_slice %arg3[%add3A_59] : memref<1437696xi32, #tpu.memory_space<hbm>> -> memref<1664xi32, #tpu.memory_space<hbm>>
    tpu.enqueue_dma source(%dma_start3A_65 : memref<1664xi32, #tpu.memory_space<hbm>>) target(%dma_start3A_64 : memref<1664xi32, #tpu.memory_space<vmem>>) target_semaphore(%arg8 : memref<!tpu.dma_semaphore, #tpu.memory_space<semaphore_mem>>)
    %add3A_66 = arith.constant 425984 : i32
    %add3A_67 = arith.addi %add3A_66, %mul3A_2 : i32
    %dma_start3A_68 = arith.constant 13312 : i32
    %dma_start3A_69 = tpu.memref_slice %arg5[%dma_start3A_68] : memref<44928xi32, #tpu.memory_space<vmem>> -> memref<1664xi32, #tpu.memory_space<vmem>>
    %dma_start3A_70 = tpu.memref_slice %arg3[%add3A_67] : memref<1437696xi32, #tpu.memory_space<hbm>> -> memref<1664xi32, #tpu.memory_space<hbm>>
    %dma_start3A_71 = arith.constant 13312 : i32
    %dma_start3A_72 = tpu.memref_slice %arg5[%dma_start3A_71] : memref<44928xi32, #tpu.memory_space<vmem>> -> memref<1664xi32, #tpu.memory_space<vmem>>
    %dma_start3A_73 = tpu.memref_slice %arg3[%add3A_67] : memref<1437696xi32, #tpu.memory_space<hbm>> -> memref<1664xi32, #tpu.memory_space<hbm>>
    tpu.enqueue_dma source(%dma_start3A_73 : memref<1664xi32, #tpu.memory_space<hbm>>) target(%dma_start3A_72 : memref<1664xi32, #tpu.memory_space<vmem>>) target_semaphore(%arg8 : memref<!tpu.dma_semaphore, #tpu.memory_space<semaphore_mem>>)
    %add3A_74 = arith.constant 479232 : i32
    %add3A_75 = arith.addi %add3A_74, %mul3A_2 : i32
    %dma_start3A_76 = arith.constant 14976 : i32
    %dma_start3A_77 = tpu.memref_slice %arg5[%dma_start3A_76] : memref<44928xi32, #tpu.memory_space<vmem>> -> memref<1664xi32, #tpu.memory_space<vmem>>
    %dma_start3A_78 = tpu.memref_slice %arg3[%add3A_75] : memref<1437696xi32, #tpu.memory_space<hbm>> -> memref<1664xi32, #tpu.memory_space<hbm>>
    %dma_start3A_79 = arith.constant 14976 : i32
    %dma_start3A_80 = tpu.memref_slice %arg5[%dma_start3A_79] : memref<44928xi32, #tpu.memory_space<vmem>> -> memref<1664xi32, #tpu.memory_space<vmem>>
    %dma_start3A_81 = tpu.memref_slice %arg3[%add3A_75] : memref<1437696xi32, #tpu.memory_space<hbm>> -> memref<1664xi32, #tpu.memory_space<hbm>>
    tpu.enqueue_dma source(%dma_start3A_81 : memref<1664xi32, #tpu.memory_space<hbm>>) target(%dma_start3A_80 : memref<1664xi32, #tpu.memory_space<vmem>>) target_semaphore(%arg8 : memref<!tpu.dma_semaphore, #tpu.memory_space<semaphore_mem>>)
    %add3A_82 = arith.constant 532480 : i32
    %add3A_83 = arith.addi %add3A_82, %mul3A_2 : i32
    %dma_start3A_84 = arith.constant 16640 : i32
    %dma_start3A_85 = tpu.memref_slice %arg5[%dma_start3A_84] : memref<44928xi32, #tpu.memory_space<vmem>> -> memref<1664xi32, #tpu.memory_space<vmem>>
    %dma_start3A_86 = tpu.memref_slice %arg3[%add3A_83] : memref<1437696xi32, #tpu.memory_space<hbm>> -> memref<1664xi32, #tpu.memory_space<hbm>>
    %dma_start3A_87 = arith.constant 16640 : i32
    %dma_start3A_88 = tpu.memref_slice %arg5[%dma_start3A_87] : memref<44928xi32, #tpu.memory_space<vmem>> -> memref<1664xi32, #tpu.memory_space<vmem>>
    %dma_start3A_89 = tpu.memref_slice %arg3[%add3A_83] : memref<1437696xi32, #tpu.memory_space<hbm>> -> memref<1664xi32, #tpu.memory_space<hbm>>
    tpu.enqueue_dma source(%dma_start3A_89 : memref<1664xi32, #tpu.memory_space<hbm>>) target(%dma_start3A_88 : memref<1664xi32, #tpu.memory_space<vmem>>) target_semaphore(%arg8 : memref<!tpu.dma_semaphore, #tpu.memory_space<semaphore_mem>>)
    %add3A_90 = arith.constant 585728 : i32
    %add3A_91 = arith.addi %add3A_90, %mul3A_2 : i32
    %dma_start3A_92 = arith.constant 18304 : i32
    %dma_start3A_93 = tpu.memref_slice %arg5[%dma_start3A_92] : memref<44928xi32, #tpu.memory_space<vmem>> -> memref<1664xi32, #tpu.memory_space<vmem>>
    %dma_start3A_94 = tpu.memref_slice %arg3[%add3A_91] : memref<1437696xi32, #tpu.memory_space<hbm>> -> memref<1664xi32, #tpu.memory_space<hbm>>
    %dma_start3A_95 = arith.constant 18304 : i32
    %dma_start3A_96 = tpu.memref_slice %arg5[%dma_start3A_95] : memref<44928xi32, #tpu.memory_space<vmem>> -> memref<1664xi32, #tpu.memory_space<vmem>>
    %dma_start3A_97 = tpu.memref_slice %arg3[%add3A_91] : memref<1437696xi32, #tpu.memory_space<hbm>> -> memref<1664xi32, #tpu.memory_space<hbm>>
    tpu.enqueue_dma source(%dma_start3A_97 : memref<1664xi32, #tpu.memory_space<hbm>>) target(%dma_start3A_96 : memref<1664xi32, #tpu.memory_space<vmem>>) target_semaphore(%arg8 : memref<!tpu.dma_semaphore, #tpu.memory_space<semaphore_mem>>)
    %add3A_98 = arith.constant 638976 : i32
    %add3A_99 = arith.addi %add3A_98, %mul3A_2 : i32
    %dma_start3A_100 = arith.constant 19968 : i32
    %dma_start3A_101 = tpu.memref_slice %arg5[%dma_start3A_100] : memref<44928xi32, #tpu.memory_space<vmem>> -> memref<1664xi32, #tpu.memory_space<vmem>>
    %dma_start3A_102 = tpu.memref_slice %arg3[%add3A_99] : memref<1437696xi32, #tpu.memory_space<hbm>> -> memref<1664xi32, #tpu.memory_space<hbm>>
    %dma_start3A_103 = arith.constant 19968 : i32
    %dma_start3A_104 = tpu.memref_slice %arg5[%dma_start3A_103] : memref<44928xi32, #tpu.memory_space<vmem>> -> memref<1664xi32, #tpu.memory_space<vmem>>
    %dma_start3A_105 = tpu.memref_slice %arg3[%add3A_99] : memref<1437696xi32, #tpu.memory_space<hbm>> -> memref<1664xi32, #tpu.memory_space<hbm>>
    tpu.enqueue_dma source(%dma_start3A_105 : memref<1664xi32, #tpu.memory_space<hbm>>) target(%dma_start3A_104 : memref<1664xi32, #tpu.memory_space<vmem>>) target_semaphore(%arg8 : memref<!tpu.dma_semaphore, #tpu.memory_space<semaphore_mem>>)
    %add3A_106 = arith.constant 692224 : i32
    %add3A_107 = arith.addi %add3A_106, %mul3A_2 : i32
    %dma_start3A_108 = arith.constant 21632 : i32
    %dma_start3A_109 = tpu.memref_slice %arg5[%dma_start3A_108] : memref<44928xi32, #tpu.memory_space<vmem>> -> memref<1664xi32, #tpu.memory_space<vmem>>
    %dma_start3A_110 = tpu.memref_slice %arg3[%add3A_107] : memref<1437696xi32, #tpu.memory_space<hbm>> -> memref<1664xi32, #tpu.memory_space<hbm>>
    %dma_start3A_111 = arith.constant 21632 : i32
    %dma_start3A_112 = tpu.memref_slice %arg5[%dma_start3A_111] : memref<44928xi32, #tpu.memory_space<vmem>> -> memref<1664xi32, #tpu.memory_space<vmem>>
    %dma_start3A_113 = tpu.memref_slice %arg3[%add3A_107] : memref<1437696xi32, #tpu.memory_space<hbm>> -> memref<1664xi32, #tpu.memory_space<hbm>>
    tpu.enqueue_dma source(%dma_start3A_113 : memref<1664xi32, #tpu.memory_space<hbm>>) target(%dma_start3A_112 : memref<1664xi32, #tpu.memory_space<vmem>>) target_semaphore(%arg8 : memref<!tpu.dma_semaphore, #tpu.memory_space<semaphore_mem>>)
    %add3A_114 = arith.constant 745472 : i32
    %add3A_115 = arith.addi %add3A_114, %mul3A_2 : i32
    %dma_start3A_116 = arith.constant 23296 : i32
    %dma_start3A_117 = tpu.memref_slice %arg5[%dma_start3A_116] : memref<44928xi32, #tpu.memory_space<vmem>> -> memref<1664xi32, #tpu.memory_space<vmem>>
    %dma_start3A_118 = tpu.memref_slice %arg3[%add3A_115] : memref<1437696xi32, #tpu.memory_space<hbm>> -> memref<1664xi32, #tpu.memory_space<hbm>>
    %dma_start3A_119 = arith.constant 23296 : i32
    %dma_start3A_120 = tpu.memref_slice %arg5[%dma_start3A_119] : memref<44928xi32, #tpu.memory_space<vmem>> -> memref<1664xi32, #tpu.memory_space<vmem>>
    %dma_start3A_121 = tpu.memref_slice %arg3[%add3A_115] : memref<1437696xi32, #tpu.memory_space<hbm>> -> memref<1664xi32, #tpu.memory_space<hbm>>
    tpu.enqueue_dma source(%dma_start3A_121 : memref<1664xi32, #tpu.memory_space<hbm>>) target(%dma_start3A_120 : memref<1664xi32, #tpu.memory_space<vmem>>) target_semaphore(%arg8 : memref<!tpu.dma_semaphore, #tpu.memory_space<semaphore_mem>>)
    %add3A_122 = arith.constant 798720 : i32
    %add3A_123 = arith.addi %add3A_122, %mul3A_2 : i32
    %dma_start3A_124 = arith.constant 24960 : i32
    %dma_start3A_125 = tpu.memref_slice %arg5[%dma_start3A_124] : memref<44928xi32, #tpu.memory_space<vmem>> -> memref<1664xi32, #tpu.memory_space<vmem>>
    %dma_start3A_126 = tpu.memref_slice %arg3[%add3A_123] : memref<1437696xi32, #tpu.memory_space<hbm>> -> memref<1664xi32, #tpu.memory_space<hbm>>
    %dma_start3A_127 = arith.constant 24960 : i32
    %dma_start3A_128 = tpu.memref_slice %arg5[%dma_start3A_127] : memref<44928xi32, #tpu.memory_space<vmem>> -> memref<1664xi32, #tpu.memory_space<vmem>>
    %dma_start3A_129 = tpu.memref_slice %arg3[%add3A_123] : memref<1437696xi32, #tpu.memory_space<hbm>> -> memref<1664xi32, #tpu.memory_space<hbm>>
    tpu.enqueue_dma source(%dma_start3A_129 : memref<1664xi32, #tpu.memory_space<hbm>>) target(%dma_start3A_128 : memref<1664xi32, #tpu.memory_space<vmem>>) target_semaphore(%arg8 : memref<!tpu.dma_semaphore, #tpu.memory_space<semaphore_mem>>)
    %add3A_130 = arith.constant 851968 : i32
    %add3A_131 = arith.addi %add3A_130, %mul3A_2 : i32
    %dma_start3A_132 = arith.constant 26624 : i32
    %dma_start3A_133 = tpu.memref_slice %arg5[%dma_start3A_132] : memref<44928xi32, #tpu.memory_space<vmem>> -> memref<1664xi32, #tpu.memory_space<vmem>>
    %dma_start3A_134 = tpu.memref_slice %arg3[%add3A_131] : memref<1437696xi32, #tpu.memory_space<hbm>> -> memref<1664xi32, #tpu.memory_space<hbm>>
    %dma_start3A_135 = arith.constant 26624 : i32
    %dma_start3A_136 = tpu.memref_slice %arg5[%dma_start3A_135] : memref<44928xi32, #tpu.memory_space<vmem>> -> memref<1664xi32, #tpu.memory_space<vmem>>
    %dma_start3A_137 = tpu.memref_slice %arg3[%add3A_131] : memref<1437696xi32, #tpu.memory_space<hbm>> -> memref<1664xi32, #tpu.memory_space<hbm>>
    tpu.enqueue_dma source(%dma_start3A_137 : memref<1664xi32, #tpu.memory_space<hbm>>) target(%dma_start3A_136 : memref<1664xi32, #tpu.memory_space<vmem>>) target_semaphore(%arg8 : memref<!tpu.dma_semaphore, #tpu.memory_space<semaphore_mem>>)
    %add3A_138 = arith.constant 905216 : i32
    %add3A_139 = arith.addi %add3A_138, %mul3A_2 : i32
    %dma_start3A_140 = arith.constant 28288 : i32
    %dma_start3A_141 = tpu.memref_slice %arg5[%dma_start3A_140] : memref<44928xi32, #tpu.memory_space<vmem>> -> memref<1664xi32, #tpu.memory_space<vmem>>
    %dma_start3A_142 = tpu.memref_slice %arg3[%add3A_139] : memref<1437696xi32, #tpu.memory_space<hbm>> -> memref<1664xi32, #tpu.memory_space<hbm>>
    %dma_start3A_143 = arith.constant 28288 : i32
    %dma_start3A_144 = tpu.memref_slice %arg5[%dma_start3A_143] : memref<44928xi32, #tpu.memory_space<vmem>> -> memref<1664xi32, #tpu.memory_space<vmem>>
    %dma_start3A_145 = tpu.memref_slice %arg3[%add3A_139] : memref<1437696xi32, #tpu.memory_space<hbm>> -> memref<1664xi32, #tpu.memory_space<hbm>>
    tpu.enqueue_dma source(%dma_start3A_145 : memref<1664xi32, #tpu.memory_space<hbm>>) target(%dma_start3A_144 : memref<1664xi32, #tpu.memory_space<vmem>>) target_semaphore(%arg8 : memref<!tpu.dma_semaphore, #tpu.memory_space<semaphore_mem>>)
    %add3A_146 = arith.constant 958464 : i32
    %add3A_147 = arith.addi %add3A_146, %mul3A_2 : i32
    %dma_start3A_148 = arith.constant 29952 : i32
    %dma_start3A_149 = tpu.memref_slice %arg5[%dma_start3A_148] : memref<44928xi32, #tpu.memory_space<vmem>> -> memref<1664xi32, #tpu.memory_space<vmem>>
    %dma_start3A_150 = tpu.memref_slice %arg3[%add3A_147] : memref<1437696xi32, #tpu.memory_space<hbm>> -> memref<1664xi32, #tpu.memory_space<hbm>>
    %dma_start3A_151 = arith.constant 29952 : i32
    %dma_start3A_152 = tpu.memref_slice %arg5[%dma_start3A_151] : memref<44928xi32, #tpu.memory_space<vmem>> -> memref<1664xi32, #tpu.memory_space<vmem>>
    %dma_start3A_153 = tpu.memref_slice %arg3[%add3A_147] : memref<1437696xi32, #tpu.memory_space<hbm>> -> memref<1664xi32, #tpu.memory_space<hbm>>
    tpu.enqueue_dma source(%dma_start3A_153 : memref<1664xi32, #tpu.memory_space<hbm>>) target(%dma_start3A_152 : memref<1664xi32, #tpu.memory_space<vmem>>) target_semaphore(%arg8 : memref<!tpu.dma_semaphore, #tpu.memory_space<semaphore_mem>>)
    %add3A_154 = arith.constant 1011712 : i32
    %add3A_155 = arith.addi %add3A_154, %mul3A_2 : i32
    %dma_start3A_156 = arith.constant 31616 : i32
    %dma_start3A_157 = tpu.memref_slice %arg5[%dma_start3A_156] : memref<44928xi32, #tpu.memory_space<vmem>> -> memref<1664xi32, #tpu.memory_space<vmem>>
    %dma_start3A_158 = tpu.memref_slice %arg3[%add3A_155] : memref<1437696xi32, #tpu.memory_space<hbm>> -> memref<1664xi32, #tpu.memory_space<hbm>>
    %dma_start3A_159 = arith.constant 31616 : i32
    %dma_start3A_160 = tpu.memref_slice %arg5[%dma_start3A_159] : memref<44928xi32, #tpu.memory_space<vmem>> -> memref<1664xi32, #tpu.memory_space<vmem>>
    %dma_start3A_161 = tpu.memref_slice %arg3[%add3A_155] : memref<1437696xi32, #tpu.memory_space<hbm>> -> memref<1664xi32, #tpu.memory_space<hbm>>
    tpu.enqueue_dma source(%dma_start3A_161 : memref<1664xi32, #tpu.memory_space<hbm>>) target(%dma_start3A_160 : memref<1664xi32, #tpu.memory_space<vmem>>) target_semaphore(%arg8 : memref<!tpu.dma_semaphore, #tpu.memory_space<semaphore_mem>>)
    %add3A_162 = arith.constant 1064960 : i32
    %add3A_163 = arith.addi %add3A_162, %mul3A_2 : i32
    %dma_start3A_164 = arith.constant 33280 : i32
    %dma_start3A_165 = tpu.memref_slice %arg5[%dma_start3A_164] : memref<44928xi32, #tpu.memory_space<vmem>> -> memref<1664xi32, #tpu.memory_space<vmem>>
    %dma_start3A_166 = tpu.memref_slice %arg3[%add3A_163] : memref<1437696xi32, #tpu.memory_space<hbm>> -> memref<1664xi32, #tpu.memory_space<hbm>>
    %dma_start3A_167 = arith.constant 33280 : i32
    %dma_start3A_168 = tpu.memref_slice %arg5[%dma_start3A_167] : memref<44928xi32, #tpu.memory_space<vmem>> -> memref<1664xi32, #tpu.memory_space<vmem>>
    %dma_start3A_169 = tpu.memref_slice %arg3[%add3A_163] : memref<1437696xi32, #tpu.memory_space<hbm>> -> memref<1664xi32, #tpu.memory_space<hbm>>
    tpu.enqueue_dma source(%dma_start3A_169 : memref<1664xi32, #tpu.memory_space<hbm>>) target(%dma_start3A_168 : memref<1664xi32, #tpu.memory_space<vmem>>) target_semaphore(%arg8 : memref<!tpu.dma_semaphore, #tpu.memory_space<semaphore_mem>>)
    %add3A_170 = arith.constant 1118208 : i32
    %add3A_171 = arith.addi %add3A_170, %mul3A_2 : i32
    %dma_start3A_172 = arith.constant 34944 : i32
    %dma_start3A_173 = tpu.memref_slice %arg5[%dma_start3A_172] : memref<44928xi32, #tpu.memory_space<vmem>> -> memref<1664xi32, #tpu.memory_space<vmem>>
    %dma_start3A_174 = tpu.memref_slice %arg3[%add3A_171] : memref<1437696xi32, #tpu.memory_space<hbm>> -> memref<1664xi32, #tpu.memory_space<hbm>>
    %dma_start3A_175 = arith.constant 34944 : i32
    %dma_start3A_176 = tpu.memref_slice %arg5[%dma_start3A_175] : memref<44928xi32, #tpu.memory_space<vmem>> -> memref<1664xi32, #tpu.memory_space<vmem>>
    %dma_start3A_177 = tpu.memref_slice %arg3[%add3A_171] : memref<1437696xi32, #tpu.memory_space<hbm>> -> memref<1664xi32, #tpu.memory_space<hbm>>
    tpu.enqueue_dma source(%dma_start3A_177 : memref<1664xi32, #tpu.memory_space<hbm>>) target(%dma_start3A_176 : memref<1664xi32, #tpu.memory_space<vmem>>) target_semaphore(%arg8 : memref<!tpu.dma_semaphore, #tpu.memory_space<semaphore_mem>>)
    %add3A_178 = arith.constant 1171456 : i32
    %add3A_179 = arith.addi %add3A_178, %mul3A_2 : i32
    %dma_start3A_180 = arith.constant 36608 : i32
    %dma_start3A_181 = tpu.memref_slice %arg5[%dma_start3A_180] : memref<44928xi32, #tpu.memory_space<vmem>> -> memref<1664xi32, #tpu.memory_space<vmem>>
    %dma_start3A_182 = tpu.memref_slice %arg3[%add3A_179] : memref<1437696xi32, #tpu.memory_space<hbm>> -> memref<1664xi32, #tpu.memory_space<hbm>>
    %dma_start3A_183 = arith.constant 36608 : i32
    %dma_start3A_184 = tpu.memref_slice %arg5[%dma_start3A_183] : memref<44928xi32, #tpu.memory_space<vmem>> -> memref<1664xi32, #tpu.memory_space<vmem>>
    %dma_start3A_185 = tpu.memref_slice %arg3[%add3A_179] : memref<1437696xi32, #tpu.memory_space<hbm>> -> memref<1664xi32, #tpu.memory_space<hbm>>
    tpu.enqueue_dma source(%dma_start3A_185 : memref<1664xi32, #tpu.memory_space<hbm>>) target(%dma_start3A_184 : memref<1664xi32, #tpu.memory_space<vmem>>) target_semaphore(%arg8 : memref<!tpu.dma_semaphore, #tpu.memory_space<semaphore_mem>>)
    %add3A_186 = arith.constant 1224704 : i32
    %add3A_187 = arith.addi %add3A_186, %mul3A_2 : i32
    %dma_start3A_188 = arith.constant 38272 : i32
    %dma_start3A_189 = tpu.memref_slice %arg5[%dma_start3A_188] : memref<44928xi32, #tpu.memory_space<vmem>> -> memref<1664xi32, #tpu.memory_space<vmem>>
    %dma_start3A_190 = tpu.memref_slice %arg3[%add3A_187] : memref<1437696xi32, #tpu.memory_space<hbm>> -> memref<1664xi32, #tpu.memory_space<hbm>>
    %dma_start3A_191 = arith.constant 38272 : i32
    %dma_start3A_192 = tpu.memref_slice %arg5[%dma_start3A_191] : memref<44928xi32, #tpu.memory_space<vmem>> -> memref<1664xi32, #tpu.memory_space<vmem>>
    %dma_start3A_193 = tpu.memref_slice %arg3[%add3A_187] : memref<1437696xi32, #tpu.memory_space<hbm>> -> memref<1664xi32, #tpu.memory_space<hbm>>
    tpu.enqueue_dma source(%dma_start3A_193 : memref<1664xi32, #tpu.memory_space<hbm>>) target(%dma_start3A_192 : memref<1664xi32, #tpu.memory_space<vmem>>) target_semaphore(%arg8 : memref<!tpu.dma_semaphore, #tpu.memory_space<semaphore_mem>>)
    %add3A_194 = arith.constant 1277952 : i32
    %add3A_195 = arith.addi %add3A_194, %mul3A_2 : i32
    %dma_start3A_196 = arith.constant 39936 : i32
    %dma_start3A_197 = tpu.memref_slice %arg5[%dma_start3A_196] : memref<44928xi32, #tpu.memory_space<vmem>> -> memref<1664xi32, #tpu.memory_space<vmem>>
    %dma_start3A_198 = tpu.memref_slice %arg3[%add3A_195] : memref<1437696xi32, #tpu.memory_space<hbm>> -> memref<1664xi32, #tpu.memory_space<hbm>>
    %dma_start3A_199 = arith.constant 39936 : i32
    %dma_start3A_200 = tpu.memref_slice %arg5[%dma_start3A_199] : memref<44928xi32, #tpu.memory_space<vmem>> -> memref<1664xi32, #tpu.memory_space<vmem>>
    %dma_start3A_201 = tpu.memref_slice %arg3[%add3A_195] : memref<1437696xi32, #tpu.memory_space<hbm>> -> memref<1664xi32, #tpu.memory_space<hbm>>
    tpu.enqueue_dma source(%dma_start3A_201 : memref<1664xi32, #tpu.memory_space<hbm>>) target(%dma_start3A_200 : memref<1664xi32, #tpu.memory_space<vmem>>) target_semaphore(%arg8 : memref<!tpu.dma_semaphore, #tpu.memory_space<semaphore_mem>>)
    %add3A_202 = arith.constant 1331200 : i32
    %add3A_203 = arith.addi %add3A_202, %mul3A_2 : i32
    %dma_start3A_204 = arith.constant 41600 : i32
    %dma_start3A_205 = tpu.memref_slice %arg5[%dma_start3A_204] : memref<44928xi32, #tpu.memory_space<vmem>> -> memref<1664xi32, #tpu.memory_space<vmem>>
    %dma_start3A_206 = tpu.memref_slice %arg3[%add3A_203] : memref<1437696xi32, #tpu.memory_space<hbm>> -> memref<1664xi32, #tpu.memory_space<hbm>>
    %dma_start3A_207 = arith.constant 41600 : i32
    %dma_start3A_208 = tpu.memref_slice %arg5[%dma_start3A_207] : memref<44928xi32, #tpu.memory_space<vmem>> -> memref<1664xi32, #tpu.memory_space<vmem>>
    %dma_start3A_209 = tpu.memref_slice %arg3[%add3A_203] : memref<1437696xi32, #tpu.memory_space<hbm>> -> memref<1664xi32, #tpu.memory_space<hbm>>
    tpu.enqueue_dma source(%dma_start3A_209 : memref<1664xi32, #tpu.memory_space<hbm>>) target(%dma_start3A_208 : memref<1664xi32, #tpu.memory_space<vmem>>) target_semaphore(%arg8 : memref<!tpu.dma_semaphore, #tpu.memory_space<semaphore_mem>>)
    %add3A_210 = arith.constant 1384448 : i32
    %add3A_211 = arith.addi %add3A_210, %mul3A_2 : i32
    %dma_start3A_212 = arith.constant 43264 : i32
    %dma_start3A_213 = tpu.memref_slice %arg5[%dma_start3A_212] : memref<44928xi32, #tpu.memory_space<vmem>> -> memref<1664xi32, #tpu.memory_space<vmem>>
    %dma_start3A_214 = tpu.memref_slice %arg3[%add3A_211] : memref<1437696xi32, #tpu.memory_space<hbm>> -> memref<1664xi32, #tpu.memory_space<hbm>>
    %dma_start3A_215 = arith.constant 43264 : i32
    %dma_start3A_216 = tpu.memref_slice %arg5[%dma_start3A_215] : memref<44928xi32, #tpu.memory_space<vmem>> -> memref<1664xi32, #tpu.memory_space<vmem>>
    %dma_start3A_217 = tpu.memref_slice %arg3[%add3A_211] : memref<1437696xi32, #tpu.memory_space<hbm>> -> memref<1664xi32, #tpu.memory_space<hbm>>
    tpu.enqueue_dma source(%dma_start3A_217 : memref<1664xi32, #tpu.memory_space<hbm>>) target(%dma_start3A_216 : memref<1664xi32, #tpu.memory_space<vmem>>) target_semaphore(%arg8 : memref<!tpu.dma_semaphore, #tpu.memory_space<semaphore_mem>>)
    %broadcast_in_dim3A = arith.constant 0.000000e+00 : f32
    %broadcast_in_dim3A_218 = vector.broadcast %broadcast_in_dim3A : f32 to vector<16xf32>
    %scan3A = arith.constant 0 : i32
    %scan3A_219 = arith.constant 0 : i32
    %scan3A_220 = arith.constant 1664 : i32
    %scan3A_221 = arith.addi %scan3A_219, %scan3A_220 : i32
    %scan3A_222 = arith.constant 1 : i32
    scf.for %scan3A_811 = %scan3A_219 to %scan3A_221 step %scan3A_222  : i32 {
      %swap3A = arith.index_cast %scan3A_811 : i32 to index
      %swap3A_812 = arith.constant 0 : index
      %swap3A_813 = tpu.vector_load %arg6[%swap3A, %swap3A_812] {strides = array<i32>} : memref<1664x32xf32, #tpu.memory_space<vmem>>, vector<1x16xf32>,
      %swap3A_814 = vector.shape_cast %swap3A_813 : vector<1x16xf32> to vector<16xf32>
      %swap3A_815 = vector.shape_cast %broadcast_in_dim3A_218 : vector<16xf32> to vector<1x16xf32>
      tpu.vector_store %arg6[%swap3A, %swap3A_812], %swap3A_815 {strides = array<i32>} : memref<1664x32xf32, #tpu.memory_space<vmem>>, vector<1x16xf32>,
      %swap3A_816 = arith.index_cast %scan3A_811 : i32 to index
      %swap3A_817 = arith.constant 16 : index
      %swap3A_818 = tpu.vector_load %arg6[%swap3A_816, %swap3A_817] {strides = array<i32>} : memref<1664x32xf32, #tpu.memory_space<vmem>>, vector<1x16xf32>,
      %swap3A_819 = vector.shape_cast %swap3A_818 : vector<1x16xf32> to vector<16xf32>
      %swap3A_820 = vector.shape_cast %broadcast_in_dim3A_218 : vector<16xf32> to vector<1x16xf32>
      tpu.vector_store %arg6[%swap3A_816, %swap3A_817], %swap3A_820 {strides = array<i32>} : memref<1664x32xf32, #tpu.memory_space<vmem>>, vector<1x16xf32>,
    }
    %scan3A_223 = arith.constant 1664 : i32
    %dma_wait3A = arith.constant 0 : i32
    %dma_wait3A_224 = tpu.memref_slice %arg5[%dma_wait3A] : memref<44928xi32, #tpu.memory_space<vmem>> -> memref<1664xi32, #tpu.memory_space<vmem>>
    %dma_wait3A_225 = tpu.memref_slice %arg3[%add3A_4] : memref<1437696xi32, #tpu.memory_space<hbm>> -> memref<1664xi32, #tpu.memory_space<hbm>>
    %dma_wait3A_226 = arith.constant 0 : i32
    %dma_wait3A_227 = tpu.memref_slice %arg5[%dma_wait3A_226] : memref<44928xi32, #tpu.memory_space<vmem>> -> memref<1664xi32, #tpu.memory_space<vmem>>
    %dma_wait3A_228 = tpu.memref_slice %arg3[%add3A_4] : memref<1437696xi32, #tpu.memory_space<hbm>> -> memref<1664xi32, #tpu.memory_space<hbm>>
    tpu.wait_dma2 semaphore(%arg8 : memref<!tpu.dma_semaphore, #tpu.memory_space<semaphore_mem>>) src(%dma_wait3A_228 : memref<1664xi32, #tpu.memory_space<hbm>>) dst(%dma_wait3A_227 : memref<1664xi32, #tpu.memory_space<vmem>>)
    %dma_wait3A_229 = arith.constant 1664 : i32
    %dma_wait3A_230 = tpu.memref_slice %arg5[%dma_wait3A_229] : memref<44928xi32, #tpu.memory_space<vmem>> -> memref<1664xi32, #tpu.memory_space<vmem>>
    %dma_wait3A_231 = tpu.memref_slice %arg3[%add3A_11] : memref<1437696xi32, #tpu.memory_space<hbm>> -> memref<1664xi32, #tpu.memory_space<hbm>>
    %dma_wait3A_232 = arith.constant 1664 : i32
    %dma_wait3A_233 = tpu.memref_slice %arg5[%dma_wait3A_232] : memref<44928xi32, #tpu.memory_space<vmem>> -> memref<1664xi32, #tpu.memory_space<vmem>>
    %dma_wait3A_234 = tpu.memref_slice %arg3[%add3A_11] : memref<1437696xi32, #tpu.memory_space<hbm>> -> memref<1664xi32, #tpu.memory_space<hbm>>
    tpu.wait_dma2 semaphore(%arg8 : memref<!tpu.dma_semaphore, #tpu.memory_space<semaphore_mem>>) src(%dma_wait3A_234 : memref<1664xi32, #tpu.memory_space<hbm>>) dst(%dma_wait3A_233 : memref<1664xi32, #tpu.memory_space<vmem>>)
    %dma_wait3A_235 = arith.constant 3328 : i32
    %dma_wait3A_236 = tpu.memref_slice %arg5[%dma_wait3A_235] : memref<44928xi32, #tpu.memory_space<vmem>> -> memref<1664xi32, #tpu.memory_space<vmem>>
    %dma_wait3A_237 = tpu.memref_slice %arg3[%add3A_19] : memref<1437696xi32, #tpu.memory_space<hbm>> -> memref<1664xi32, #tpu.memory_space<hbm>>
    %dma_wait3A_238 = arith.constant 3328 : i32
    %dma_wait3A_239 = tpu.memref_slice %arg5[%dma_wait3A_238] : memref<44928xi32, #tpu.memory_space<vmem>> -> memref<1664xi32, #tpu.memory_space<vmem>>
    %dma_wait3A_240 = tpu.memref_slice %arg3[%add3A_19] : memref<1437696xi32, #tpu.memory_space<hbm>> -> memref<1664xi32, #tpu.memory_space<hbm>>
    tpu.wait_dma2 semaphore(%arg8 : memref<!tpu.dma_semaphore, #tpu.memory_space<semaphore_mem>>) src(%dma_wait3A_240 : memref<1664xi32, #tpu.memory_space<hbm>>) dst(%dma_wait3A_239 : memref<1664xi32, #tpu.memory_space<vmem>>)
    %dma_wait3A_241 = arith.constant 4992 : i32
    %dma_wait3A_242 = tpu.memref_slice %arg5[%dma_wait3A_241] : memref<44928xi32, #tpu.memory_space<vmem>> -> memref<1664xi32, #tpu.memory_space<vmem>>
    %dma_wait3A_243 = tpu.memref_slice %arg3[%add3A_27] : memref<1437696xi32, #tpu.memory_space<hbm>> -> memref<1664xi32, #tpu.memory_space<hbm>>
    %dma_wait3A_244 = arith.constant 4992 : i32
    %dma_wait3A_245 = tpu.memref_slice %arg5[%dma_wait3A_244] : memref<44928xi32, #tpu.memory_space<vmem>> -> memref<1664xi32, #tpu.memory_space<vmem>>
    %dma_wait3A_246 = tpu.memref_slice %arg3[%add3A_27] : memref<1437696xi32, #tpu.memory_space<hbm>> -> memref<1664xi32, #tpu.memory_space<hbm>>
    tpu.wait_dma2 semaphore(%arg8 : memref<!tpu.dma_semaphore, #tpu.memory_space<semaphore_mem>>) src(%dma_wait3A_246 : memref<1664xi32, #tpu.memory_space<hbm>>) dst(%dma_wait3A_245 : memref<1664xi32, #tpu.memory_space<vmem>>)
    %dma_wait3A_247 = arith.constant 6656 : i32
    %dma_wait3A_248 = tpu.memref_slice %arg5[%dma_wait3A_247] : memref<44928xi32, #tpu.memory_space<vmem>> -> memref<1664xi32, #tpu.memory_space<vmem>>
    %dma_wait3A_249 = tpu.memref_slice %arg3[%add3A_35] : memref<1437696xi32, #tpu.memory_space<hbm>> -> memref<1664xi32, #tpu.memory_space<hbm>>
    %dma_wait3A_250 = arith.constant 6656 : i32
    %dma_wait3A_251 = tpu.memref_slice %arg5[%dma_wait3A_250] : memref<44928xi32, #tpu.memory_space<vmem>> -> memref<1664xi32, #tpu.memory_space<vmem>>
    %dma_wait3A_252 = tpu.memref_slice %arg3[%add3A_35] : memref<1437696xi32, #tpu.memory_space<hbm>> -> memref<1664xi32, #tpu.memory_space<hbm>>
    tpu.wait_dma2 semaphore(%arg8 : memref<!tpu.dma_semaphore, #tpu.memory_space<semaphore_mem>>) src(%dma_wait3A_252 : memref<1664xi32, #tpu.memory_space<hbm>>) dst(%dma_wait3A_251 : memref<1664xi32, #tpu.memory_space<vmem>>)
    %dma_wait3A_253 = arith.constant 8320 : i32
    %dma_wait3A_254 = tpu.memref_slice %arg5[%dma_wait3A_253] : memref<44928xi32, #tpu.memory_space<vmem>> -> memref<1664xi32, #tpu.memory_space<vmem>>
    %dma_wait3A_255 = tpu.memref_slice %arg3[%add3A_43] : memref<1437696xi32, #tpu.memory_space<hbm>> -> memref<1664xi32, #tpu.memory_space<hbm>>
    %dma_wait3A_256 = arith.constant 8320 : i32
    %dma_wait3A_257 = tpu.memref_slice %arg5[%dma_wait3A_256] : memref<44928xi32, #tpu.memory_space<vmem>> -> memref<1664xi32, #tpu.memory_space<vmem>>
    %dma_wait3A_258 = tpu.memref_slice %arg3[%add3A_43] : memref<1437696xi32, #tpu.memory_space<hbm>> -> memref<1664xi32, #tpu.memory_space<hbm>>
    tpu.wait_dma2 semaphore(%arg8 : memref<!tpu.dma_semaphore, #tpu.memory_space<semaphore_mem>>) src(%dma_wait3A_258 : memref<1664xi32, #tpu.memory_space<hbm>>) dst(%dma_wait3A_257 : memref<1664xi32, #tpu.memory_space<vmem>>)
    %dma_wait3A_259 = arith.constant 9984 : i32
    %dma_wait3A_260 = tpu.memref_slice %arg5[%dma_wait3A_259] : memref<44928xi32, #tpu.memory_space<vmem>> -> memref<1664xi32, #tpu.memory_space<vmem>>
    %dma_wait3A_261 = tpu.memref_slice %arg3[%add3A_51] : memref<1437696xi32, #tpu.memory_space<hbm>> -> memref<1664xi32, #tpu.memory_space<hbm>>
    %dma_wait3A_262 = arith.constant 9984 : i32
    %dma_wait3A_263 = tpu.memref_slice %arg5[%dma_wait3A_262] : memref<44928xi32, #tpu.memory_space<vmem>> -> memref<1664xi32, #tpu.memory_space<vmem>>
    %dma_wait3A_264 = tpu.memref_slice %arg3[%add3A_51] : memref<1437696xi32, #tpu.memory_space<hbm>> -> memref<1664xi32, #tpu.memory_space<hbm>>
    tpu.wait_dma2 semaphore(%arg8 : memref<!tpu.dma_semaphore, #tpu.memory_space<semaphore_mem>>) src(%dma_wait3A_264 : memref<1664xi32, #tpu.memory_space<hbm>>) dst(%dma_wait3A_263 : memref<1664xi32, #tpu.memory_space<vmem>>)
    %dma_wait3A_265 = arith.constant 11648 : i32
    %dma_wait3A_266 = tpu.memref_slice %arg5[%dma_wait3A_265] : memref<44928xi32, #tpu.memory_space<vmem>> -> memref<1664xi32, #tpu.memory_space<vmem>>
    %dma_wait3A_267 = tpu.memref_slice %arg3[%add3A_59] : memref<1437696xi32, #tpu.memory_space<hbm>> -> memref<1664xi32, #tpu.memory_space<hbm>>
    %dma_wait3A_268 = arith.constant 11648 : i32
    %dma_wait3A_269 = tpu.memref_slice %arg5[%dma_wait3A_268] : memref<44928xi32, #tpu.memory_space<vmem>> -> memref<1664xi32, #tpu.memory_space<vmem>>
    %dma_wait3A_270 = tpu.memref_slice %arg3[%add3A_59] : memref<1437696xi32, #tpu.memory_space<hbm>> -> memref<1664xi32, #tpu.memory_space<hbm>>
    tpu.wait_dma2 semaphore(%arg8 : memref<!tpu.dma_semaphore, #tpu.memory_space<semaphore_mem>>) src(%dma_wait3A_270 : memref<1664xi32, #tpu.memory_space<hbm>>) dst(%dma_wait3A_269 : memref<1664xi32, #tpu.memory_space<vmem>>)
    %dma_wait3A_271 = arith.constant 13312 : i32
    %dma_wait3A_272 = tpu.memref_slice %arg5[%dma_wait3A_271] : memref<44928xi32, #tpu.memory_space<vmem>> -> memref<1664xi32, #tpu.memory_space<vmem>>
    %dma_wait3A_273 = tpu.memref_slice %arg3[%add3A_67] : memref<1437696xi32, #tpu.memory_space<hbm>> -> memref<1664xi32, #tpu.memory_space<hbm>>
    %dma_wait3A_274 = arith.constant 13312 : i32
    %dma_wait3A_275 = tpu.memref_slice %arg5[%dma_wait3A_274] : memref<44928xi32, #tpu.memory_space<vmem>> -> memref<1664xi32, #tpu.memory_space<vmem>>
    %dma_wait3A_276 = tpu.memref_slice %arg3[%add3A_67] : memref<1437696xi32, #tpu.memory_space<hbm>> -> memref<1664xi32, #tpu.memory_space<hbm>>
    tpu.wait_dma2 semaphore(%arg8 : memref<!tpu.dma_semaphore, #tpu.memory_space<semaphore_mem>>) src(%dma_wait3A_276 : memref<1664xi32, #tpu.memory_space<hbm>>) dst(%dma_wait3A_275 : memref<1664xi32, #tpu.memory_space<vmem>>)
    %dma_wait3A_277 = arith.constant 14976 : i32
    %dma_wait3A_278 = tpu.memref_slice %arg5[%dma_wait3A_277] : memref<44928xi32, #tpu.memory_space<vmem>> -> memref<1664xi32, #tpu.memory_space<vmem>>
    %dma_wait3A_279 = tpu.memref_slice %arg3[%add3A_75] : memref<1437696xi32, #tpu.memory_space<hbm>> -> memref<1664xi32, #tpu.memory_space<hbm>>
    %dma_wait3A_280 = arith.constant 14976 : i32
    %dma_wait3A_281 = tpu.memref_slice %arg5[%dma_wait3A_280] : memref<44928xi32, #tpu.memory_space<vmem>> -> memref<1664xi32, #tpu.memory_space<vmem>>
    %dma_wait3A_282 = tpu.memref_slice %arg3[%add3A_75] : memref<1437696xi32, #tpu.memory_space<hbm>> -> memref<1664xi32, #tpu.memory_space<hbm>>
    tpu.wait_dma2 semaphore(%arg8 : memref<!tpu.dma_semaphore, #tpu.memory_space<semaphore_mem>>) src(%dma_wait3A_282 : memref<1664xi32, #tpu.memory_space<hbm>>) dst(%dma_wait3A_281 : memref<1664xi32, #tpu.memory_space<vmem>>)
    %dma_wait3A_283 = arith.constant 16640 : i32
    %dma_wait3A_284 = tpu.memref_slice %arg5[%dma_wait3A_283] : memref<44928xi32, #tpu.memory_space<vmem>> -> memref<1664xi32, #tpu.memory_space<vmem>>
    %dma_wait3A_285 = tpu.memref_slice %arg3[%add3A_83] : memref<1437696xi32, #tpu.memory_space<hbm>> -> memref<1664xi32, #tpu.memory_space<hbm>>
    %dma_wait3A_286 = arith.constant 16640 : i32
    %dma_wait3A_287 = tpu.memref_slice %arg5[%dma_wait3A_286] : memref<44928xi32, #tpu.memory_space<vmem>> -> memref<1664xi32, #tpu.memory_space<vmem>>
    %dma_wait3A_288 = tpu.memref_slice %arg3[%add3A_83] : memref<1437696xi32, #tpu.memory_space<hbm>> -> memref<1664xi32, #tpu.memory_space<hbm>>
    tpu.wait_dma2 semaphore(%arg8 : memref<!tpu.dma_semaphore, #tpu.memory_space<semaphore_mem>>) src(%dma_wait3A_288 : memref<1664xi32, #tpu.memory_space<hbm>>) dst(%dma_wait3A_287 : memref<1664xi32, #tpu.memory_space<vmem>>)
    %dma_wait3A_289 = arith.constant 18304 : i32
    %dma_wait3A_290 = tpu.memref_slice %arg5[%dma_wait3A_289] : memref<44928xi32, #tpu.memory_space<vmem>> -> memref<1664xi32, #tpu.memory_space<vmem>>
    %dma_wait3A_291 = tpu.memref_slice %arg3[%add3A_91] : memref<1437696xi32, #tpu.memory_space<hbm>> -> memref<1664xi32, #tpu.memory_space<hbm>>
    %dma_wait3A_292 = arith.constant 18304 : i32
    %dma_wait3A_293 = tpu.memref_slice %arg5[%dma_wait3A_292] : memref<44928xi32, #tpu.memory_space<vmem>> -> memref<1664xi32, #tpu.memory_space<vmem>>
    %dma_wait3A_294 = tpu.memref_slice %arg3[%add3A_91] : memref<1437696xi32, #tpu.memory_space<hbm>> -> memref<1664xi32, #tpu.memory_space<hbm>>
    tpu.wait_dma2 semaphore(%arg8 : memref<!tpu.dma_semaphore, #tpu.memory_space<semaphore_mem>>) src(%dma_wait3A_294 : memref<1664xi32, #tpu.memory_space<hbm>>) dst(%dma_wait3A_293 : memref<1664xi32, #tpu.memory_space<vmem>>)
    %dma_wait3A_295 = arith.constant 19968 : i32
    %dma_wait3A_296 = tpu.memref_slice %arg5[%dma_wait3A_295] : memref<44928xi32, #tpu.memory_space<vmem>> -> memref<1664xi32, #tpu.memory_space<vmem>>
    %dma_wait3A_297 = tpu.memref_slice %arg3[%add3A_99] : memref<1437696xi32, #tpu.memory_space<hbm>> -> memref<1664xi32, #tpu.memory_space<hbm>>
    %dma_wait3A_298 = arith.constant 19968 : i32
    %dma_wait3A_299 = tpu.memref_slice %arg5[%dma_wait3A_298] : memref<44928xi32, #tpu.memory_space<vmem>> -> memref<1664xi32, #tpu.memory_space<vmem>>
    %dma_wait3A_300 = tpu.memref_slice %arg3[%add3A_99] : memref<1437696xi32, #tpu.memory_space<hbm>> -> memref<1664xi32, #tpu.memory_space<hbm>>
    tpu.wait_dma2 semaphore(%arg8 : memref<!tpu.dma_semaphore, #tpu.memory_space<semaphore_mem>>) src(%dma_wait3A_300 : memref<1664xi32, #tpu.memory_space<hbm>>) dst(%dma_wait3A_299 : memref<1664xi32, #tpu.memory_space<vmem>>)
    %dma_wait3A_301 = arith.constant 21632 : i32
    %dma_wait3A_302 = tpu.memref_slice %arg5[%dma_wait3A_301] : memref<44928xi32, #tpu.memory_space<vmem>> -> memref<1664xi32, #tpu.memory_space<vmem>>
    %dma_wait3A_303 = tpu.memref_slice %arg3[%add3A_107] : memref<1437696xi32, #tpu.memory_space<hbm>> -> memref<1664xi32, #tpu.memory_space<hbm>>
    %dma_wait3A_304 = arith.constant 21632 : i32
    %dma_wait3A_305 = tpu.memref_slice %arg5[%dma_wait3A_304] : memref<44928xi32, #tpu.memory_space<vmem>> -> memref<1664xi32, #tpu.memory_space<vmem>>
    %dma_wait3A_306 = tpu.memref_slice %arg3[%add3A_107] : memref<1437696xi32, #tpu.memory_space<hbm>> -> memref<1664xi32, #tpu.memory_space<hbm>>
    tpu.wait_dma2 semaphore(%arg8 : memref<!tpu.dma_semaphore, #tpu.memory_space<semaphore_mem>>) src(%dma_wait3A_306 : memref<1664xi32, #tpu.memory_space<hbm>>) dst(%dma_wait3A_305 : memref<1664xi32, #tpu.memory_space<vmem>>)
    %dma_wait3A_307 = arith.constant 23296 : i32
    %dma_wait3A_308 = tpu.memref_slice %arg5[%dma_wait3A_307] : memref<44928xi32, #tpu.memory_space<vmem>> -> memref<1664xi32, #tpu.memory_space<vmem>>
    %dma_wait3A_309 = tpu.memref_slice %arg3[%add3A_115] : memref<1437696xi32, #tpu.memory_space<hbm>> -> memref<1664xi32, #tpu.memory_space<hbm>>
    %dma_wait3A_310 = arith.constant 23296 : i32
    %dma_wait3A_311 = tpu.memref_slice %arg5[%dma_wait3A_310] : memref<44928xi32, #tpu.memory_space<vmem>> -> memref<1664xi32, #tpu.memory_space<vmem>>
    %dma_wait3A_312 = tpu.memref_slice %arg3[%add3A_115] : memref<1437696xi32, #tpu.memory_space<hbm>> -> memref<1664xi32, #tpu.memory_space<hbm>>
    tpu.wait_dma2 semaphore(%arg8 : memref<!tpu.dma_semaphore, #tpu.memory_space<semaphore_mem>>) src(%dma_wait3A_312 : memref<1664xi32, #tpu.memory_space<hbm>>) dst(%dma_wait3A_311 : memref<1664xi32, #tpu.memory_space<vmem>>)
    %dma_wait3A_313 = arith.constant 24960 : i32
    %dma_wait3A_314 = tpu.memref_slice %arg5[%dma_wait3A_313] : memref<44928xi32, #tpu.memory_space<vmem>> -> memref<1664xi32, #tpu.memory_space<vmem>>
    %dma_wait3A_315 = tpu.memref_slice %arg3[%add3A_123] : memref<1437696xi32, #tpu.memory_space<hbm>> -> memref<1664xi32, #tpu.memory_space<hbm>>
    %dma_wait3A_316 = arith.constant 24960 : i32
    %dma_wait3A_317 = tpu.memref_slice %arg5[%dma_wait3A_316] : memref<44928xi32, #tpu.memory_space<vmem>> -> memref<1664xi32, #tpu.memory_space<vmem>>
    %dma_wait3A_318 = tpu.memref_slice %arg3[%add3A_123] : memref<1437696xi32, #tpu.memory_space<hbm>> -> memref<1664xi32, #tpu.memory_space<hbm>>
    tpu.wait_dma2 semaphore(%arg8 : memref<!tpu.dma_semaphore, #tpu.memory_space<semaphore_mem>>) src(%dma_wait3A_318 : memref<1664xi32, #tpu.memory_space<hbm>>) dst(%dma_wait3A_317 : memref<1664xi32, #tpu.memory_space<vmem>>)
    %dma_wait3A_319 = arith.constant 26624 : i32
    %dma_wait3A_320 = tpu.memref_slice %arg5[%dma_wait3A_319] : memref<44928xi32, #tpu.memory_space<vmem>> -> memref<1664xi32, #tpu.memory_space<vmem>>
    %dma_wait3A_321 = tpu.memref_slice %arg3[%add3A_131] : memref<1437696xi32, #tpu.memory_space<hbm>> -> memref<1664xi32, #tpu.memory_space<hbm>>
    %dma_wait3A_322 = arith.constant 26624 : i32
    %dma_wait3A_323 = tpu.memref_slice %arg5[%dma_wait3A_322] : memref<44928xi32, #tpu.memory_space<vmem>> -> memref<1664xi32, #tpu.memory_space<vmem>>
    %dma_wait3A_324 = tpu.memref_slice %arg3[%add3A_131] : memref<1437696xi32, #tpu.memory_space<hbm>> -> memref<1664xi32, #tpu.memory_space<hbm>>
    tpu.wait_dma2 semaphore(%arg8 : memref<!tpu.dma_semaphore, #tpu.memory_space<semaphore_mem>>) src(%dma_wait3A_324 : memref<1664xi32, #tpu.memory_space<hbm>>) dst(%dma_wait3A_323 : memref<1664xi32, #tpu.memory_space<vmem>>)
    %dma_wait3A_325 = arith.constant 28288 : i32
    %dma_wait3A_326 = tpu.memref_slice %arg5[%dma_wait3A_325] : memref<44928xi32, #tpu.memory_space<vmem>> -> memref<1664xi32, #tpu.memory_space<vmem>>
    %dma_wait3A_327 = tpu.memref_slice %arg3[%add3A_139] : memref<1437696xi32, #tpu.memory_space<hbm>> -> memref<1664xi32, #tpu.memory_space<hbm>>
    %dma_wait3A_328 = arith.constant 28288 : i32
    %dma_wait3A_329 = tpu.memref_slice %arg5[%dma_wait3A_328] : memref<44928xi32, #tpu.memory_space<vmem>> -> memref<1664xi32, #tpu.memory_space<vmem>>
    %dma_wait3A_330 = tpu.memref_slice %arg3[%add3A_139] : memref<1437696xi32, #tpu.memory_space<hbm>> -> memref<1664xi32, #tpu.memory_space<hbm>>
    tpu.wait_dma2 semaphore(%arg8 : memref<!tpu.dma_semaphore, #tpu.memory_space<semaphore_mem>>) src(%dma_wait3A_330 : memref<1664xi32, #tpu.memory_space<hbm>>) dst(%dma_wait3A_329 : memref<1664xi32, #tpu.memory_space<vmem>>)
    %dma_wait3A_331 = arith.constant 29952 : i32
    %dma_wait3A_332 = tpu.memref_slice %arg5[%dma_wait3A_331] : memref<44928xi32, #tpu.memory_space<vmem>> -> memref<1664xi32, #tpu.memory_space<vmem>>
    %dma_wait3A_333 = tpu.memref_slice %arg3[%add3A_147] : memref<1437696xi32, #tpu.memory_space<hbm>> -> memref<1664xi32, #tpu.memory_space<hbm>>
    %dma_wait3A_334 = arith.constant 29952 : i32
    %dma_wait3A_335 = tpu.memref_slice %arg5[%dma_wait3A_334] : memref<44928xi32, #tpu.memory_space<vmem>> -> memref<1664xi32, #tpu.memory_space<vmem>>
    %dma_wait3A_336 = tpu.memref_slice %arg3[%add3A_147] : memref<1437696xi32, #tpu.memory_space<hbm>> -> memref<1664xi32, #tpu.memory_space<hbm>>
    tpu.wait_dma2 semaphore(%arg8 : memref<!tpu.dma_semaphore, #tpu.memory_space<semaphore_mem>>) src(%dma_wait3A_336 : memref<1664xi32, #tpu.memory_space<hbm>>) dst(%dma_wait3A_335 : memref<1664xi32, #tpu.memory_space<vmem>>)
    %dma_wait3A_337 = arith.constant 31616 : i32
    %dma_wait3A_338 = tpu.memref_slice %arg5[%dma_wait3A_337] : memref<44928xi32, #tpu.memory_space<vmem>> -> memref<1664xi32, #tpu.memory_space<vmem>>
    %dma_wait3A_339 = tpu.memref_slice %arg3[%add3A_155] : memref<1437696xi32, #tpu.memory_space<hbm>> -> memref<1664xi32, #tpu.memory_space<hbm>>
    %dma_wait3A_340 = arith.constant 31616 : i32
    %dma_wait3A_341 = tpu.memref_slice %arg5[%dma_wait3A_340] : memref<44928xi32, #tpu.memory_space<vmem>> -> memref<1664xi32, #tpu.memory_space<vmem>>
    %dma_wait3A_342 = tpu.memref_slice %arg3[%add3A_155] : memref<1437696xi32, #tpu.memory_space<hbm>> -> memref<1664xi32, #tpu.memory_space<hbm>>
    tpu.wait_dma2 semaphore(%arg8 : memref<!tpu.dma_semaphore, #tpu.memory_space<semaphore_mem>>) src(%dma_wait3A_342 : memref<1664xi32, #tpu.memory_space<hbm>>) dst(%dma_wait3A_341 : memref<1664xi32, #tpu.memory_space<vmem>>)
    %dma_wait3A_343 = arith.constant 33280 : i32
    %dma_wait3A_344 = tpu.memref_slice %arg5[%dma_wait3A_343] : memref<44928xi32, #tpu.memory_space<vmem>> -> memref<1664xi32, #tpu.memory_space<vmem>>
    %dma_wait3A_345 = tpu.memref_slice %arg3[%add3A_163] : memref<1437696xi32, #tpu.memory_space<hbm>> -> memref<1664xi32, #tpu.memory_space<hbm>>
    %dma_wait3A_346 = arith.constant 33280 : i32
    %dma_wait3A_347 = tpu.memref_slice %arg5[%dma_wait3A_346] : memref<44928xi32, #tpu.memory_space<vmem>> -> memref<1664xi32, #tpu.memory_space<vmem>>
    %dma_wait3A_348 = tpu.memref_slice %arg3[%add3A_163] : memref<1437696xi32, #tpu.memory_space<hbm>> -> memref<1664xi32, #tpu.memory_space<hbm>>
    tpu.wait_dma2 semaphore(%arg8 : memref<!tpu.dma_semaphore, #tpu.memory_space<semaphore_mem>>) src(%dma_wait3A_348 : memref<1664xi32, #tpu.memory_space<hbm>>) dst(%dma_wait3A_347 : memref<1664xi32, #tpu.memory_space<vmem>>)
    %dma_wait3A_349 = arith.constant 34944 : i32
    %dma_wait3A_350 = tpu.memref_slice %arg5[%dma_wait3A_349] : memref<44928xi32, #tpu.memory_space<vmem>> -> memref<1664xi32, #tpu.memory_space<vmem>>
    %dma_wait3A_351 = tpu.memref_slice %arg3[%add3A_171] : memref<1437696xi32, #tpu.memory_space<hbm>> -> memref<1664xi32, #tpu.memory_space<hbm>>
    %dma_wait3A_352 = arith.constant 34944 : i32
    %dma_wait3A_353 = tpu.memref_slice %arg5[%dma_wait3A_352] : memref<44928xi32, #tpu.memory_space<vmem>> -> memref<1664xi32, #tpu.memory_space<vmem>>
    %dma_wait3A_354 = tpu.memref_slice %arg3[%add3A_171] : memref<1437696xi32, #tpu.memory_space<hbm>> -> memref<1664xi32, #tpu.memory_space<hbm>>
    tpu.wait_dma2 semaphore(%arg8 : memref<!tpu.dma_semaphore, #tpu.memory_space<semaphore_mem>>) src(%dma_wait3A_354 : memref<1664xi32, #tpu.memory_space<hbm>>) dst(%dma_wait3A_353 : memref<1664xi32, #tpu.memory_space<vmem>>)
    %dma_wait3A_355 = arith.constant 36608 : i32
    %dma_wait3A_356 = tpu.memref_slice %arg5[%dma_wait3A_355] : memref<44928xi32, #tpu.memory_space<vmem>> -> memref<1664xi32, #tpu.memory_space<vmem>>
    %dma_wait3A_357 = tpu.memref_slice %arg3[%add3A_179] : memref<1437696xi32, #tpu.memory_space<hbm>> -> memref<1664xi32, #tpu.memory_space<hbm>>
    %dma_wait3A_358 = arith.constant 36608 : i32
    %dma_wait3A_359 = tpu.memref_slice %arg5[%dma_wait3A_358] : memref<44928xi32, #tpu.memory_space<vmem>> -> memref<1664xi32, #tpu.memory_space<vmem>>
    %dma_wait3A_360 = tpu.memref_slice %arg3[%add3A_179] : memref<1437696xi32, #tpu.memory_space<hbm>> -> memref<1664xi32, #tpu.memory_space<hbm>>
    tpu.wait_dma2 semaphore(%arg8 : memref<!tpu.dma_semaphore, #tpu.memory_space<semaphore_mem>>) src(%dma_wait3A_360 : memref<1664xi32, #tpu.memory_space<hbm>>) dst(%dma_wait3A_359 : memref<1664xi32, #tpu.memory_space<vmem>>)
    %dma_wait3A_361 = arith.constant 38272 : i32
    %dma_wait3A_362 = tpu.memref_slice %arg5[%dma_wait3A_361] : memref<44928xi32, #tpu.memory_space<vmem>> -> memref<1664xi32, #tpu.memory_space<vmem>>
    %dma_wait3A_363 = tpu.memref_slice %arg3[%add3A_187] : memref<1437696xi32, #tpu.memory_space<hbm>> -> memref<1664xi32, #tpu.memory_space<hbm>>
    %dma_wait3A_364 = arith.constant 38272 : i32
    %dma_wait3A_365 = tpu.memref_slice %arg5[%dma_wait3A_364] : memref<44928xi32, #tpu.memory_space<vmem>> -> memref<1664xi32, #tpu.memory_space<vmem>>
    %dma_wait3A_366 = tpu.memref_slice %arg3[%add3A_187] : memref<1437696xi32, #tpu.memory_space<hbm>> -> memref<1664xi32, #tpu.memory_space<hbm>>
    tpu.wait_dma2 semaphore(%arg8 : memref<!tpu.dma_semaphore, #tpu.memory_space<semaphore_mem>>) src(%dma_wait3A_366 : memref<1664xi32, #tpu.memory_space<hbm>>) dst(%dma_wait3A_365 : memref<1664xi32, #tpu.memory_space<vmem>>)
    %dma_wait3A_367 = arith.constant 39936 : i32
    %dma_wait3A_368 = tpu.memref_slice %arg5[%dma_wait3A_367] : memref<44928xi32, #tpu.memory_space<vmem>> -> memref<1664xi32, #tpu.memory_space<vmem>>
    %dma_wait3A_369 = tpu.memref_slice %arg3[%add3A_195] : memref<1437696xi32, #tpu.memory_space<hbm>> -> memref<1664xi32, #tpu.memory_space<hbm>>
    %dma_wait3A_370 = arith.constant 39936 : i32
    %dma_wait3A_371 = tpu.memref_slice %arg5[%dma_wait3A_370] : memref<44928xi32, #tpu.memory_space<vmem>> -> memref<1664xi32, #tpu.memory_space<vmem>>
    %dma_wait3A_372 = tpu.memref_slice %arg3[%add3A_195] : memref<1437696xi32, #tpu.memory_space<hbm>> -> memref<1664xi32, #tpu.memory_space<hbm>>
    tpu.wait_dma2 semaphore(%arg8 : memref<!tpu.dma_semaphore, #tpu.memory_space<semaphore_mem>>) src(%dma_wait3A_372 : memref<1664xi32, #tpu.memory_space<hbm>>) dst(%dma_wait3A_371 : memref<1664xi32, #tpu.memory_space<vmem>>)
    %dma_wait3A_373 = arith.constant 41600 : i32
    %dma_wait3A_374 = tpu.memref_slice %arg5[%dma_wait3A_373] : memref<44928xi32, #tpu.memory_space<vmem>> -> memref<1664xi32, #tpu.memory_space<vmem>>
    %dma_wait3A_375 = tpu.memref_slice %arg3[%add3A_203] : memref<1437696xi32, #tpu.memory_space<hbm>> -> memref<1664xi32, #tpu.memory_space<hbm>>
    %dma_wait3A_376 = arith.constant 41600 : i32
    %dma_wait3A_377 = tpu.memref_slice %arg5[%dma_wait3A_376] : memref<44928xi32, #tpu.memory_space<vmem>> -> memref<1664xi32, #tpu.memory_space<vmem>>
    %dma_wait3A_378 = tpu.memref_slice %arg3[%add3A_203] : memref<1437696xi32, #tpu.memory_space<hbm>> -> memref<1664xi32, #tpu.memory_space<hbm>>
    tpu.wait_dma2 semaphore(%arg8 : memref<!tpu.dma_semaphore, #tpu.memory_space<semaphore_mem>>) src(%dma_wait3A_378 : memref<1664xi32, #tpu.memory_space<hbm>>) dst(%dma_wait3A_377 : memref<1664xi32, #tpu.memory_space<vmem>>)
    %dma_wait3A_379 = arith.constant 43264 : i32
    %dma_wait3A_380 = tpu.memref_slice %arg5[%dma_wait3A_379] : memref<44928xi32, #tpu.memory_space<vmem>> -> memref<1664xi32, #tpu.memory_space<vmem>>
    %dma_wait3A_381 = tpu.memref_slice %arg3[%add3A_211] : memref<1437696xi32, #tpu.memory_space<hbm>> -> memref<1664xi32, #tpu.memory_space<hbm>>
    %dma_wait3A_382 = arith.constant 43264 : i32
    %dma_wait3A_383 = tpu.memref_slice %arg5[%dma_wait3A_382] : memref<44928xi32, #tpu.memory_space<vmem>> -> memref<1664xi32, #tpu.memory_space<vmem>>
    %dma_wait3A_384 = tpu.memref_slice %arg3[%add3A_211] : memref<1437696xi32, #tpu.memory_space<hbm>> -> memref<1664xi32, #tpu.memory_space<hbm>>
    tpu.wait_dma2 semaphore(%arg8 : memref<!tpu.dma_semaphore, #tpu.memory_space<semaphore_mem>>) src(%dma_wait3A_384 : memref<1664xi32, #tpu.memory_space<hbm>>) dst(%dma_wait3A_383 : memref<1664xi32, #tpu.memory_space<vmem>>)
    %dma_start3A_385 = arith.constant 0 : i32
    %dma_start3A_386 = tpu.memref_slice %arg5[%dma_start3A_385] : memref<44928xi32, #tpu.memory_space<vmem>> -> memref<1664xi32, #tpu.memory_space<vmem>>
    %dma_start3A_387 = arith.constant 0 : i32
    %dma_start3A_388 = arith.constant 0 : i32
    %dma_start3A_389 = tpu.memref_slice %arg2[%dma_start3A_387, %dma_start3A_388] : memref<1437696x32xf32, #tpu.memory_space<hbm>> -> memref<1437696x32xf32, #tpu.memory_space<hbm>>
    tpu.enqueue_indirect_dma source(%dma_start3A_389 : memref<1437696x32xf32, #tpu.memory_space<hbm>>) target(%arg6 : memref<1664x32xf32, #tpu.memory_space<vmem>>) offsets(%dma_start3A_386 : memref<1664xi32, #tpu.memory_space<vmem>>) semaphore(%arg7 : memref<!tpu.dma_semaphore, #tpu.memory_space<semaphore_mem>>) {add = true}
    %scan3A_390 = arith.constant 0 : i32
    %scan3A_391 = arith.constant 0 : i32
    %scan3A_392 = arith.constant 104 : i32
    %scan3A_393 = arith.addi %scan3A_391, %scan3A_392 : i32
    %scan3A_394 = arith.constant 1 : i32
    scf.for %scan3A_811 = %scan3A_391 to %scan3A_393 step %scan3A_394  : i32 {
      %add3A_812 = arith.constant 104 : i32
      %add3A_813 = arith.addi %add3A_812, %scan3A_811 : i32
      %mul3A_814 = arith.constant 16 : i32
      %mul3A_815 = arith.muli %add3A_813, %mul3A_814 : i32
      %get3A = arith.index_cast %mul3A_815 : i32 to index
      %get3A_816 = tpu.vector_load %arg5[%get3A] {strides = array<i32>} : memref<44928xi32, #tpu.memory_space<vmem>>, vector<16xi32>,
      %get3A_817 = vector.shape_cast %get3A_816 : vector<16xi32> to vector<16xi32>
      %add3A_818 = arith.constant 53248 : i32
      %add3A_819 = vector.broadcast %add3A_818 : i32 to vector<16xi32>
      %add3A_820 = arith.addi %get3A_817, %add3A_819 : vector<16xi32>
      %swap3A = arith.index_cast %mul3A_815 : i32 to index
      %swap3A_821 = tpu.vector_load %arg5[%swap3A] {strides = array<i32>} : memref<44928xi32, #tpu.memory_space<vmem>>, vector<16xi32>,
      %swap3A_822 = vector.shape_cast %swap3A_821 : vector<16xi32> to vector<16xi32>
      %swap3A_823 = vector.shape_cast %add3A_820 : vector<16xi32> to vector<16xi32>
      tpu.vector_store %arg5[%swap3A], %swap3A_823 {strides = array<i32>} : memref<44928xi32, #tpu.memory_space<vmem>>, vector<16xi32>,
    }
    %scan3A_395 = arith.constant 104 : i32
    %dma_start3A_396 = arith.constant 1664 : i32
    %dma_start3A_397 = tpu.memref_slice %arg5[%dma_start3A_396] : memref<44928xi32, #tpu.memory_space<vmem>> -> memref<1664xi32, #tpu.memory_space<vmem>>
    %dma_start3A_398 = arith.constant 0 : i32
    %dma_start3A_399 = arith.constant 0 : i32
    %dma_start3A_400 = tpu.memref_slice %arg2[%dma_start3A_398, %dma_start3A_399] : memref<1437696x32xf32, #tpu.memory_space<hbm>> -> memref<1437696x32xf32, #tpu.memory_space<hbm>>
    tpu.enqueue_indirect_dma source(%dma_start3A_400 : memref<1437696x32xf32, #tpu.memory_space<hbm>>) target(%arg6 : memref<1664x32xf32, #tpu.memory_space<vmem>>) offsets(%dma_start3A_397 : memref<1664xi32, #tpu.memory_space<vmem>>) semaphore(%arg7 : memref<!tpu.dma_semaphore, #tpu.memory_space<semaphore_mem>>) {add = true}
    %scan3A_401 = arith.constant 0 : i32
    %scan3A_402 = arith.constant 0 : i32
    %scan3A_403 = arith.constant 104 : i32
    %scan3A_404 = arith.addi %scan3A_402, %scan3A_403 : i32
    %scan3A_405 = arith.constant 1 : i32
    scf.for %scan3A_811 = %scan3A_402 to %scan3A_404 step %scan3A_405  : i32 {
      %add3A_812 = arith.constant 208 : i32
      %add3A_813 = arith.addi %add3A_812, %scan3A_811 : i32
      %mul3A_814 = arith.constant 16 : i32
      %mul3A_815 = arith.muli %add3A_813, %mul3A_814 : i32
      %get3A = arith.index_cast %mul3A_815 : i32 to index
      %get3A_816 = tpu.vector_load %arg5[%get3A] {strides = array<i32>} : memref<44928xi32, #tpu.memory_space<vmem>>, vector<16xi32>,
      %get3A_817 = vector.shape_cast %get3A_816 : vector<16xi32> to vector<16xi32>
      %add3A_818 = arith.constant 106496 : i32
      %add3A_819 = vector.broadcast %add3A_818 : i32 to vector<16xi32>
      %add3A_820 = arith.addi %get3A_817, %add3A_819 : vector<16xi32>
      %swap3A = arith.index_cast %mul3A_815 : i32 to index
      %swap3A_821 = tpu.vector_load %arg5[%swap3A] {strides = array<i32>} : memref<44928xi32, #tpu.memory_space<vmem>>, vector<16xi32>,
      %swap3A_822 = vector.shape_cast %swap3A_821 : vector<16xi32> to vector<16xi32>
      %swap3A_823 = vector.shape_cast %add3A_820 : vector<16xi32> to vector<16xi32>
      tpu.vector_store %arg5[%swap3A], %swap3A_823 {strides = array<i32>} : memref<44928xi32, #tpu.memory_space<vmem>>, vector<16xi32>,
    }
    %scan3A_406 = arith.constant 104 : i32
    %dma_start3A_407 = arith.constant 3328 : i32
    %dma_start3A_408 = tpu.memref_slice %arg5[%dma_start3A_407] : memref<44928xi32, #tpu.memory_space<vmem>> -> memref<1664xi32, #tpu.memory_space<vmem>>
    %dma_start3A_409 = arith.constant 0 : i32
    %dma_start3A_410 = arith.constant 0 : i32
    %dma_start3A_411 = tpu.memref_slice %arg2[%dma_start3A_409, %dma_start3A_410] : memref<1437696x32xf32, #tpu.memory_space<hbm>> -> memref<1437696x32xf32, #tpu.memory_space<hbm>>
    tpu.enqueue_indirect_dma source(%dma_start3A_411 : memref<1437696x32xf32, #tpu.memory_space<hbm>>) target(%arg6 : memref<1664x32xf32, #tpu.memory_space<vmem>>) offsets(%dma_start3A_408 : memref<1664xi32, #tpu.memory_space<vmem>>) semaphore(%arg7 : memref<!tpu.dma_semaphore, #tpu.memory_space<semaphore_mem>>) {add = true}
    %scan3A_412 = arith.constant 0 : i32
    %scan3A_413 = arith.constant 0 : i32
    %scan3A_414 = arith.constant 104 : i32
    %scan3A_415 = arith.addi %scan3A_413, %scan3A_414 : i32
    %scan3A_416 = arith.constant 1 : i32
    scf.for %scan3A_811 = %scan3A_413 to %scan3A_415 step %scan3A_416  : i32 {
      %add3A_812 = arith.constant 312 : i32
      %add3A_813 = arith.addi %add3A_812, %scan3A_811 : i32
      %mul3A_814 = arith.constant 16 : i32
      %mul3A_815 = arith.muli %add3A_813, %mul3A_814 : i32
      %get3A = arith.index_cast %mul3A_815 : i32 to index
      %get3A_816 = tpu.vector_load %arg5[%get3A] {strides = array<i32>} : memref<44928xi32, #tpu.memory_space<vmem>>, vector<16xi32>,
      %get3A_817 = vector.shape_cast %get3A_816 : vector<16xi32> to vector<16xi32>
      %add3A_818 = arith.constant 159744 : i32
      %add3A_819 = vector.broadcast %add3A_818 : i32 to vector<16xi32>
      %add3A_820 = arith.addi %get3A_817, %add3A_819 : vector<16xi32>
      %swap3A = arith.index_cast %mul3A_815 : i32 to index
      %swap3A_821 = tpu.vector_load %arg5[%swap3A] {strides = array<i32>} : memref<44928xi32, #tpu.memory_space<vmem>>, vector<16xi32>,
      %swap3A_822 = vector.shape_cast %swap3A_821 : vector<16xi32> to vector<16xi32>
      %swap3A_823 = vector.shape_cast %add3A_820 : vector<16xi32> to vector<16xi32>
      tpu.vector_store %arg5[%swap3A], %swap3A_823 {strides = array<i32>} : memref<44928xi32, #tpu.memory_space<vmem>>, vector<16xi32>,
    }
    %scan3A_417 = arith.constant 104 : i32
    %dma_start3A_418 = arith.constant 4992 : i32
    %dma_start3A_419 = tpu.memref_slice %arg5[%dma_start3A_418] : memref<44928xi32, #tpu.memory_space<vmem>> -> memref<1664xi32, #tpu.memory_space<vmem>>
    %dma_start3A_420 = arith.constant 0 : i32
    %dma_start3A_421 = arith.constant 0 : i32
    %dma_start3A_422 = tpu.memref_slice %arg2[%dma_start3A_420, %dma_start3A_421] : memref<1437696x32xf32, #tpu.memory_space<hbm>> -> memref<1437696x32xf32, #tpu.memory_space<hbm>>
    tpu.enqueue_indirect_dma source(%dma_start3A_422 : memref<1437696x32xf32, #tpu.memory_space<hbm>>) target(%arg6 : memref<1664x32xf32, #tpu.memory_space<vmem>>) offsets(%dma_start3A_419 : memref<1664xi32, #tpu.memory_space<vmem>>) semaphore(%arg7 : memref<!tpu.dma_semaphore, #tpu.memory_space<semaphore_mem>>) {add = true}
    %scan3A_423 = arith.constant 0 : i32
    %scan3A_424 = arith.constant 0 : i32
    %scan3A_425 = arith.constant 104 : i32
    %scan3A_426 = arith.addi %scan3A_424, %scan3A_425 : i32
    %scan3A_427 = arith.constant 1 : i32
    scf.for %scan3A_811 = %scan3A_424 to %scan3A_426 step %scan3A_427  : i32 {
      %add3A_812 = arith.constant 416 : i32
      %add3A_813 = arith.addi %add3A_812, %scan3A_811 : i32
      %mul3A_814 = arith.constant 16 : i32
      %mul3A_815 = arith.muli %add3A_813, %mul3A_814 : i32
      %get3A = arith.index_cast %mul3A_815 : i32 to index
      %get3A_816 = tpu.vector_load %arg5[%get3A] {strides = array<i32>} : memref<44928xi32, #tpu.memory_space<vmem>>, vector<16xi32>,
      %get3A_817 = vector.shape_cast %get3A_816 : vector<16xi32> to vector<16xi32>
      %add3A_818 = arith.constant 212992 : i32
      %add3A_819 = vector.broadcast %add3A_818 : i32 to vector<16xi32>
      %add3A_820 = arith.addi %get3A_817, %add3A_819 : vector<16xi32>
      %swap3A = arith.index_cast %mul3A_815 : i32 to index
      %swap3A_821 = tpu.vector_load %arg5[%swap3A] {strides = array<i32>} : memref<44928xi32, #tpu.memory_space<vmem>>, vector<16xi32>,
      %swap3A_822 = vector.shape_cast %swap3A_821 : vector<16xi32> to vector<16xi32>
      %swap3A_823 = vector.shape_cast %add3A_820 : vector<16xi32> to vector<16xi32>
      tpu.vector_store %arg5[%swap3A], %swap3A_823 {strides = array<i32>} : memref<44928xi32, #tpu.memory_space<vmem>>, vector<16xi32>,
    }
    %scan3A_428 = arith.constant 104 : i32
    %dma_start3A_429 = arith.constant 6656 : i32
    %dma_start3A_430 = tpu.memref_slice %arg5[%dma_start3A_429] : memref<44928xi32, #tpu.memory_space<vmem>> -> memref<1664xi32, #tpu.memory_space<vmem>>
    %dma_start3A_431 = arith.constant 0 : i32
    %dma_start3A_432 = arith.constant 0 : i32
    %dma_start3A_433 = tpu.memref_slice %arg2[%dma_start3A_431, %dma_start3A_432] : memref<1437696x32xf32, #tpu.memory_space<hbm>> -> memref<1437696x32xf32, #tpu.memory_space<hbm>>
    tpu.enqueue_indirect_dma source(%dma_start3A_433 : memref<1437696x32xf32, #tpu.memory_space<hbm>>) target(%arg6 : memref<1664x32xf32, #tpu.memory_space<vmem>>) offsets(%dma_start3A_430 : memref<1664xi32, #tpu.memory_space<vmem>>) semaphore(%arg7 : memref<!tpu.dma_semaphore, #tpu.memory_space<semaphore_mem>>) {add = true}
    %scan3A_434 = arith.constant 0 : i32
    %scan3A_435 = arith.constant 0 : i32
    %scan3A_436 = arith.constant 104 : i32
    %scan3A_437 = arith.addi %scan3A_435, %scan3A_436 : i32
    %scan3A_438 = arith.constant 1 : i32
    scf.for %scan3A_811 = %scan3A_435 to %scan3A_437 step %scan3A_438  : i32 {
      %add3A_812 = arith.constant 520 : i32
      %add3A_813 = arith.addi %add3A_812, %scan3A_811 : i32
      %mul3A_814 = arith.constant 16 : i32
      %mul3A_815 = arith.muli %add3A_813, %mul3A_814 : i32
      %get3A = arith.index_cast %mul3A_815 : i32 to index
      %get3A_816 = tpu.vector_load %arg5[%get3A] {strides = array<i32>} : memref<44928xi32, #tpu.memory_space<vmem>>, vector<16xi32>,
      %get3A_817 = vector.shape_cast %get3A_816 : vector<16xi32> to vector<16xi32>
      %add3A_818 = arith.constant 266240 : i32
      %add3A_819 = vector.broadcast %add3A_818 : i32 to vector<16xi32>
      %add3A_820 = arith.addi %get3A_817, %add3A_819 : vector<16xi32>
      %swap3A = arith.index_cast %mul3A_815 : i32 to index
      %swap3A_821 = tpu.vector_load %arg5[%swap3A] {strides = array<i32>} : memref<44928xi32, #tpu.memory_space<vmem>>, vector<16xi32>,
      %swap3A_822 = vector.shape_cast %swap3A_821 : vector<16xi32> to vector<16xi32>
      %swap3A_823 = vector.shape_cast %add3A_820 : vector<16xi32> to vector<16xi32>
      tpu.vector_store %arg5[%swap3A], %swap3A_823 {strides = array<i32>} : memref<44928xi32, #tpu.memory_space<vmem>>, vector<16xi32>,
    }
    %scan3A_439 = arith.constant 104 : i32
    %dma_start3A_440 = arith.constant 8320 : i32
    %dma_start3A_441 = tpu.memref_slice %arg5[%dma_start3A_440] : memref<44928xi32, #tpu.memory_space<vmem>> -> memref<1664xi32, #tpu.memory_space<vmem>>
    %dma_start3A_442 = arith.constant 0 : i32
    %dma_start3A_443 = arith.constant 0 : i32
    %dma_start3A_444 = tpu.memref_slice %arg2[%dma_start3A_442, %dma_start3A_443] : memref<1437696x32xf32, #tpu.memory_space<hbm>> -> memref<1437696x32xf32, #tpu.memory_space<hbm>>
    tpu.enqueue_indirect_dma source(%dma_start3A_444 : memref<1437696x32xf32, #tpu.memory_space<hbm>>) target(%arg6 : memref<1664x32xf32, #tpu.memory_space<vmem>>) offsets(%dma_start3A_441 : memref<1664xi32, #tpu.memory_space<vmem>>) semaphore(%arg7 : memref<!tpu.dma_semaphore, #tpu.memory_space<semaphore_mem>>) {add = true}
    %scan3A_445 = arith.constant 0 : i32
    %scan3A_446 = arith.constant 0 : i32
    %scan3A_447 = arith.constant 104 : i32
    %scan3A_448 = arith.addi %scan3A_446, %scan3A_447 : i32
    %scan3A_449 = arith.constant 1 : i32
    scf.for %scan3A_811 = %scan3A_446 to %scan3A_448 step %scan3A_449  : i32 {
      %add3A_812 = arith.constant 624 : i32
      %add3A_813 = arith.addi %add3A_812, %scan3A_811 : i32
      %mul3A_814 = arith.constant 16 : i32
      %mul3A_815 = arith.muli %add3A_813, %mul3A_814 : i32
      %get3A = arith.index_cast %mul3A_815 : i32 to index
      %get3A_816 = tpu.vector_load %arg5[%get3A] {strides = array<i32>} : memref<44928xi32, #tpu.memory_space<vmem>>, vector<16xi32>,
      %get3A_817 = vector.shape_cast %get3A_816 : vector<16xi32> to vector<16xi32>
      %add3A_818 = arith.constant 319488 : i32
      %add3A_819 = vector.broadcast %add3A_818 : i32 to vector<16xi32>
      %add3A_820 = arith.addi %get3A_817, %add3A_819 : vector<16xi32>
      %swap3A = arith.index_cast %mul3A_815 : i32 to index
      %swap3A_821 = tpu.vector_load %arg5[%swap3A] {strides = array<i32>} : memref<44928xi32, #tpu.memory_space<vmem>>, vector<16xi32>,
      %swap3A_822 = vector.shape_cast %swap3A_821 : vector<16xi32> to vector<16xi32>
      %swap3A_823 = vector.shape_cast %add3A_820 : vector<16xi32> to vector<16xi32>
      tpu.vector_store %arg5[%swap3A], %swap3A_823 {strides = array<i32>} : memref<44928xi32, #tpu.memory_space<vmem>>, vector<16xi32>,
    }
    %scan3A_450 = arith.constant 104 : i32
    %dma_start3A_451 = arith.constant 9984 : i32
    %dma_start3A_452 = tpu.memref_slice %arg5[%dma_start3A_451] : memref<44928xi32, #tpu.memory_space<vmem>> -> memref<1664xi32, #tpu.memory_space<vmem>>
    %dma_start3A_453 = arith.constant 0 : i32
    %dma_start3A_454 = arith.constant 0 : i32
    %dma_start3A_455 = tpu.memref_slice %arg2[%dma_start3A_453, %dma_start3A_454] : memref<1437696x32xf32, #tpu.memory_space<hbm>> -> memref<1437696x32xf32, #tpu.memory_space<hbm>>
    tpu.enqueue_indirect_dma source(%dma_start3A_455 : memref<1437696x32xf32, #tpu.memory_space<hbm>>) target(%arg6 : memref<1664x32xf32, #tpu.memory_space<vmem>>) offsets(%dma_start3A_452 : memref<1664xi32, #tpu.memory_space<vmem>>) semaphore(%arg7 : memref<!tpu.dma_semaphore, #tpu.memory_space<semaphore_mem>>) {add = true}
    %scan3A_456 = arith.constant 0 : i32
    %scan3A_457 = arith.constant 0 : i32
    %scan3A_458 = arith.constant 104 : i32
    %scan3A_459 = arith.addi %scan3A_457, %scan3A_458 : i32
    %scan3A_460 = arith.constant 1 : i32
    scf.for %scan3A_811 = %scan3A_457 to %scan3A_459 step %scan3A_460  : i32 {
      %add3A_812 = arith.constant 728 : i32
      %add3A_813 = arith.addi %add3A_812, %scan3A_811 : i32
      %mul3A_814 = arith.constant 16 : i32
      %mul3A_815 = arith.muli %add3A_813, %mul3A_814 : i32
      %get3A = arith.index_cast %mul3A_815 : i32 to index
      %get3A_816 = tpu.vector_load %arg5[%get3A] {strides = array<i32>} : memref<44928xi32, #tpu.memory_space<vmem>>, vector<16xi32>,
      %get3A_817 = vector.shape_cast %get3A_816 : vector<16xi32> to vector<16xi32>
      %add3A_818 = arith.constant 372736 : i32
      %add3A_819 = vector.broadcast %add3A_818 : i32 to vector<16xi32>
      %add3A_820 = arith.addi %get3A_817, %add3A_819 : vector<16xi32>
      %swap3A = arith.index_cast %mul3A_815 : i32 to index
      %swap3A_821 = tpu.vector_load %arg5[%swap3A] {strides = array<i32>} : memref<44928xi32, #tpu.memory_space<vmem>>, vector<16xi32>,
      %swap3A_822 = vector.shape_cast %swap3A_821 : vector<16xi32> to vector<16xi32>
      %swap3A_823 = vector.shape_cast %add3A_820 : vector<16xi32> to vector<16xi32>
      tpu.vector_store %arg5[%swap3A], %swap3A_823 {strides = array<i32>} : memref<44928xi32, #tpu.memory_space<vmem>>, vector<16xi32>,
    }
    %scan3A_461 = arith.constant 104 : i32
    %dma_start3A_462 = arith.constant 11648 : i32
    %dma_start3A_463 = tpu.memref_slice %arg5[%dma_start3A_462] : memref<44928xi32, #tpu.memory_space<vmem>> -> memref<1664xi32, #tpu.memory_space<vmem>>
    %dma_start3A_464 = arith.constant 0 : i32
    %dma_start3A_465 = arith.constant 0 : i32
    %dma_start3A_466 = tpu.memref_slice %arg2[%dma_start3A_464, %dma_start3A_465] : memref<1437696x32xf32, #tpu.memory_space<hbm>> -> memref<1437696x32xf32, #tpu.memory_space<hbm>>
    tpu.enqueue_indirect_dma source(%dma_start3A_466 : memref<1437696x32xf32, #tpu.memory_space<hbm>>) target(%arg6 : memref<1664x32xf32, #tpu.memory_space<vmem>>) offsets(%dma_start3A_463 : memref<1664xi32, #tpu.memory_space<vmem>>) semaphore(%arg7 : memref<!tpu.dma_semaphore, #tpu.memory_space<semaphore_mem>>) {add = true}
    %scan3A_467 = arith.constant 0 : i32
    %scan3A_468 = arith.constant 0 : i32
    %scan3A_469 = arith.constant 104 : i32
    %scan3A_470 = arith.addi %scan3A_468, %scan3A_469 : i32
    %scan3A_471 = arith.constant 1 : i32
    scf.for %scan3A_811 = %scan3A_468 to %scan3A_470 step %scan3A_471  : i32 {
      %add3A_812 = arith.constant 832 : i32
      %add3A_813 = arith.addi %add3A_812, %scan3A_811 : i32
      %mul3A_814 = arith.constant 16 : i32
      %mul3A_815 = arith.muli %add3A_813, %mul3A_814 : i32
      %get3A = arith.index_cast %mul3A_815 : i32 to index
      %get3A_816 = tpu.vector_load %arg5[%get3A] {strides = array<i32>} : memref<44928xi32, #tpu.memory_space<vmem>>, vector<16xi32>,
      %get3A_817 = vector.shape_cast %get3A_816 : vector<16xi32> to vector<16xi32>
      %add3A_818 = arith.constant 425984 : i32
      %add3A_819 = vector.broadcast %add3A_818 : i32 to vector<16xi32>
      %add3A_820 = arith.addi %get3A_817, %add3A_819 : vector<16xi32>
      %swap3A = arith.index_cast %mul3A_815 : i32 to index
      %swap3A_821 = tpu.vector_load %arg5[%swap3A] {strides = array<i32>} : memref<44928xi32, #tpu.memory_space<vmem>>, vector<16xi32>,
      %swap3A_822 = vector.shape_cast %swap3A_821 : vector<16xi32> to vector<16xi32>
      %swap3A_823 = vector.shape_cast %add3A_820 : vector<16xi32> to vector<16xi32>
      tpu.vector_store %arg5[%swap3A], %swap3A_823 {strides = array<i32>} : memref<44928xi32, #tpu.memory_space<vmem>>, vector<16xi32>,
    }
    %scan3A_472 = arith.constant 104 : i32
    %dma_start3A_473 = arith.constant 13312 : i32
    %dma_start3A_474 = tpu.memref_slice %arg5[%dma_start3A_473] : memref<44928xi32, #tpu.memory_space<vmem>> -> memref<1664xi32, #tpu.memory_space<vmem>>
    %dma_start3A_475 = arith.constant 0 : i32
    %dma_start3A_476 = arith.constant 0 : i32
    %dma_start3A_477 = tpu.memref_slice %arg2[%dma_start3A_475, %dma_start3A_476] : memref<1437696x32xf32, #tpu.memory_space<hbm>> -> memref<1437696x32xf32, #tpu.memory_space<hbm>>
    tpu.enqueue_indirect_dma source(%dma_start3A_477 : memref<1437696x32xf32, #tpu.memory_space<hbm>>) target(%arg6 : memref<1664x32xf32, #tpu.memory_space<vmem>>) offsets(%dma_start3A_474 : memref<1664xi32, #tpu.memory_space<vmem>>) semaphore(%arg7 : memref<!tpu.dma_semaphore, #tpu.memory_space<semaphore_mem>>) {add = true}
    %scan3A_478 = arith.constant 0 : i32
    %scan3A_479 = arith.constant 0 : i32
    %scan3A_480 = arith.constant 104 : i32
    %scan3A_481 = arith.addi %scan3A_479, %scan3A_480 : i32
    %scan3A_482 = arith.constant 1 : i32
    scf.for %scan3A_811 = %scan3A_479 to %scan3A_481 step %scan3A_482  : i32 {
      %add3A_812 = arith.constant 936 : i32
      %add3A_813 = arith.addi %add3A_812, %scan3A_811 : i32
      %mul3A_814 = arith.constant 16 : i32
      %mul3A_815 = arith.muli %add3A_813, %mul3A_814 : i32
      %get3A = arith.index_cast %mul3A_815 : i32 to index
      %get3A_816 = tpu.vector_load %arg5[%get3A] {strides = array<i32>} : memref<44928xi32, #tpu.memory_space<vmem>>, vector<16xi32>,
      %get3A_817 = vector.shape_cast %get3A_816 : vector<16xi32> to vector<16xi32>
      %add3A_818 = arith.constant 479232 : i32
      %add3A_819 = vector.broadcast %add3A_818 : i32 to vector<16xi32>
      %add3A_820 = arith.addi %get3A_817, %add3A_819 : vector<16xi32>
      %swap3A = arith.index_cast %mul3A_815 : i32 to index
      %swap3A_821 = tpu.vector_load %arg5[%swap3A] {strides = array<i32>} : memref<44928xi32, #tpu.memory_space<vmem>>, vector<16xi32>,
      %swap3A_822 = vector.shape_cast %swap3A_821 : vector<16xi32> to vector<16xi32>
      %swap3A_823 = vector.shape_cast %add3A_820 : vector<16xi32> to vector<16xi32>
      tpu.vector_store %arg5[%swap3A], %swap3A_823 {strides = array<i32>} : memref<44928xi32, #tpu.memory_space<vmem>>, vector<16xi32>,
    }
    %scan3A_483 = arith.constant 104 : i32
    %dma_start3A_484 = arith.constant 14976 : i32
    %dma_start3A_485 = tpu.memref_slice %arg5[%dma_start3A_484] : memref<44928xi32, #tpu.memory_space<vmem>> -> memref<1664xi32, #tpu.memory_space<vmem>>
    %dma_start3A_486 = arith.constant 0 : i32
    %dma_start3A_487 = arith.constant 0 : i32
    %dma_start3A_488 = tpu.memref_slice %arg2[%dma_start3A_486, %dma_start3A_487] : memref<1437696x32xf32, #tpu.memory_space<hbm>> -> memref<1437696x32xf32, #tpu.memory_space<hbm>>
    tpu.enqueue_indirect_dma source(%dma_start3A_488 : memref<1437696x32xf32, #tpu.memory_space<hbm>>) target(%arg6 : memref<1664x32xf32, #tpu.memory_space<vmem>>) offsets(%dma_start3A_485 : memref<1664xi32, #tpu.memory_space<vmem>>) semaphore(%arg7 : memref<!tpu.dma_semaphore, #tpu.memory_space<semaphore_mem>>) {add = true}
    %scan3A_489 = arith.constant 0 : i32
    %scan3A_490 = arith.constant 0 : i32
    %scan3A_491 = arith.constant 104 : i32
    %scan3A_492 = arith.addi %scan3A_490, %scan3A_491 : i32
    %scan3A_493 = arith.constant 1 : i32
    scf.for %scan3A_811 = %scan3A_490 to %scan3A_492 step %scan3A_493  : i32 {
      %add3A_812 = arith.constant 1040 : i32
      %add3A_813 = arith.addi %add3A_812, %scan3A_811 : i32
      %mul3A_814 = arith.constant 16 : i32
      %mul3A_815 = arith.muli %add3A_813, %mul3A_814 : i32
      %get3A = arith.index_cast %mul3A_815 : i32 to index
      %get3A_816 = tpu.vector_load %arg5[%get3A] {strides = array<i32>} : memref<44928xi32, #tpu.memory_space<vmem>>, vector<16xi32>,
      %get3A_817 = vector.shape_cast %get3A_816 : vector<16xi32> to vector<16xi32>
      %add3A_818 = arith.constant 532480 : i32
      %add3A_819 = vector.broadcast %add3A_818 : i32 to vector<16xi32>
      %add3A_820 = arith.addi %get3A_817, %add3A_819 : vector<16xi32>
      %swap3A = arith.index_cast %mul3A_815 : i32 to index
      %swap3A_821 = tpu.vector_load %arg5[%swap3A] {strides = array<i32>} : memref<44928xi32, #tpu.memory_space<vmem>>, vector<16xi32>,
      %swap3A_822 = vector.shape_cast %swap3A_821 : vector<16xi32> to vector<16xi32>
      %swap3A_823 = vector.shape_cast %add3A_820 : vector<16xi32> to vector<16xi32>
      tpu.vector_store %arg5[%swap3A], %swap3A_823 {strides = array<i32>} : memref<44928xi32, #tpu.memory_space<vmem>>, vector<16xi32>,
    }
    %scan3A_494 = arith.constant 104 : i32
    %dma_start3A_495 = arith.constant 16640 : i32
    %dma_start3A_496 = tpu.memref_slice %arg5[%dma_start3A_495] : memref<44928xi32, #tpu.memory_space<vmem>> -> memref<1664xi32, #tpu.memory_space<vmem>>
    %dma_start3A_497 = arith.constant 0 : i32
    %dma_start3A_498 = arith.constant 0 : i32
    %dma_start3A_499 = tpu.memref_slice %arg2[%dma_start3A_497, %dma_start3A_498] : memref<1437696x32xf32, #tpu.memory_space<hbm>> -> memref<1437696x32xf32, #tpu.memory_space<hbm>>
    tpu.enqueue_indirect_dma source(%dma_start3A_499 : memref<1437696x32xf32, #tpu.memory_space<hbm>>) target(%arg6 : memref<1664x32xf32, #tpu.memory_space<vmem>>) offsets(%dma_start3A_496 : memref<1664xi32, #tpu.memory_space<vmem>>) semaphore(%arg7 : memref<!tpu.dma_semaphore, #tpu.memory_space<semaphore_mem>>) {add = true}
    %scan3A_500 = arith.constant 0 : i32
    %scan3A_501 = arith.constant 0 : i32
    %scan3A_502 = arith.constant 104 : i32
    %scan3A_503 = arith.addi %scan3A_501, %scan3A_502 : i32
    %scan3A_504 = arith.constant 1 : i32
    scf.for %scan3A_811 = %scan3A_501 to %scan3A_503 step %scan3A_504  : i32 {
      %add3A_812 = arith.constant 1144 : i32
      %add3A_813 = arith.addi %add3A_812, %scan3A_811 : i32
      %mul3A_814 = arith.constant 16 : i32
      %mul3A_815 = arith.muli %add3A_813, %mul3A_814 : i32
      %get3A = arith.index_cast %mul3A_815 : i32 to index
      %get3A_816 = tpu.vector_load %arg5[%get3A] {strides = array<i32>} : memref<44928xi32, #tpu.memory_space<vmem>>, vector<16xi32>,
      %get3A_817 = vector.shape_cast %get3A_816 : vector<16xi32> to vector<16xi32>
      %add3A_818 = arith.constant 585728 : i32
      %add3A_819 = vector.broadcast %add3A_818 : i32 to vector<16xi32>
      %add3A_820 = arith.addi %get3A_817, %add3A_819 : vector<16xi32>
      %swap3A = arith.index_cast %mul3A_815 : i32 to index
      %swap3A_821 = tpu.vector_load %arg5[%swap3A] {strides = array<i32>} : memref<44928xi32, #tpu.memory_space<vmem>>, vector<16xi32>,
      %swap3A_822 = vector.shape_cast %swap3A_821 : vector<16xi32> to vector<16xi32>
      %swap3A_823 = vector.shape_cast %add3A_820 : vector<16xi32> to vector<16xi32>
      tpu.vector_store %arg5[%swap3A], %swap3A_823 {strides = array<i32>} : memref<44928xi32, #tpu.memory_space<vmem>>, vector<16xi32>,
    }
    %scan3A_505 = arith.constant 104 : i32
    %dma_start3A_506 = arith.constant 18304 : i32
    %dma_start3A_507 = tpu.memref_slice %arg5[%dma_start3A_506] : memref<44928xi32, #tpu.memory_space<vmem>> -> memref<1664xi32, #tpu.memory_space<vmem>>
    %dma_start3A_508 = arith.constant 0 : i32
    %dma_start3A_509 = arith.constant 0 : i32
    %dma_start3A_510 = tpu.memref_slice %arg2[%dma_start3A_508, %dma_start3A_509] : memref<1437696x32xf32, #tpu.memory_space<hbm>> -> memref<1437696x32xf32, #tpu.memory_space<hbm>>
    tpu.enqueue_indirect_dma source(%dma_start3A_510 : memref<1437696x32xf32, #tpu.memory_space<hbm>>) target(%arg6 : memref<1664x32xf32, #tpu.memory_space<vmem>>) offsets(%dma_start3A_507 : memref<1664xi32, #tpu.memory_space<vmem>>) semaphore(%arg7 : memref<!tpu.dma_semaphore, #tpu.memory_space<semaphore_mem>>) {add = true}
    %scan3A_511 = arith.constant 0 : i32
    %scan3A_512 = arith.constant 0 : i32
    %scan3A_513 = arith.constant 104 : i32
    %scan3A_514 = arith.addi %scan3A_512, %scan3A_513 : i32
    %scan3A_515 = arith.constant 1 : i32
    scf.for %scan3A_811 = %scan3A_512 to %scan3A_514 step %scan3A_515  : i32 {
      %add3A_812 = arith.constant 1248 : i32
      %add3A_813 = arith.addi %add3A_812, %scan3A_811 : i32
      %mul3A_814 = arith.constant 16 : i32
      %mul3A_815 = arith.muli %add3A_813, %mul3A_814 : i32
      %get3A = arith.index_cast %mul3A_815 : i32 to index
      %get3A_816 = tpu.vector_load %arg5[%get3A] {strides = array<i32>} : memref<44928xi32, #tpu.memory_space<vmem>>, vector<16xi32>,
      %get3A_817 = vector.shape_cast %get3A_816 : vector<16xi32> to vector<16xi32>
      %add3A_818 = arith.constant 638976 : i32
      %add3A_819 = vector.broadcast %add3A_818 : i32 to vector<16xi32>
      %add3A_820 = arith.addi %get3A_817, %add3A_819 : vector<16xi32>
      %swap3A = arith.index_cast %mul3A_815 : i32 to index
      %swap3A_821 = tpu.vector_load %arg5[%swap3A] {strides = array<i32>} : memref<44928xi32, #tpu.memory_space<vmem>>, vector<16xi32>,
      %swap3A_822 = vector.shape_cast %swap3A_821 : vector<16xi32> to vector<16xi32>
      %swap3A_823 = vector.shape_cast %add3A_820 : vector<16xi32> to vector<16xi32>
      tpu.vector_store %arg5[%swap3A], %swap3A_823 {strides = array<i32>} : memref<44928xi32, #tpu.memory_space<vmem>>, vector<16xi32>,
    }
    %scan3A_516 = arith.constant 104 : i32
    %dma_start3A_517 = arith.constant 19968 : i32
    %dma_start3A_518 = tpu.memref_slice %arg5[%dma_start3A_517] : memref<44928xi32, #tpu.memory_space<vmem>> -> memref<1664xi32, #tpu.memory_space<vmem>>
    %dma_start3A_519 = arith.constant 0 : i32
    %dma_start3A_520 = arith.constant 0 : i32
    %dma_start3A_521 = tpu.memref_slice %arg2[%dma_start3A_519, %dma_start3A_520] : memref<1437696x32xf32, #tpu.memory_space<hbm>> -> memref<1437696x32xf32, #tpu.memory_space<hbm>>
    tpu.enqueue_indirect_dma source(%dma_start3A_521 : memref<1437696x32xf32, #tpu.memory_space<hbm>>) target(%arg6 : memref<1664x32xf32, #tpu.memory_space<vmem>>) offsets(%dma_start3A_518 : memref<1664xi32, #tpu.memory_space<vmem>>) semaphore(%arg7 : memref<!tpu.dma_semaphore, #tpu.memory_space<semaphore_mem>>) {add = true}
    %scan3A_522 = arith.constant 0 : i32
    %scan3A_523 = arith.constant 0 : i32
    %scan3A_524 = arith.constant 104 : i32
    %scan3A_525 = arith.addi %scan3A_523, %scan3A_524 : i32
    %scan3A_526 = arith.constant 1 : i32
    scf.for %scan3A_811 = %scan3A_523 to %scan3A_525 step %scan3A_526  : i32 {
      %add3A_812 = arith.constant 1352 : i32
      %add3A_813 = arith.addi %add3A_812, %scan3A_811 : i32
      %mul3A_814 = arith.constant 16 : i32
      %mul3A_815 = arith.muli %add3A_813, %mul3A_814 : i32
      %get3A = arith.index_cast %mul3A_815 : i32 to index
      %get3A_816 = tpu.vector_load %arg5[%get3A] {strides = array<i32>} : memref<44928xi32, #tpu.memory_space<vmem>>, vector<16xi32>,
      %get3A_817 = vector.shape_cast %get3A_816 : vector<16xi32> to vector<16xi32>
      %add3A_818 = arith.constant 692224 : i32
      %add3A_819 = vector.broadcast %add3A_818 : i32 to vector<16xi32>
      %add3A_820 = arith.addi %get3A_817, %add3A_819 : vector<16xi32>
      %swap3A = arith.index_cast %mul3A_815 : i32 to index
      %swap3A_821 = tpu.vector_load %arg5[%swap3A] {strides = array<i32>} : memref<44928xi32, #tpu.memory_space<vmem>>, vector<16xi32>,
      %swap3A_822 = vector.shape_cast %swap3A_821 : vector<16xi32> to vector<16xi32>
      %swap3A_823 = vector.shape_cast %add3A_820 : vector<16xi32> to vector<16xi32>
      tpu.vector_store %arg5[%swap3A], %swap3A_823 {strides = array<i32>} : memref<44928xi32, #tpu.memory_space<vmem>>, vector<16xi32>,
    }
    %scan3A_527 = arith.constant 104 : i32
    %dma_start3A_528 = arith.constant 21632 : i32
    %dma_start3A_529 = tpu.memref_slice %arg5[%dma_start3A_528] : memref<44928xi32, #tpu.memory_space<vmem>> -> memref<1664xi32, #tpu.memory_space<vmem>>
    %dma_start3A_530 = arith.constant 0 : i32
    %dma_start3A_531 = arith.constant 0 : i32
    %dma_start3A_532 = tpu.memref_slice %arg2[%dma_start3A_530, %dma_start3A_531] : memref<1437696x32xf32, #tpu.memory_space<hbm>> -> memref<1437696x32xf32, #tpu.memory_space<hbm>>
    tpu.enqueue_indirect_dma source(%dma_start3A_532 : memref<1437696x32xf32, #tpu.memory_space<hbm>>) target(%arg6 : memref<1664x32xf32, #tpu.memory_space<vmem>>) offsets(%dma_start3A_529 : memref<1664xi32, #tpu.memory_space<vmem>>) semaphore(%arg7 : memref<!tpu.dma_semaphore, #tpu.memory_space<semaphore_mem>>) {add = true}
    %scan3A_533 = arith.constant 0 : i32
    %scan3A_534 = arith.constant 0 : i32
    %scan3A_535 = arith.constant 104 : i32
    %scan3A_536 = arith.addi %scan3A_534, %scan3A_535 : i32
    %scan3A_537 = arith.constant 1 : i32
    scf.for %scan3A_811 = %scan3A_534 to %scan3A_536 step %scan3A_537  : i32 {
      %add3A_812 = arith.constant 1456 : i32
      %add3A_813 = arith.addi %add3A_812, %scan3A_811 : i32
      %mul3A_814 = arith.constant 16 : i32
      %mul3A_815 = arith.muli %add3A_813, %mul3A_814 : i32
      %get3A = arith.index_cast %mul3A_815 : i32 to index
      %get3A_816 = tpu.vector_load %arg5[%get3A] {strides = array<i32>} : memref<44928xi32, #tpu.memory_space<vmem>>, vector<16xi32>,
      %get3A_817 = vector.shape_cast %get3A_816 : vector<16xi32> to vector<16xi32>
      %add3A_818 = arith.constant 745472 : i32
      %add3A_819 = vector.broadcast %add3A_818 : i32 to vector<16xi32>
      %add3A_820 = arith.addi %get3A_817, %add3A_819 : vector<16xi32>
      %swap3A = arith.index_cast %mul3A_815 : i32 to index
      %swap3A_821 = tpu.vector_load %arg5[%swap3A] {strides = array<i32>} : memref<44928xi32, #tpu.memory_space<vmem>>, vector<16xi32>,
      %swap3A_822 = vector.shape_cast %swap3A_821 : vector<16xi32> to vector<16xi32>
      %swap3A_823 = vector.shape_cast %add3A_820 : vector<16xi32> to vector<16xi32>
      tpu.vector_store %arg5[%swap3A], %swap3A_823 {strides = array<i32>} : memref<44928xi32, #tpu.memory_space<vmem>>, vector<16xi32>,
    }
    %scan3A_538 = arith.constant 104 : i32
    %dma_start3A_539 = arith.constant 23296 : i32
    %dma_start3A_540 = tpu.memref_slice %arg5[%dma_start3A_539] : memref<44928xi32, #tpu.memory_space<vmem>> -> memref<1664xi32, #tpu.memory_space<vmem>>
    %dma_start3A_541 = arith.constant 0 : i32
    %dma_start3A_542 = arith.constant 0 : i32
    %dma_start3A_543 = tpu.memref_slice %arg2[%dma_start3A_541, %dma_start3A_542] : memref<1437696x32xf32, #tpu.memory_space<hbm>> -> memref<1437696x32xf32, #tpu.memory_space<hbm>>
    tpu.enqueue_indirect_dma source(%dma_start3A_543 : memref<1437696x32xf32, #tpu.memory_space<hbm>>) target(%arg6 : memref<1664x32xf32, #tpu.memory_space<vmem>>) offsets(%dma_start3A_540 : memref<1664xi32, #tpu.memory_space<vmem>>) semaphore(%arg7 : memref<!tpu.dma_semaphore, #tpu.memory_space<semaphore_mem>>) {add = true}
    %scan3A_544 = arith.constant 0 : i32
    %scan3A_545 = arith.constant 0 : i32
    %scan3A_546 = arith.constant 104 : i32
    %scan3A_547 = arith.addi %scan3A_545, %scan3A_546 : i32
    %scan3A_548 = arith.constant 1 : i32
    scf.for %scan3A_811 = %scan3A_545 to %scan3A_547 step %scan3A_548  : i32 {
      %add3A_812 = arith.constant 1560 : i32
      %add3A_813 = arith.addi %add3A_812, %scan3A_811 : i32
      %mul3A_814 = arith.constant 16 : i32
      %mul3A_815 = arith.muli %add3A_813, %mul3A_814 : i32
      %get3A = arith.index_cast %mul3A_815 : i32 to index
      %get3A_816 = tpu.vector_load %arg5[%get3A] {strides = array<i32>} : memref<44928xi32, #tpu.memory_space<vmem>>, vector<16xi32>,
      %get3A_817 = vector.shape_cast %get3A_816 : vector<16xi32> to vector<16xi32>
      %add3A_818 = arith.constant 798720 : i32
      %add3A_819 = vector.broadcast %add3A_818 : i32 to vector<16xi32>
      %add3A_820 = arith.addi %get3A_817, %add3A_819 : vector<16xi32>
      %swap3A = arith.index_cast %mul3A_815 : i32 to index
      %swap3A_821 = tpu.vector_load %arg5[%swap3A] {strides = array<i32>} : memref<44928xi32, #tpu.memory_space<vmem>>, vector<16xi32>,
      %swap3A_822 = vector.shape_cast %swap3A_821 : vector<16xi32> to vector<16xi32>
      %swap3A_823 = vector.shape_cast %add3A_820 : vector<16xi32> to vector<16xi32>
      tpu.vector_store %arg5[%swap3A], %swap3A_823 {strides = array<i32>} : memref<44928xi32, #tpu.memory_space<vmem>>, vector<16xi32>,
    }
    %scan3A_549 = arith.constant 104 : i32
    %dma_start3A_550 = arith.constant 24960 : i32
    %dma_start3A_551 = tpu.memref_slice %arg5[%dma_start3A_550] : memref<44928xi32, #tpu.memory_space<vmem>> -> memref<1664xi32, #tpu.memory_space<vmem>>
    %dma_start3A_552 = arith.constant 0 : i32
    %dma_start3A_553 = arith.constant 0 : i32
    %dma_start3A_554 = tpu.memref_slice %arg2[%dma_start3A_552, %dma_start3A_553] : memref<1437696x32xf32, #tpu.memory_space<hbm>> -> memref<1437696x32xf32, #tpu.memory_space<hbm>>
    tpu.enqueue_indirect_dma source(%dma_start3A_554 : memref<1437696x32xf32, #tpu.memory_space<hbm>>) target(%arg6 : memref<1664x32xf32, #tpu.memory_space<vmem>>) offsets(%dma_start3A_551 : memref<1664xi32, #tpu.memory_space<vmem>>) semaphore(%arg7 : memref<!tpu.dma_semaphore, #tpu.memory_space<semaphore_mem>>) {add = true}
    %scan3A_555 = arith.constant 0 : i32
    %scan3A_556 = arith.constant 0 : i32
    %scan3A_557 = arith.constant 104 : i32
    %scan3A_558 = arith.addi %scan3A_556, %scan3A_557 : i32
    %scan3A_559 = arith.constant 1 : i32
    scf.for %scan3A_811 = %scan3A_556 to %scan3A_558 step %scan3A_559  : i32 {
      %add3A_812 = arith.constant 1664 : i32
      %add3A_813 = arith.addi %add3A_812, %scan3A_811 : i32
      %mul3A_814 = arith.constant 16 : i32
      %mul3A_815 = arith.muli %add3A_813, %mul3A_814 : i32
      %get3A = arith.index_cast %mul3A_815 : i32 to index
      %get3A_816 = tpu.vector_load %arg5[%get3A] {strides = array<i32>} : memref<44928xi32, #tpu.memory_space<vmem>>, vector<16xi32>,
      %get3A_817 = vector.shape_cast %get3A_816 : vector<16xi32> to vector<16xi32>
      %add3A_818 = arith.constant 851968 : i32
      %add3A_819 = vector.broadcast %add3A_818 : i32 to vector<16xi32>
      %add3A_820 = arith.addi %get3A_817, %add3A_819 : vector<16xi32>
      %swap3A = arith.index_cast %mul3A_815 : i32 to index
      %swap3A_821 = tpu.vector_load %arg5[%swap3A] {strides = array<i32>} : memref<44928xi32, #tpu.memory_space<vmem>>, vector<16xi32>,
      %swap3A_822 = vector.shape_cast %swap3A_821 : vector<16xi32> to vector<16xi32>
      %swap3A_823 = vector.shape_cast %add3A_820 : vector<16xi32> to vector<16xi32>
      tpu.vector_store %arg5[%swap3A], %swap3A_823 {strides = array<i32>} : memref<44928xi32, #tpu.memory_space<vmem>>, vector<16xi32>,
    }
    %scan3A_560 = arith.constant 104 : i32
    %dma_start3A_561 = arith.constant 26624 : i32
    %dma_start3A_562 = tpu.memref_slice %arg5[%dma_start3A_561] : memref<44928xi32, #tpu.memory_space<vmem>> -> memref<1664xi32, #tpu.memory_space<vmem>>
    %dma_start3A_563 = arith.constant 0 : i32
    %dma_start3A_564 = arith.constant 0 : i32
    %dma_start3A_565 = tpu.memref_slice %arg2[%dma_start3A_563, %dma_start3A_564] : memref<1437696x32xf32, #tpu.memory_space<hbm>> -> memref<1437696x32xf32, #tpu.memory_space<hbm>>
    tpu.enqueue_indirect_dma source(%dma_start3A_565 : memref<1437696x32xf32, #tpu.memory_space<hbm>>) target(%arg6 : memref<1664x32xf32, #tpu.memory_space<vmem>>) offsets(%dma_start3A_562 : memref<1664xi32, #tpu.memory_space<vmem>>) semaphore(%arg7 : memref<!tpu.dma_semaphore, #tpu.memory_space<semaphore_mem>>) {add = true}
    %scan3A_566 = arith.constant 0 : i32
    %scan3A_567 = arith.constant 0 : i32
    %scan3A_568 = arith.constant 104 : i32
    %scan3A_569 = arith.addi %scan3A_567, %scan3A_568 : i32
    %scan3A_570 = arith.constant 1 : i32
    scf.for %scan3A_811 = %scan3A_567 to %scan3A_569 step %scan3A_570  : i32 {
      %add3A_812 = arith.constant 1768 : i32
      %add3A_813 = arith.addi %add3A_812, %scan3A_811 : i32
      %mul3A_814 = arith.constant 16 : i32
      %mul3A_815 = arith.muli %add3A_813, %mul3A_814 : i32
      %get3A = arith.index_cast %mul3A_815 : i32 to index
      %get3A_816 = tpu.vector_load %arg5[%get3A] {strides = array<i32>} : memref<44928xi32, #tpu.memory_space<vmem>>, vector<16xi32>,
      %get3A_817 = vector.shape_cast %get3A_816 : vector<16xi32> to vector<16xi32>
      %add3A_818 = arith.constant 905216 : i32
      %add3A_819 = vector.broadcast %add3A_818 : i32 to vector<16xi32>
      %add3A_820 = arith.addi %get3A_817, %add3A_819 : vector<16xi32>
      %swap3A = arith.index_cast %mul3A_815 : i32 to index
      %swap3A_821 = tpu.vector_load %arg5[%swap3A] {strides = array<i32>} : memref<44928xi32, #tpu.memory_space<vmem>>, vector<16xi32>,
      %swap3A_822 = vector.shape_cast %swap3A_821 : vector<16xi32> to vector<16xi32>
      %swap3A_823 = vector.shape_cast %add3A_820 : vector<16xi32> to vector<16xi32>
      tpu.vector_store %arg5[%swap3A], %swap3A_823 {strides = array<i32>} : memref<44928xi32, #tpu.memory_space<vmem>>, vector<16xi32>,
    }
    %scan3A_571 = arith.constant 104 : i32
    %dma_start3A_572 = arith.constant 28288 : i32
    %dma_start3A_573 = tpu.memref_slice %arg5[%dma_start3A_572] : memref<44928xi32, #tpu.memory_space<vmem>> -> memref<1664xi32, #tpu.memory_space<vmem>>
    %dma_start3A_574 = arith.constant 0 : i32
    %dma_start3A_575 = arith.constant 0 : i32
    %dma_start3A_576 = tpu.memref_slice %arg2[%dma_start3A_574, %dma_start3A_575] : memref<1437696x32xf32, #tpu.memory_space<hbm>> -> memref<1437696x32xf32, #tpu.memory_space<hbm>>
    tpu.enqueue_indirect_dma source(%dma_start3A_576 : memref<1437696x32xf32, #tpu.memory_space<hbm>>) target(%arg6 : memref<1664x32xf32, #tpu.memory_space<vmem>>) offsets(%dma_start3A_573 : memref<1664xi32, #tpu.memory_space<vmem>>) semaphore(%arg7 : memref<!tpu.dma_semaphore, #tpu.memory_space<semaphore_mem>>) {add = true}
    %scan3A_577 = arith.constant 0 : i32
    %scan3A_578 = arith.constant 0 : i32
    %scan3A_579 = arith.constant 104 : i32
    %scan3A_580 = arith.addi %scan3A_578, %scan3A_579 : i32
    %scan3A_581 = arith.constant 1 : i32
    scf.for %scan3A_811 = %scan3A_578 to %scan3A_580 step %scan3A_581  : i32 {
      %add3A_812 = arith.constant 1872 : i32
      %add3A_813 = arith.addi %add3A_812, %scan3A_811 : i32
      %mul3A_814 = arith.constant 16 : i32
      %mul3A_815 = arith.muli %add3A_813, %mul3A_814 : i32
      %get3A = arith.index_cast %mul3A_815 : i32 to index
      %get3A_816 = tpu.vector_load %arg5[%get3A] {strides = array<i32>} : memref<44928xi32, #tpu.memory_space<vmem>>, vector<16xi32>,
      %get3A_817 = vector.shape_cast %get3A_816 : vector<16xi32> to vector<16xi32>
      %add3A_818 = arith.constant 958464 : i32
      %add3A_819 = vector.broadcast %add3A_818 : i32 to vector<16xi32>
      %add3A_820 = arith.addi %get3A_817, %add3A_819 : vector<16xi32>
      %swap3A = arith.index_cast %mul3A_815 : i32 to index
      %swap3A_821 = tpu.vector_load %arg5[%swap3A] {strides = array<i32>} : memref<44928xi32, #tpu.memory_space<vmem>>, vector<16xi32>,
      %swap3A_822 = vector.shape_cast %swap3A_821 : vector<16xi32> to vector<16xi32>
      %swap3A_823 = vector.shape_cast %add3A_820 : vector<16xi32> to vector<16xi32>
      tpu.vector_store %arg5[%swap3A], %swap3A_823 {strides = array<i32>} : memref<44928xi32, #tpu.memory_space<vmem>>, vector<16xi32>,
    }
    %scan3A_582 = arith.constant 104 : i32
    %dma_start3A_583 = arith.constant 29952 : i32
    %dma_start3A_584 = tpu.memref_slice %arg5[%dma_start3A_583] : memref<44928xi32, #tpu.memory_space<vmem>> -> memref<1664xi32, #tpu.memory_space<vmem>>
    %dma_start3A_585 = arith.constant 0 : i32
    %dma_start3A_586 = arith.constant 0 : i32
    %dma_start3A_587 = tpu.memref_slice %arg2[%dma_start3A_585, %dma_start3A_586] : memref<1437696x32xf32, #tpu.memory_space<hbm>> -> memref<1437696x32xf32, #tpu.memory_space<hbm>>
    tpu.enqueue_indirect_dma source(%dma_start3A_587 : memref<1437696x32xf32, #tpu.memory_space<hbm>>) target(%arg6 : memref<1664x32xf32, #tpu.memory_space<vmem>>) offsets(%dma_start3A_584 : memref<1664xi32, #tpu.memory_space<vmem>>) semaphore(%arg7 : memref<!tpu.dma_semaphore, #tpu.memory_space<semaphore_mem>>) {add = true}
    %scan3A_588 = arith.constant 0 : i32
    %scan3A_589 = arith.constant 0 : i32
    %scan3A_590 = arith.constant 104 : i32
    %scan3A_591 = arith.addi %scan3A_589, %scan3A_590 : i32
    %scan3A_592 = arith.constant 1 : i32
    scf.for %scan3A_811 = %scan3A_589 to %scan3A_591 step %scan3A_592  : i32 {
      %add3A_812 = arith.constant 1976 : i32
      %add3A_813 = arith.addi %add3A_812, %scan3A_811 : i32
      %mul3A_814 = arith.constant 16 : i32
      %mul3A_815 = arith.muli %add3A_813, %mul3A_814 : i32
      %get3A = arith.index_cast %mul3A_815 : i32 to index
      %get3A_816 = tpu.vector_load %arg5[%get3A] {strides = array<i32>} : memref<44928xi32, #tpu.memory_space<vmem>>, vector<16xi32>,
      %get3A_817 = vector.shape_cast %get3A_816 : vector<16xi32> to vector<16xi32>
      %add3A_818 = arith.constant 1011712 : i32
      %add3A_819 = vector.broadcast %add3A_818 : i32 to vector<16xi32>
      %add3A_820 = arith.addi %get3A_817, %add3A_819 : vector<16xi32>
      %swap3A = arith.index_cast %mul3A_815 : i32 to index
      %swap3A_821 = tpu.vector_load %arg5[%swap3A] {strides = array<i32>} : memref<44928xi32, #tpu.memory_space<vmem>>, vector<16xi32>,
      %swap3A_822 = vector.shape_cast %swap3A_821 : vector<16xi32> to vector<16xi32>
      %swap3A_823 = vector.shape_cast %add3A_820 : vector<16xi32> to vector<16xi32>
      tpu.vector_store %arg5[%swap3A], %swap3A_823 {strides = array<i32>} : memref<44928xi32, #tpu.memory_space<vmem>>, vector<16xi32>,
    }
    %scan3A_593 = arith.constant 104 : i32
    %dma_start3A_594 = arith.constant 31616 : i32
    %dma_start3A_595 = tpu.memref_slice %arg5[%dma_start3A_594] : memref<44928xi32, #tpu.memory_space<vmem>> -> memref<1664xi32, #tpu.memory_space<vmem>>
    %dma_start3A_596 = arith.constant 0 : i32
    %dma_start3A_597 = arith.constant 0 : i32
    %dma_start3A_598 = tpu.memref_slice %arg2[%dma_start3A_596, %dma_start3A_597] : memref<1437696x32xf32, #tpu.memory_space<hbm>> -> memref<1437696x32xf32, #tpu.memory_space<hbm>>
    tpu.enqueue_indirect_dma source(%dma_start3A_598 : memref<1437696x32xf32, #tpu.memory_space<hbm>>) target(%arg6 : memref<1664x32xf32, #tpu.memory_space<vmem>>) offsets(%dma_start3A_595 : memref<1664xi32, #tpu.memory_space<vmem>>) semaphore(%arg7 : memref<!tpu.dma_semaphore, #tpu.memory_space<semaphore_mem>>) {add = true}
    %scan3A_599 = arith.constant 0 : i32
    %scan3A_600 = arith.constant 0 : i32
    %scan3A_601 = arith.constant 104 : i32
    %scan3A_602 = arith.addi %scan3A_600, %scan3A_601 : i32
    %scan3A_603 = arith.constant 1 : i32
    scf.for %scan3A_811 = %scan3A_600 to %scan3A_602 step %scan3A_603  : i32 {
      %add3A_812 = arith.constant 2080 : i32
      %add3A_813 = arith.addi %add3A_812, %scan3A_811 : i32
      %mul3A_814 = arith.constant 16 : i32
      %mul3A_815 = arith.muli %add3A_813, %mul3A_814 : i32
      %get3A = arith.index_cast %mul3A_815 : i32 to index
      %get3A_816 = tpu.vector_load %arg5[%get3A] {strides = array<i32>} : memref<44928xi32, #tpu.memory_space<vmem>>, vector<16xi32>,
      %get3A_817 = vector.shape_cast %get3A_816 : vector<16xi32> to vector<16xi32>
      %add3A_818 = arith.constant 1064960 : i32
      %add3A_819 = vector.broadcast %add3A_818 : i32 to vector<16xi32>
      %add3A_820 = arith.addi %get3A_817, %add3A_819 : vector<16xi32>
      %swap3A = arith.index_cast %mul3A_815 : i32 to index
      %swap3A_821 = tpu.vector_load %arg5[%swap3A] {strides = array<i32>} : memref<44928xi32, #tpu.memory_space<vmem>>, vector<16xi32>,
      %swap3A_822 = vector.shape_cast %swap3A_821 : vector<16xi32> to vector<16xi32>
      %swap3A_823 = vector.shape_cast %add3A_820 : vector<16xi32> to vector<16xi32>
      tpu.vector_store %arg5[%swap3A], %swap3A_823 {strides = array<i32>} : memref<44928xi32, #tpu.memory_space<vmem>>, vector<16xi32>,
    }
    %scan3A_604 = arith.constant 104 : i32
    %dma_start3A_605 = arith.constant 33280 : i32
    %dma_start3A_606 = tpu.memref_slice %arg5[%dma_start3A_605] : memref<44928xi32, #tpu.memory_space<vmem>> -> memref<1664xi32, #tpu.memory_space<vmem>>
    %dma_start3A_607 = arith.constant 0 : i32
    %dma_start3A_608 = arith.constant 0 : i32
    %dma_start3A_609 = tpu.memref_slice %arg2[%dma_start3A_607, %dma_start3A_608] : memref<1437696x32xf32, #tpu.memory_space<hbm>> -> memref<1437696x32xf32, #tpu.memory_space<hbm>>
    tpu.enqueue_indirect_dma source(%dma_start3A_609 : memref<1437696x32xf32, #tpu.memory_space<hbm>>) target(%arg6 : memref<1664x32xf32, #tpu.memory_space<vmem>>) offsets(%dma_start3A_606 : memref<1664xi32, #tpu.memory_space<vmem>>) semaphore(%arg7 : memref<!tpu.dma_semaphore, #tpu.memory_space<semaphore_mem>>) {add = true}
    %scan3A_610 = arith.constant 0 : i32
    %scan3A_611 = arith.constant 0 : i32
    %scan3A_612 = arith.constant 104 : i32
    %scan3A_613 = arith.addi %scan3A_611, %scan3A_612 : i32
    %scan3A_614 = arith.constant 1 : i32
    scf.for %scan3A_811 = %scan3A_611 to %scan3A_613 step %scan3A_614  : i32 {
      %add3A_812 = arith.constant 2184 : i32
      %add3A_813 = arith.addi %add3A_812, %scan3A_811 : i32
      %mul3A_814 = arith.constant 16 : i32
      %mul3A_815 = arith.muli %add3A_813, %mul3A_814 : i32
      %get3A = arith.index_cast %mul3A_815 : i32 to index
      %get3A_816 = tpu.vector_load %arg5[%get3A] {strides = array<i32>} : memref<44928xi32, #tpu.memory_space<vmem>>, vector<16xi32>,
      %get3A_817 = vector.shape_cast %get3A_816 : vector<16xi32> to vector<16xi32>
      %add3A_818 = arith.constant 1118208 : i32
      %add3A_819 = vector.broadcast %add3A_818 : i32 to vector<16xi32>
      %add3A_820 = arith.addi %get3A_817, %add3A_819 : vector<16xi32>
      %swap3A = arith.index_cast %mul3A_815 : i32 to index
      %swap3A_821 = tpu.vector_load %arg5[%swap3A] {strides = array<i32>} : memref<44928xi32, #tpu.memory_space<vmem>>, vector<16xi32>,
      %swap3A_822 = vector.shape_cast %swap3A_821 : vector<16xi32> to vector<16xi32>
      %swap3A_823 = vector.shape_cast %add3A_820 : vector<16xi32> to vector<16xi32>
      tpu.vector_store %arg5[%swap3A], %swap3A_823 {strides = array<i32>} : memref<44928xi32, #tpu.memory_space<vmem>>, vector<16xi32>,
    }
    %scan3A_615 = arith.constant 104 : i32
    %dma_start3A_616 = arith.constant 34944 : i32
    %dma_start3A_617 = tpu.memref_slice %arg5[%dma_start3A_616] : memref<44928xi32, #tpu.memory_space<vmem>> -> memref<1664xi32, #tpu.memory_space<vmem>>
    %dma_start3A_618 = arith.constant 0 : i32
    %dma_start3A_619 = arith.constant 0 : i32
    %dma_start3A_620 = tpu.memref_slice %arg2[%dma_start3A_618, %dma_start3A_619] : memref<1437696x32xf32, #tpu.memory_space<hbm>> -> memref<1437696x32xf32, #tpu.memory_space<hbm>>
    tpu.enqueue_indirect_dma source(%dma_start3A_620 : memref<1437696x32xf32, #tpu.memory_space<hbm>>) target(%arg6 : memref<1664x32xf32, #tpu.memory_space<vmem>>) offsets(%dma_start3A_617 : memref<1664xi32, #tpu.memory_space<vmem>>) semaphore(%arg7 : memref<!tpu.dma_semaphore, #tpu.memory_space<semaphore_mem>>) {add = true}
    %scan3A_621 = arith.constant 0 : i32
    %scan3A_622 = arith.constant 0 : i32
    %scan3A_623 = arith.constant 104 : i32
    %scan3A_624 = arith.addi %scan3A_622, %scan3A_623 : i32
    %scan3A_625 = arith.constant 1 : i32
    scf.for %scan3A_811 = %scan3A_622 to %scan3A_624 step %scan3A_625  : i32 {
      %add3A_812 = arith.constant 2288 : i32
      %add3A_813 = arith.addi %add3A_812, %scan3A_811 : i32
      %mul3A_814 = arith.constant 16 : i32
      %mul3A_815 = arith.muli %add3A_813, %mul3A_814 : i32
      %get3A = arith.index_cast %mul3A_815 : i32 to index
      %get3A_816 = tpu.vector_load %arg5[%get3A] {strides = array<i32>} : memref<44928xi32, #tpu.memory_space<vmem>>, vector<16xi32>,
      %get3A_817 = vector.shape_cast %get3A_816 : vector<16xi32> to vector<16xi32>
      %add3A_818 = arith.constant 1171456 : i32
      %add3A_819 = vector.broadcast %add3A_818 : i32 to vector<16xi32>
      %add3A_820 = arith.addi %get3A_817, %add3A_819 : vector<16xi32>
      %swap3A = arith.index_cast %mul3A_815 : i32 to index
      %swap3A_821 = tpu.vector_load %arg5[%swap3A] {strides = array<i32>} : memref<44928xi32, #tpu.memory_space<vmem>>, vector<16xi32>,
      %swap3A_822 = vector.shape_cast %swap3A_821 : vector<16xi32> to vector<16xi32>
      %swap3A_823 = vector.shape_cast %add3A_820 : vector<16xi32> to vector<16xi32>
      tpu.vector_store %arg5[%swap3A], %swap3A_823 {strides = array<i32>} : memref<44928xi32, #tpu.memory_space<vmem>>, vector<16xi32>,
    }
    %scan3A_626 = arith.constant 104 : i32
    %dma_start3A_627 = arith.constant 36608 : i32
    %dma_start3A_628 = tpu.memref_slice %arg5[%dma_start3A_627] : memref<44928xi32, #tpu.memory_space<vmem>> -> memref<1664xi32, #tpu.memory_space<vmem>>
    %dma_start3A_629 = arith.constant 0 : i32
    %dma_start3A_630 = arith.constant 0 : i32
    %dma_start3A_631 = tpu.memref_slice %arg2[%dma_start3A_629, %dma_start3A_630] : memref<1437696x32xf32, #tpu.memory_space<hbm>> -> memref<1437696x32xf32, #tpu.memory_space<hbm>>
    tpu.enqueue_indirect_dma source(%dma_start3A_631 : memref<1437696x32xf32, #tpu.memory_space<hbm>>) target(%arg6 : memref<1664x32xf32, #tpu.memory_space<vmem>>) offsets(%dma_start3A_628 : memref<1664xi32, #tpu.memory_space<vmem>>) semaphore(%arg7 : memref<!tpu.dma_semaphore, #tpu.memory_space<semaphore_mem>>) {add = true}
    %scan3A_632 = arith.constant 0 : i32
    %scan3A_633 = arith.constant 0 : i32
    %scan3A_634 = arith.constant 104 : i32
    %scan3A_635 = arith.addi %scan3A_633, %scan3A_634 : i32
    %scan3A_636 = arith.constant 1 : i32
    scf.for %scan3A_811 = %scan3A_633 to %scan3A_635 step %scan3A_636  : i32 {
      %add3A_812 = arith.constant 2392 : i32
      %add3A_813 = arith.addi %add3A_812, %scan3A_811 : i32
      %mul3A_814 = arith.constant 16 : i32
      %mul3A_815 = arith.muli %add3A_813, %mul3A_814 : i32
      %get3A = arith.index_cast %mul3A_815 : i32 to index
      %get3A_816 = tpu.vector_load %arg5[%get3A] {strides = array<i32>} : memref<44928xi32, #tpu.memory_space<vmem>>, vector<16xi32>,
      %get3A_817 = vector.shape_cast %get3A_816 : vector<16xi32> to vector<16xi32>
      %add3A_818 = arith.constant 1224704 : i32
      %add3A_819 = vector.broadcast %add3A_818 : i32 to vector<16xi32>
      %add3A_820 = arith.addi %get3A_817, %add3A_819 : vector<16xi32>
      %swap3A = arith.index_cast %mul3A_815 : i32 to index
      %swap3A_821 = tpu.vector_load %arg5[%swap3A] {strides = array<i32>} : memref<44928xi32, #tpu.memory_space<vmem>>, vector<16xi32>,
      %swap3A_822 = vector.shape_cast %swap3A_821 : vector<16xi32> to vector<16xi32>
      %swap3A_823 = vector.shape_cast %add3A_820 : vector<16xi32> to vector<16xi32>
      tpu.vector_store %arg5[%swap3A], %swap3A_823 {strides = array<i32>} : memref<44928xi32, #tpu.memory_space<vmem>>, vector<16xi32>,
    }
    %scan3A_637 = arith.constant 104 : i32
    %dma_start3A_638 = arith.constant 38272 : i32
    %dma_start3A_639 = tpu.memref_slice %arg5[%dma_start3A_638] : memref<44928xi32, #tpu.memory_space<vmem>> -> memref<1664xi32, #tpu.memory_space<vmem>>
    %dma_start3A_640 = arith.constant 0 : i32
    %dma_start3A_641 = arith.constant 0 : i32
    %dma_start3A_642 = tpu.memref_slice %arg2[%dma_start3A_640, %dma_start3A_641] : memref<1437696x32xf32, #tpu.memory_space<hbm>> -> memref<1437696x32xf32, #tpu.memory_space<hbm>>
    tpu.enqueue_indirect_dma source(%dma_start3A_642 : memref<1437696x32xf32, #tpu.memory_space<hbm>>) target(%arg6 : memref<1664x32xf32, #tpu.memory_space<vmem>>) offsets(%dma_start3A_639 : memref<1664xi32, #tpu.memory_space<vmem>>) semaphore(%arg7 : memref<!tpu.dma_semaphore, #tpu.memory_space<semaphore_mem>>) {add = true}
    %scan3A_643 = arith.constant 0 : i32
    %scan3A_644 = arith.constant 0 : i32
    %scan3A_645 = arith.constant 104 : i32
    %scan3A_646 = arith.addi %scan3A_644, %scan3A_645 : i32
    %scan3A_647 = arith.constant 1 : i32
    scf.for %scan3A_811 = %scan3A_644 to %scan3A_646 step %scan3A_647  : i32 {
      %add3A_812 = arith.constant 2496 : i32
      %add3A_813 = arith.addi %add3A_812, %scan3A_811 : i32
      %mul3A_814 = arith.constant 16 : i32
      %mul3A_815 = arith.muli %add3A_813, %mul3A_814 : i32
      %get3A = arith.index_cast %mul3A_815 : i32 to index
      %get3A_816 = tpu.vector_load %arg5[%get3A] {strides = array<i32>} : memref<44928xi32, #tpu.memory_space<vmem>>, vector<16xi32>,
      %get3A_817 = vector.shape_cast %get3A_816 : vector<16xi32> to vector<16xi32>
      %add3A_818 = arith.constant 1277952 : i32
      %add3A_819 = vector.broadcast %add3A_818 : i32 to vector<16xi32>
      %add3A_820 = arith.addi %get3A_817, %add3A_819 : vector<16xi32>
      %swap3A = arith.index_cast %mul3A_815 : i32 to index
      %swap3A_821 = tpu.vector_load %arg5[%swap3A] {strides = array<i32>} : memref<44928xi32, #tpu.memory_space<vmem>>, vector<16xi32>,
      %swap3A_822 = vector.shape_cast %swap3A_821 : vector<16xi32> to vector<16xi32>
      %swap3A_823 = vector.shape_cast %add3A_820 : vector<16xi32> to vector<16xi32>
      tpu.vector_store %arg5[%swap3A], %swap3A_823 {strides = array<i32>} : memref<44928xi32, #tpu.memory_space<vmem>>, vector<16xi32>,
    }
    %scan3A_648 = arith.constant 104 : i32
    %dma_start3A_649 = arith.constant 39936 : i32
    %dma_start3A_650 = tpu.memref_slice %arg5[%dma_start3A_649] : memref<44928xi32, #tpu.memory_space<vmem>> -> memref<1664xi32, #tpu.memory_space<vmem>>
    %dma_start3A_651 = arith.constant 0 : i32
    %dma_start3A_652 = arith.constant 0 : i32
    %dma_start3A_653 = tpu.memref_slice %arg2[%dma_start3A_651, %dma_start3A_652] : memref<1437696x32xf32, #tpu.memory_space<hbm>> -> memref<1437696x32xf32, #tpu.memory_space<hbm>>
    tpu.enqueue_indirect_dma source(%dma_start3A_653 : memref<1437696x32xf32, #tpu.memory_space<hbm>>) target(%arg6 : memref<1664x32xf32, #tpu.memory_space<vmem>>) offsets(%dma_start3A_650 : memref<1664xi32, #tpu.memory_space<vmem>>) semaphore(%arg7 : memref<!tpu.dma_semaphore, #tpu.memory_space<semaphore_mem>>) {add = true}
    %scan3A_654 = arith.constant 0 : i32
    %scan3A_655 = arith.constant 0 : i32
    %scan3A_656 = arith.constant 104 : i32
    %scan3A_657 = arith.addi %scan3A_655, %scan3A_656 : i32
    %scan3A_658 = arith.constant 1 : i32
    scf.for %scan3A_811 = %scan3A_655 to %scan3A_657 step %scan3A_658  : i32 {
      %add3A_812 = arith.constant 2600 : i32
      %add3A_813 = arith.addi %add3A_812, %scan3A_811 : i32
      %mul3A_814 = arith.constant 16 : i32
      %mul3A_815 = arith.muli %add3A_813, %mul3A_814 : i32
      %get3A = arith.index_cast %mul3A_815 : i32 to index
      %get3A_816 = tpu.vector_load %arg5[%get3A] {strides = array<i32>} : memref<44928xi32, #tpu.memory_space<vmem>>, vector<16xi32>,
      %get3A_817 = vector.shape_cast %get3A_816 : vector<16xi32> to vector<16xi32>
      %add3A_818 = arith.constant 1331200 : i32
      %add3A_819 = vector.broadcast %add3A_818 : i32 to vector<16xi32>
      %add3A_820 = arith.addi %get3A_817, %add3A_819 : vector<16xi32>
      %swap3A = arith.index_cast %mul3A_815 : i32 to index
      %swap3A_821 = tpu.vector_load %arg5[%swap3A] {strides = array<i32>} : memref<44928xi32, #tpu.memory_space<vmem>>, vector<16xi32>,
      %swap3A_822 = vector.shape_cast %swap3A_821 : vector<16xi32> to vector<16xi32>
      %swap3A_823 = vector.shape_cast %add3A_820 : vector<16xi32> to vector<16xi32>
      tpu.vector_store %arg5[%swap3A], %swap3A_823 {strides = array<i32>} : memref<44928xi32, #tpu.memory_space<vmem>>, vector<16xi32>,
    }
    %scan3A_659 = arith.constant 104 : i32
    %dma_start3A_660 = arith.constant 41600 : i32
    %dma_start3A_661 = tpu.memref_slice %arg5[%dma_start3A_660] : memref<44928xi32, #tpu.memory_space<vmem>> -> memref<1664xi32, #tpu.memory_space<vmem>>
    %dma_start3A_662 = arith.constant 0 : i32
    %dma_start3A_663 = arith.constant 0 : i32
    %dma_start3A_664 = tpu.memref_slice %arg2[%dma_start3A_662, %dma_start3A_663] : memref<1437696x32xf32, #tpu.memory_space<hbm>> -> memref<1437696x32xf32, #tpu.memory_space<hbm>>
    tpu.enqueue_indirect_dma source(%dma_start3A_664 : memref<1437696x32xf32, #tpu.memory_space<hbm>>) target(%arg6 : memref<1664x32xf32, #tpu.memory_space<vmem>>) offsets(%dma_start3A_661 : memref<1664xi32, #tpu.memory_space<vmem>>) semaphore(%arg7 : memref<!tpu.dma_semaphore, #tpu.memory_space<semaphore_mem>>) {add = true}
    %scan3A_665 = arith.constant 0 : i32
    %scan3A_666 = arith.constant 0 : i32
    %scan3A_667 = arith.constant 104 : i32
    %scan3A_668 = arith.addi %scan3A_666, %scan3A_667 : i32
    %scan3A_669 = arith.constant 1 : i32
    scf.for %scan3A_811 = %scan3A_666 to %scan3A_668 step %scan3A_669  : i32 {
      %add3A_812 = arith.constant 2704 : i32
      %add3A_813 = arith.addi %add3A_812, %scan3A_811 : i32
      %mul3A_814 = arith.constant 16 : i32
      %mul3A_815 = arith.muli %add3A_813, %mul3A_814 : i32
      %get3A = arith.index_cast %mul3A_815 : i32 to index
      %get3A_816 = tpu.vector_load %arg5[%get3A] {strides = array<i32>} : memref<44928xi32, #tpu.memory_space<vmem>>, vector<16xi32>,
      %get3A_817 = vector.shape_cast %get3A_816 : vector<16xi32> to vector<16xi32>
      %add3A_818 = arith.constant 1384448 : i32
      %add3A_819 = vector.broadcast %add3A_818 : i32 to vector<16xi32>
      %add3A_820 = arith.addi %get3A_817, %add3A_819 : vector<16xi32>
      %swap3A = arith.index_cast %mul3A_815 : i32 to index
      %swap3A_821 = tpu.vector_load %arg5[%swap3A] {strides = array<i32>} : memref<44928xi32, #tpu.memory_space<vmem>>, vector<16xi32>,
      %swap3A_822 = vector.shape_cast %swap3A_821 : vector<16xi32> to vector<16xi32>
      %swap3A_823 = vector.shape_cast %add3A_820 : vector<16xi32> to vector<16xi32>
      tpu.vector_store %arg5[%swap3A], %swap3A_823 {strides = array<i32>} : memref<44928xi32, #tpu.memory_space<vmem>>, vector<16xi32>,
    }
    %scan3A_670 = arith.constant 104 : i32
    %dma_start3A_671 = arith.constant 43264 : i32
    %dma_start3A_672 = tpu.memref_slice %arg5[%dma_start3A_671] : memref<44928xi32, #tpu.memory_space<vmem>> -> memref<1664xi32, #tpu.memory_space<vmem>>
    %dma_start3A_673 = arith.constant 0 : i32
    %dma_start3A_674 = arith.constant 0 : i32
    %dma_start3A_675 = tpu.memref_slice %arg2[%dma_start3A_673, %dma_start3A_674] : memref<1437696x32xf32, #tpu.memory_space<hbm>> -> memref<1437696x32xf32, #tpu.memory_space<hbm>>
    tpu.enqueue_indirect_dma source(%dma_start3A_675 : memref<1437696x32xf32, #tpu.memory_space<hbm>>) target(%arg6 : memref<1664x32xf32, #tpu.memory_space<vmem>>) offsets(%dma_start3A_672 : memref<1664xi32, #tpu.memory_space<vmem>>) semaphore(%arg7 : memref<!tpu.dma_semaphore, #tpu.memory_space<semaphore_mem>>) {add = true}
    %dma_wait3A_676 = arith.constant 0 : i32
    %dma_wait3A_677 = tpu.memref_slice %arg5[%dma_wait3A_676] : memref<44928xi32, #tpu.memory_space<vmem>> -> memref<1664xi32, #tpu.memory_space<vmem>>
    %dma_wait3A_678 = arith.constant 0 : i32
    %dma_wait3A_679 = arith.constant 0 : i32
    %dma_wait3A_680 = tpu.memref_slice %arg2[%dma_wait3A_678, %dma_wait3A_679] : memref<1437696x32xf32, #tpu.memory_space<hbm>> -> memref<1437696x32xf32, #tpu.memory_space<hbm>>
    tpu.wait_indirect_dma semaphore(%arg7 : memref<!tpu.dma_semaphore, #tpu.memory_space<semaphore_mem>>) src(%dma_wait3A_680 : memref<1437696x32xf32, #tpu.memory_space<hbm>>) dst(%arg6 : memref<1664x32xf32, #tpu.memory_space<vmem>>)
    %dma_wait3A_681 = arith.constant 1664 : i32
    %dma_wait3A_682 = tpu.memref_slice %arg5[%dma_wait3A_681] : memref<44928xi32, #tpu.memory_space<vmem>> -> memref<1664xi32, #tpu.memory_space<vmem>>
    %dma_wait3A_683 = arith.constant 0 : i32
    %dma_wait3A_684 = arith.constant 0 : i32
    %dma_wait3A_685 = tpu.memref_slice %arg2[%dma_wait3A_683, %dma_wait3A_684] : memref<1437696x32xf32, #tpu.memory_space<hbm>> -> memref<1437696x32xf32, #tpu.memory_space<hbm>>
    tpu.wait_indirect_dma semaphore(%arg7 : memref<!tpu.dma_semaphore, #tpu.memory_space<semaphore_mem>>) src(%dma_wait3A_685 : memref<1437696x32xf32, #tpu.memory_space<hbm>>) dst(%arg6 : memref<1664x32xf32, #tpu.memory_space<vmem>>)
    %dma_wait3A_686 = arith.constant 3328 : i32
    %dma_wait3A_687 = tpu.memref_slice %arg5[%dma_wait3A_686] : memref<44928xi32, #tpu.memory_space<vmem>> -> memref<1664xi32, #tpu.memory_space<vmem>>
    %dma_wait3A_688 = arith.constant 0 : i32
    %dma_wait3A_689 = arith.constant 0 : i32
    %dma_wait3A_690 = tpu.memref_slice %arg2[%dma_wait3A_688, %dma_wait3A_689] : memref<1437696x32xf32, #tpu.memory_space<hbm>> -> memref<1437696x32xf32, #tpu.memory_space<hbm>>
    tpu.wait_indirect_dma semaphore(%arg7 : memref<!tpu.dma_semaphore, #tpu.memory_space<semaphore_mem>>) src(%dma_wait3A_690 : memref<1437696x32xf32, #tpu.memory_space<hbm>>) dst(%arg6 : memref<1664x32xf32, #tpu.memory_space<vmem>>)
    %dma_wait3A_691 = arith.constant 4992 : i32
    %dma_wait3A_692 = tpu.memref_slice %arg5[%dma_wait3A_691] : memref<44928xi32, #tpu.memory_space<vmem>> -> memref<1664xi32, #tpu.memory_space<vmem>>
    %dma_wait3A_693 = arith.constant 0 : i32
    %dma_wait3A_694 = arith.constant 0 : i32
    %dma_wait3A_695 = tpu.memref_slice %arg2[%dma_wait3A_693, %dma_wait3A_694] : memref<1437696x32xf32, #tpu.memory_space<hbm>> -> memref<1437696x32xf32, #tpu.memory_space<hbm>>
    tpu.wait_indirect_dma semaphore(%arg7 : memref<!tpu.dma_semaphore, #tpu.memory_space<semaphore_mem>>) src(%dma_wait3A_695 : memref<1437696x32xf32, #tpu.memory_space<hbm>>) dst(%arg6 : memref<1664x32xf32, #tpu.memory_space<vmem>>)
    %dma_wait3A_696 = arith.constant 6656 : i32
    %dma_wait3A_697 = tpu.memref_slice %arg5[%dma_wait3A_696] : memref<44928xi32, #tpu.memory_space<vmem>> -> memref<1664xi32, #tpu.memory_space<vmem>>
    %dma_wait3A_698 = arith.constant 0 : i32
    %dma_wait3A_699 = arith.constant 0 : i32
    %dma_wait3A_700 = tpu.memref_slice %arg2[%dma_wait3A_698, %dma_wait3A_699] : memref<1437696x32xf32, #tpu.memory_space<hbm>> -> memref<1437696x32xf32, #tpu.memory_space<hbm>>
    tpu.wait_indirect_dma semaphore(%arg7 : memref<!tpu.dma_semaphore, #tpu.memory_space<semaphore_mem>>) src(%dma_wait3A_700 : memref<1437696x32xf32, #tpu.memory_space<hbm>>) dst(%arg6 : memref<1664x32xf32, #tpu.memory_space<vmem>>)
    %dma_wait3A_701 = arith.constant 8320 : i32
    %dma_wait3A_702 = tpu.memref_slice %arg5[%dma_wait3A_701] : memref<44928xi32, #tpu.memory_space<vmem>> -> memref<1664xi32, #tpu.memory_space<vmem>>
    %dma_wait3A_703 = arith.constant 0 : i32
    %dma_wait3A_704 = arith.constant 0 : i32
    %dma_wait3A_705 = tpu.memref_slice %arg2[%dma_wait3A_703, %dma_wait3A_704] : memref<1437696x32xf32, #tpu.memory_space<hbm>> -> memref<1437696x32xf32, #tpu.memory_space<hbm>>
    tpu.wait_indirect_dma semaphore(%arg7 : memref<!tpu.dma_semaphore, #tpu.memory_space<semaphore_mem>>) src(%dma_wait3A_705 : memref<1437696x32xf32, #tpu.memory_space<hbm>>) dst(%arg6 : memref<1664x32xf32, #tpu.memory_space<vmem>>)
    %dma_wait3A_706 = arith.constant 9984 : i32
    %dma_wait3A_707 = tpu.memref_slice %arg5[%dma_wait3A_706] : memref<44928xi32, #tpu.memory_space<vmem>> -> memref<1664xi32, #tpu.memory_space<vmem>>
    %dma_wait3A_708 = arith.constant 0 : i32
    %dma_wait3A_709 = arith.constant 0 : i32
    %dma_wait3A_710 = tpu.memref_slice %arg2[%dma_wait3A_708, %dma_wait3A_709] : memref<1437696x32xf32, #tpu.memory_space<hbm>> -> memref<1437696x32xf32, #tpu.memory_space<hbm>>
    tpu.wait_indirect_dma semaphore(%arg7 : memref<!tpu.dma_semaphore, #tpu.memory_space<semaphore_mem>>) src(%dma_wait3A_710 : memref<1437696x32xf32, #tpu.memory_space<hbm>>) dst(%arg6 : memref<1664x32xf32, #tpu.memory_space<vmem>>)
    %dma_wait3A_711 = arith.constant 11648 : i32
    %dma_wait3A_712 = tpu.memref_slice %arg5[%dma_wait3A_711] : memref<44928xi32, #tpu.memory_space<vmem>> -> memref<1664xi32, #tpu.memory_space<vmem>>
    %dma_wait3A_713 = arith.constant 0 : i32
    %dma_wait3A_714 = arith.constant 0 : i32
    %dma_wait3A_715 = tpu.memref_slice %arg2[%dma_wait3A_713, %dma_wait3A_714] : memref<1437696x32xf32, #tpu.memory_space<hbm>> -> memref<1437696x32xf32, #tpu.memory_space<hbm>>
    tpu.wait_indirect_dma semaphore(%arg7 : memref<!tpu.dma_semaphore, #tpu.memory_space<semaphore_mem>>) src(%dma_wait3A_715 : memref<1437696x32xf32, #tpu.memory_space<hbm>>) dst(%arg6 : memref<1664x32xf32, #tpu.memory_space<vmem>>)
    %dma_wait3A_716 = arith.constant 13312 : i32
    %dma_wait3A_717 = tpu.memref_slice %arg5[%dma_wait3A_716] : memref<44928xi32, #tpu.memory_space<vmem>> -> memref<1664xi32, #tpu.memory_space<vmem>>
    %dma_wait3A_718 = arith.constant 0 : i32
    %dma_wait3A_719 = arith.constant 0 : i32
    %dma_wait3A_720 = tpu.memref_slice %arg2[%dma_wait3A_718, %dma_wait3A_719] : memref<1437696x32xf32, #tpu.memory_space<hbm>> -> memref<1437696x32xf32, #tpu.memory_space<hbm>>
    tpu.wait_indirect_dma semaphore(%arg7 : memref<!tpu.dma_semaphore, #tpu.memory_space<semaphore_mem>>) src(%dma_wait3A_720 : memref<1437696x32xf32, #tpu.memory_space<hbm>>) dst(%arg6 : memref<1664x32xf32, #tpu.memory_space<vmem>>)
    %dma_wait3A_721 = arith.constant 14976 : i32
    %dma_wait3A_722 = tpu.memref_slice %arg5[%dma_wait3A_721] : memref<44928xi32, #tpu.memory_space<vmem>> -> memref<1664xi32, #tpu.memory_space<vmem>>
    %dma_wait3A_723 = arith.constant 0 : i32
    %dma_wait3A_724 = arith.constant 0 : i32
    %dma_wait3A_725 = tpu.memref_slice %arg2[%dma_wait3A_723, %dma_wait3A_724] : memref<1437696x32xf32, #tpu.memory_space<hbm>> -> memref<1437696x32xf32, #tpu.memory_space<hbm>>
    tpu.wait_indirect_dma semaphore(%arg7 : memref<!tpu.dma_semaphore, #tpu.memory_space<semaphore_mem>>) src(%dma_wait3A_725 : memref<1437696x32xf32, #tpu.memory_space<hbm>>) dst(%arg6 : memref<1664x32xf32, #tpu.memory_space<vmem>>)
    %dma_wait3A_726 = arith.constant 16640 : i32
    %dma_wait3A_727 = tpu.memref_slice %arg5[%dma_wait3A_726] : memref<44928xi32, #tpu.memory_space<vmem>> -> memref<1664xi32, #tpu.memory_space<vmem>>
    %dma_wait3A_728 = arith.constant 0 : i32
    %dma_wait3A_729 = arith.constant 0 : i32
    %dma_wait3A_730 = tpu.memref_slice %arg2[%dma_wait3A_728, %dma_wait3A_729] : memref<1437696x32xf32, #tpu.memory_space<hbm>> -> memref<1437696x32xf32, #tpu.memory_space<hbm>>
    tpu.wait_indirect_dma semaphore(%arg7 : memref<!tpu.dma_semaphore, #tpu.memory_space<semaphore_mem>>) src(%dma_wait3A_730 : memref<1437696x32xf32, #tpu.memory_space<hbm>>) dst(%arg6 : memref<1664x32xf32, #tpu.memory_space<vmem>>)
    %dma_wait3A_731 = arith.constant 18304 : i32
    %dma_wait3A_732 = tpu.memref_slice %arg5[%dma_wait3A_731] : memref<44928xi32, #tpu.memory_space<vmem>> -> memref<1664xi32, #tpu.memory_space<vmem>>
    %dma_wait3A_733 = arith.constant 0 : i32
    %dma_wait3A_734 = arith.constant 0 : i32
    %dma_wait3A_735 = tpu.memref_slice %arg2[%dma_wait3A_733, %dma_wait3A_734] : memref<1437696x32xf32, #tpu.memory_space<hbm>> -> memref<1437696x32xf32, #tpu.memory_space<hbm>>
    tpu.wait_indirect_dma semaphore(%arg7 : memref<!tpu.dma_semaphore, #tpu.memory_space<semaphore_mem>>) src(%dma_wait3A_735 : memref<1437696x32xf32, #tpu.memory_space<hbm>>) dst(%arg6 : memref<1664x32xf32, #tpu.memory_space<vmem>>)
    %dma_wait3A_736 = arith.constant 19968 : i32
    %dma_wait3A_737 = tpu.memref_slice %arg5[%dma_wait3A_736] : memref<44928xi32, #tpu.memory_space<vmem>> -> memref<1664xi32, #tpu.memory_space<vmem>>
    %dma_wait3A_738 = arith.constant 0 : i32
    %dma_wait3A_739 = arith.constant 0 : i32
    %dma_wait3A_740 = tpu.memref_slice %arg2[%dma_wait3A_738, %dma_wait3A_739] : memref<1437696x32xf32, #tpu.memory_space<hbm>> -> memref<1437696x32xf32, #tpu.memory_space<hbm>>
    tpu.wait_indirect_dma semaphore(%arg7 : memref<!tpu.dma_semaphore, #tpu.memory_space<semaphore_mem>>) src(%dma_wait3A_740 : memref<1437696x32xf32, #tpu.memory_space<hbm>>) dst(%arg6 : memref<1664x32xf32, #tpu.memory_space<vmem>>)
    %dma_wait3A_741 = arith.constant 21632 : i32
    %dma_wait3A_742 = tpu.memref_slice %arg5[%dma_wait3A_741] : memref<44928xi32, #tpu.memory_space<vmem>> -> memref<1664xi32, #tpu.memory_space<vmem>>
    %dma_wait3A_743 = arith.constant 0 : i32
    %dma_wait3A_744 = arith.constant 0 : i32
    %dma_wait3A_745 = tpu.memref_slice %arg2[%dma_wait3A_743, %dma_wait3A_744] : memref<1437696x32xf32, #tpu.memory_space<hbm>> -> memref<1437696x32xf32, #tpu.memory_space<hbm>>
    tpu.wait_indirect_dma semaphore(%arg7 : memref<!tpu.dma_semaphore, #tpu.memory_space<semaphore_mem>>) src(%dma_wait3A_745 : memref<1437696x32xf32, #tpu.memory_space<hbm>>) dst(%arg6 : memref<1664x32xf32, #tpu.memory_space<vmem>>)
    %dma_wait3A_746 = arith.constant 23296 : i32
    %dma_wait3A_747 = tpu.memref_slice %arg5[%dma_wait3A_746] : memref<44928xi32, #tpu.memory_space<vmem>> -> memref<1664xi32, #tpu.memory_space<vmem>>
    %dma_wait3A_748 = arith.constant 0 : i32
    %dma_wait3A_749 = arith.constant 0 : i32
    %dma_wait3A_750 = tpu.memref_slice %arg2[%dma_wait3A_748, %dma_wait3A_749] : memref<1437696x32xf32, #tpu.memory_space<hbm>> -> memref<1437696x32xf32, #tpu.memory_space<hbm>>
    tpu.wait_indirect_dma semaphore(%arg7 : memref<!tpu.dma_semaphore, #tpu.memory_space<semaphore_mem>>) src(%dma_wait3A_750 : memref<1437696x32xf32, #tpu.memory_space<hbm>>) dst(%arg6 : memref<1664x32xf32, #tpu.memory_space<vmem>>)
    %dma_wait3A_751 = arith.constant 24960 : i32
    %dma_wait3A_752 = tpu.memref_slice %arg5[%dma_wait3A_751] : memref<44928xi32, #tpu.memory_space<vmem>> -> memref<1664xi32, #tpu.memory_space<vmem>>
    %dma_wait3A_753 = arith.constant 0 : i32
    %dma_wait3A_754 = arith.constant 0 : i32
    %dma_wait3A_755 = tpu.memref_slice %arg2[%dma_wait3A_753, %dma_wait3A_754] : memref<1437696x32xf32, #tpu.memory_space<hbm>> -> memref<1437696x32xf32, #tpu.memory_space<hbm>>
    tpu.wait_indirect_dma semaphore(%arg7 : memref<!tpu.dma_semaphore, #tpu.memory_space<semaphore_mem>>) src(%dma_wait3A_755 : memref<1437696x32xf32, #tpu.memory_space<hbm>>) dst(%arg6 : memref<1664x32xf32, #tpu.memory_space<vmem>>)
    %dma_wait3A_756 = arith.constant 26624 : i32
    %dma_wait3A_757 = tpu.memref_slice %arg5[%dma_wait3A_756] : memref<44928xi32, #tpu.memory_space<vmem>> -> memref<1664xi32, #tpu.memory_space<vmem>>
    %dma_wait3A_758 = arith.constant 0 : i32
    %dma_wait3A_759 = arith.constant 0 : i32
    %dma_wait3A_760 = tpu.memref_slice %arg2[%dma_wait3A_758, %dma_wait3A_759] : memref<1437696x32xf32, #tpu.memory_space<hbm>> -> memref<1437696x32xf32, #tpu.memory_space<hbm>>
    tpu.wait_indirect_dma semaphore(%arg7 : memref<!tpu.dma_semaphore, #tpu.memory_space<semaphore_mem>>) src(%dma_wait3A_760 : memref<1437696x32xf32, #tpu.memory_space<hbm>>) dst(%arg6 : memref<1664x32xf32, #tpu.memory_space<vmem>>)
    %dma_wait3A_761 = arith.constant 28288 : i32
    %dma_wait3A_762 = tpu.memref_slice %arg5[%dma_wait3A_761] : memref<44928xi32, #tpu.memory_space<vmem>> -> memref<1664xi32, #tpu.memory_space<vmem>>
    %dma_wait3A_763 = arith.constant 0 : i32
    %dma_wait3A_764 = arith.constant 0 : i32
    %dma_wait3A_765 = tpu.memref_slice %arg2[%dma_wait3A_763, %dma_wait3A_764] : memref<1437696x32xf32, #tpu.memory_space<hbm>> -> memref<1437696x32xf32, #tpu.memory_space<hbm>>
    tpu.wait_indirect_dma semaphore(%arg7 : memref<!tpu.dma_semaphore, #tpu.memory_space<semaphore_mem>>) src(%dma_wait3A_765 : memref<1437696x32xf32, #tpu.memory_space<hbm>>) dst(%arg6 : memref<1664x32xf32, #tpu.memory_space<vmem>>)
    %dma_wait3A_766 = arith.constant 29952 : i32
    %dma_wait3A_767 = tpu.memref_slice %arg5[%dma_wait3A_766] : memref<44928xi32, #tpu.memory_space<vmem>> -> memref<1664xi32, #tpu.memory_space<vmem>>
    %dma_wait3A_768 = arith.constant 0 : i32
    %dma_wait3A_769 = arith.constant 0 : i32
    %dma_wait3A_770 = tpu.memref_slice %arg2[%dma_wait3A_768, %dma_wait3A_769] : memref<1437696x32xf32, #tpu.memory_space<hbm>> -> memref<1437696x32xf32, #tpu.memory_space<hbm>>
    tpu.wait_indirect_dma semaphore(%arg7 : memref<!tpu.dma_semaphore, #tpu.memory_space<semaphore_mem>>) src(%dma_wait3A_770 : memref<1437696x32xf32, #tpu.memory_space<hbm>>) dst(%arg6 : memref<1664x32xf32, #tpu.memory_space<vmem>>)
    %dma_wait3A_771 = arith.constant 31616 : i32
    %dma_wait3A_772 = tpu.memref_slice %arg5[%dma_wait3A_771] : memref<44928xi32, #tpu.memory_space<vmem>> -> memref<1664xi32, #tpu.memory_space<vmem>>
    %dma_wait3A_773 = arith.constant 0 : i32
    %dma_wait3A_774 = arith.constant 0 : i32
    %dma_wait3A_775 = tpu.memref_slice %arg2[%dma_wait3A_773, %dma_wait3A_774] : memref<1437696x32xf32, #tpu.memory_space<hbm>> -> memref<1437696x32xf32, #tpu.memory_space<hbm>>
    tpu.wait_indirect_dma semaphore(%arg7 : memref<!tpu.dma_semaphore, #tpu.memory_space<semaphore_mem>>) src(%dma_wait3A_775 : memref<1437696x32xf32, #tpu.memory_space<hbm>>) dst(%arg6 : memref<1664x32xf32, #tpu.memory_space<vmem>>)
    %dma_wait3A_776 = arith.constant 33280 : i32
    %dma_wait3A_777 = tpu.memref_slice %arg5[%dma_wait3A_776] : memref<44928xi32, #tpu.memory_space<vmem>> -> memref<1664xi32, #tpu.memory_space<vmem>>
    %dma_wait3A_778 = arith.constant 0 : i32
    %dma_wait3A_779 = arith.constant 0 : i32
    %dma_wait3A_780 = tpu.memref_slice %arg2[%dma_wait3A_778, %dma_wait3A_779] : memref<1437696x32xf32, #tpu.memory_space<hbm>> -> memref<1437696x32xf32, #tpu.memory_space<hbm>>
    tpu.wait_indirect_dma semaphore(%arg7 : memref<!tpu.dma_semaphore, #tpu.memory_space<semaphore_mem>>) src(%dma_wait3A_780 : memref<1437696x32xf32, #tpu.memory_space<hbm>>) dst(%arg6 : memref<1664x32xf32, #tpu.memory_space<vmem>>)
    %dma_wait3A_781 = arith.constant 34944 : i32
    %dma_wait3A_782 = tpu.memref_slice %arg5[%dma_wait3A_781] : memref<44928xi32, #tpu.memory_space<vmem>> -> memref<1664xi32, #tpu.memory_space<vmem>>
    %dma_wait3A_783 = arith.constant 0 : i32
    %dma_wait3A_784 = arith.constant 0 : i32
    %dma_wait3A_785 = tpu.memref_slice %arg2[%dma_wait3A_783, %dma_wait3A_784] : memref<1437696x32xf32, #tpu.memory_space<hbm>> -> memref<1437696x32xf32, #tpu.memory_space<hbm>>
    tpu.wait_indirect_dma semaphore(%arg7 : memref<!tpu.dma_semaphore, #tpu.memory_space<semaphore_mem>>) src(%dma_wait3A_785 : memref<1437696x32xf32, #tpu.memory_space<hbm>>) dst(%arg6 : memref<1664x32xf32, #tpu.memory_space<vmem>>)
    %dma_wait3A_786 = arith.constant 36608 : i32
    %dma_wait3A_787 = tpu.memref_slice %arg5[%dma_wait3A_786] : memref<44928xi32, #tpu.memory_space<vmem>> -> memref<1664xi32, #tpu.memory_space<vmem>>
    %dma_wait3A_788 = arith.constant 0 : i32
    %dma_wait3A_789 = arith.constant 0 : i32
    %dma_wait3A_790 = tpu.memref_slice %arg2[%dma_wait3A_788, %dma_wait3A_789] : memref<1437696x32xf32, #tpu.memory_space<hbm>> -> memref<1437696x32xf32, #tpu.memory_space<hbm>>
    tpu.wait_indirect_dma semaphore(%arg7 : memref<!tpu.dma_semaphore, #tpu.memory_space<semaphore_mem>>) src(%dma_wait3A_790 : memref<1437696x32xf32, #tpu.memory_space<hbm>>) dst(%arg6 : memref<1664x32xf32, #tpu.memory_space<vmem>>)
    %dma_wait3A_791 = arith.constant 38272 : i32
    %dma_wait3A_792 = tpu.memref_slice %arg5[%dma_wait3A_791] : memref<44928xi32, #tpu.memory_space<vmem>> -> memref<1664xi32, #tpu.memory_space<vmem>>
    %dma_wait3A_793 = arith.constant 0 : i32
    %dma_wait3A_794 = arith.constant 0 : i32
    %dma_wait3A_795 = tpu.memref_slice %arg2[%dma_wait3A_793, %dma_wait3A_794] : memref<1437696x32xf32, #tpu.memory_space<hbm>> -> memref<1437696x32xf32, #tpu.memory_space<hbm>>
    tpu.wait_indirect_dma semaphore(%arg7 : memref<!tpu.dma_semaphore, #tpu.memory_space<semaphore_mem>>) src(%dma_wait3A_795 : memref<1437696x32xf32, #tpu.memory_space<hbm>>) dst(%arg6 : memref<1664x32xf32, #tpu.memory_space<vmem>>)
    %dma_wait3A_796 = arith.constant 39936 : i32
    %dma_wait3A_797 = tpu.memref_slice %arg5[%dma_wait3A_796] : memref<44928xi32, #tpu.memory_space<vmem>> -> memref<1664xi32, #tpu.memory_space<vmem>>
    %dma_wait3A_798 = arith.constant 0 : i32
    %dma_wait3A_799 = arith.constant 0 : i32
    %dma_wait3A_800 = tpu.memref_slice %arg2[%dma_wait3A_798, %dma_wait3A_799] : memref<1437696x32xf32, #tpu.memory_space<hbm>> -> memref<1437696x32xf32, #tpu.memory_space<hbm>>
    tpu.wait_indirect_dma semaphore(%arg7 : memref<!tpu.dma_semaphore, #tpu.memory_space<semaphore_mem>>) src(%dma_wait3A_800 : memref<1437696x32xf32, #tpu.memory_space<hbm>>) dst(%arg6 : memref<1664x32xf32, #tpu.memory_space<vmem>>)
    %dma_wait3A_801 = arith.constant 41600 : i32
    %dma_wait3A_802 = tpu.memref_slice %arg5[%dma_wait3A_801] : memref<44928xi32, #tpu.memory_space<vmem>> -> memref<1664xi32, #tpu.memory_space<vmem>>
    %dma_wait3A_803 = arith.constant 0 : i32
    %dma_wait3A_804 = arith.constant 0 : i32
    %dma_wait3A_805 = tpu.memref_slice %arg2[%dma_wait3A_803, %dma_wait3A_804] : memref<1437696x32xf32, #tpu.memory_space<hbm>> -> memref<1437696x32xf32, #tpu.memory_space<hbm>>
    tpu.wait_indirect_dma semaphore(%arg7 : memref<!tpu.dma_semaphore, #tpu.memory_space<semaphore_mem>>) src(%dma_wait3A_805 : memref<1437696x32xf32, #tpu.memory_space<hbm>>) dst(%arg6 : memref<1664x32xf32, #tpu.memory_space<vmem>>)
    %dma_wait3A_806 = arith.constant 43264 : i32
    %dma_wait3A_807 = tpu.memref_slice %arg5[%dma_wait3A_806] : memref<44928xi32, #tpu.memory_space<vmem>> -> memref<1664xi32, #tpu.memory_space<vmem>>
    %dma_wait3A_808 = arith.constant 0 : i32
    %dma_wait3A_809 = arith.constant 0 : i32
    %dma_wait3A_810 = tpu.memref_slice %arg2[%dma_wait3A_808, %dma_wait3A_809] : memref<1437696x32xf32, #tpu.memory_space<hbm>> -> memref<1437696x32xf32, #tpu.memory_space<hbm>>
    tpu.wait_indirect_dma semaphore(%arg7 : memref<!tpu.dma_semaphore, #tpu.memory_space<semaphore_mem>>) src(%dma_wait3A_810 : memref<1437696x32xf32, #tpu.memory_space<hbm>>) dst(%arg6 : memref<1664x32xf32, #tpu.memory_space<vmem>>)
    "tpu.region"() ({
      %run_scoped3A = tpu.sem_alloc : memref<!tpu.dma_semaphore, #tpu.memory_space<semaphore_mem>>
      %dma_start3A_811 = arith.constant 0 : i32
      %dma_start3A_812 = tpu.memref_slice %arg4[%mul3A_2, %dma_start3A_811] : memref<53248x32xf32, #tpu.memory_space<hbm>> -> memref<1664x32xf32, #tpu.memory_space<hbm>>
      %dma_start3A_813 = arith.constant 0 : i32
      %dma_start3A_814 = tpu.memref_slice %arg4[%mul3A_2, %dma_start3A_813] : memref<53248x32xf32, #tpu.memory_space<hbm>> -> memref<1664x32xf32, #tpu.memory_space<hbm>>
      tpu.enqueue_dma source(%arg6 : memref<1664x32xf32, #tpu.memory_space<vmem>>) target(%dma_start3A_814 : memref<1664x32xf32, #tpu.memory_space<hbm>>) target_semaphore(%run_scoped3A : memref<!tpu.dma_semaphore, #tpu.memory_space<semaphore_mem>>)
      %dma_wait3A_815 = arith.constant 0 : i32
      %dma_wait3A_816 = tpu.memref_slice %arg4[%mul3A_2, %dma_wait3A_815] : memref<53248x32xf32, #tpu.memory_space<hbm>> -> memref<1664x32xf32, #tpu.memory_space<hbm>>
      %dma_wait3A_817 = arith.constant 0 : i32
      %dma_wait3A_818 = tpu.memref_slice %arg4[%mul3A_2, %dma_wait3A_817] : memref<53248x32xf32, #tpu.memory_space<hbm>> -> memref<1664x32xf32, #tpu.memory_space<hbm>>
      tpu.wait_dma2 semaphore(%run_scoped3A : memref<!tpu.dma_semaphore, #tpu.memory_space<semaphore_mem>>) src(%arg6 : memref<1664x32xf32, #tpu.memory_space<vmem>>) dst(%dma_wait3A_818 : memref<1664x32xf32, #tpu.memory_space<hbm>>)
      tpu.yield
    }) : () -> ()
    return
  }
}

module attributes {stable_mosaic.version = 14 : i64} {
  func.func @_tc_body(%arg0: i32, %arg1: memref<512x128xf32, #tpu.memory_space<vmem>>, %arg2: memref<27x128x128xf32, #tpu.memory_space<vmem>>, %arg3: memref<1x128xf32, #tpu.memory_space<vmem>>, %arg4: memref<27x512x128xf32, #tpu.memory_space<vmem>>) attributes {dimension_semantics = [#tpu.dimension_semantics<arbitrary>], iteration_bounds = array<i64: 26>, scalar_prefetch = 0 : i64, scratch_operands = 0 : i64, tpu.core_type = #tpu.core_type<tc>, window_params = [{transform_indices = @transform_0, window_bounds = array<i64: 512, 128>}, {pipeline_mode = #tpu.pipeline_mode<synchronous>, transform_indices = @transform_1, window_bounds = array<i64: 27, 128, 128>}, {pipeline_mode = #tpu.pipeline_mode<synchronous>, transform_indices = @transform_2, window_bounds = array<i64: 1, 128>}, {transform_indices = @transform_3, window_bounds = array<i64: 27, 512, 128>}]} {
    %get3A = arith.constant 0 : index
    %get3A_0 = arith.constant 0 : index
    %get3A_1 = vector.load %arg1[%get3A, %get3A_0] : memref<512x128xf32, #tpu.memory_space<vmem>>, vector<512x128xf32>
    %get3A_2 = arith.constant 0 : index
    %get3A_3 = arith.constant 0 : index
    %get3A_4 = arith.constant 0 : index
    %get3A_5 = vector.load %arg2[%get3A_2, %get3A_3, %get3A_4] : memref<27x128x128xf32, #tpu.memory_space<vmem>>, vector<1x128x128xf32>
    %get3A_6 = vector.shape_cast %get3A_5 : vector<1x128x128xf32> to vector<128x128xf32>
    %dot_general3A = arith.constant dense<0.000000e+00> : vector<512x128xf32>
    %dot_general3A_7 = tpu.matmul %get3A_1, %get3A_6, %dot_general3A {dimension_numbers = #tpu.dot_dimension_numbers<[1], [0], [0], [1], [0, 0, 1, 1], [], []>, transpose_lhs_hint = false} : vector<512x128xf32>, vector<128x128xf32>, vector<512x128xf32> -> vector<512x128xf32>
    %get3A_8 = arith.constant 0 : index
    %get3A_9 = arith.constant 0 : index
    %get3A_10 = vector.load %arg3[%get3A_8, %get3A_9] : memref<1x128xf32, #tpu.memory_space<vmem>>, vector<1x128xf32>
    %add3A = vector.broadcast %get3A_10 : vector<1x128xf32> to vector<512x128xf32>
    %add3A_11 = arith.addf %dot_general3A_7, %add3A : vector<512x128xf32>
    %swap3A = arith.constant 0 : index
    %swap3A_12 = arith.constant 0 : index
    %swap3A_13 = arith.constant 0 : index
    %swap3A_14 = vector.load %arg4[%swap3A, %swap3A_12, %swap3A_13] : memref<27x512x128xf32, #tpu.memory_space<vmem>>, vector<1x512x128xf32>
    %swap3A_15 = vector.shape_cast %swap3A_14 : vector<1x512x128xf32> to vector<512x128xf32>
    %swap3A_16 = vector.shape_cast %add3A_11 : vector<512x128xf32> to vector<1x512x128xf32>
    tpu.vector_store %arg4[%swap3A, %swap3A_12, %swap3A_13], %swap3A_16 {strides = array<i32>} : memref<27x512x128xf32, #tpu.memory_space<vmem>>, vector<1x512x128xf32>,
    %get3A_17 = arith.constant 1 : index
    %get3A_18 = arith.constant 0 : index
    %get3A_19 = arith.constant 0 : index
    %get3A_20 = vector.load %arg2[%get3A_17, %get3A_18, %get3A_19] : memref<27x128x128xf32, #tpu.memory_space<vmem>>, vector<1x128x128xf32>
    %get3A_21 = vector.shape_cast %get3A_20 : vector<1x128x128xf32> to vector<128x128xf32>
    %dot_general3A_22 = arith.constant dense<0.000000e+00> : vector<512x128xf32>
    %dot_general3A_23 = tpu.matmul %get3A_1, %get3A_21, %dot_general3A_22 {dimension_numbers = #tpu.dot_dimension_numbers<[1], [0], [0], [1], [0, 0, 1, 1], [], []>, transpose_lhs_hint = false} : vector<512x128xf32>, vector<128x128xf32>, vector<512x128xf32> -> vector<512x128xf32>
    %swap3A_24 = arith.constant 1 : index
    %swap3A_25 = arith.constant 0 : index
    %swap3A_26 = arith.constant 0 : index
    %swap3A_27 = vector.load %arg4[%swap3A_24, %swap3A_25, %swap3A_26] : memref<27x512x128xf32, #tpu.memory_space<vmem>>, vector<1x512x128xf32>
    %swap3A_28 = vector.shape_cast %swap3A_27 : vector<1x512x128xf32> to vector<512x128xf32>
    %swap3A_29 = vector.shape_cast %dot_general3A_23 : vector<512x128xf32> to vector<1x512x128xf32>
    tpu.vector_store %arg4[%swap3A_24, %swap3A_25, %swap3A_26], %swap3A_29 {strides = array<i32>} : memref<27x512x128xf32, #tpu.memory_space<vmem>>, vector<1x512x128xf32>,
    %get3A_30 = arith.constant 2 : index
    %get3A_31 = arith.constant 0 : index
    %get3A_32 = arith.constant 0 : index
    %get3A_33 = vector.load %arg2[%get3A_30, %get3A_31, %get3A_32] : memref<27x128x128xf32, #tpu.memory_space<vmem>>, vector<1x128x128xf32>
    %get3A_34 = vector.shape_cast %get3A_33 : vector<1x128x128xf32> to vector<128x128xf32>
    %dot_general3A_35 = arith.constant dense<0.000000e+00> : vector<512x128xf32>
    %dot_general3A_36 = tpu.matmul %get3A_1, %get3A_34, %dot_general3A_35 {dimension_numbers = #tpu.dot_dimension_numbers<[1], [0], [0], [1], [0, 0, 1, 1], [], []>, transpose_lhs_hint = false} : vector<512x128xf32>, vector<128x128xf32>, vector<512x128xf32> -> vector<512x128xf32>
    %swap3A_37 = arith.constant 2 : index
    %swap3A_38 = arith.constant 0 : index
    %swap3A_39 = arith.constant 0 : index
    %swap3A_40 = vector.load %arg4[%swap3A_37, %swap3A_38, %swap3A_39] : memref<27x512x128xf32, #tpu.memory_space<vmem>>, vector<1x512x128xf32>
    %swap3A_41 = vector.shape_cast %swap3A_40 : vector<1x512x128xf32> to vector<512x128xf32>
    %swap3A_42 = vector.shape_cast %dot_general3A_36 : vector<512x128xf32> to vector<1x512x128xf32>
    tpu.vector_store %arg4[%swap3A_37, %swap3A_38, %swap3A_39], %swap3A_42 {strides = array<i32>} : memref<27x512x128xf32, #tpu.memory_space<vmem>>, vector<1x512x128xf32>,
    %get3A_43 = arith.constant 3 : index
    %get3A_44 = arith.constant 0 : index
    %get3A_45 = arith.constant 0 : index
    %get3A_46 = vector.load %arg2[%get3A_43, %get3A_44, %get3A_45] : memref<27x128x128xf32, #tpu.memory_space<vmem>>, vector<1x128x128xf32>
    %get3A_47 = vector.shape_cast %get3A_46 : vector<1x128x128xf32> to vector<128x128xf32>
    %dot_general3A_48 = arith.constant dense<0.000000e+00> : vector<512x128xf32>
    %dot_general3A_49 = tpu.matmul %get3A_1, %get3A_47, %dot_general3A_48 {dimension_numbers = #tpu.dot_dimension_numbers<[1], [0], [0], [1], [0, 0, 1, 1], [], []>, transpose_lhs_hint = false} : vector<512x128xf32>, vector<128x128xf32>, vector<512x128xf32> -> vector<512x128xf32>
    %swap3A_50 = arith.constant 3 : index
    %swap3A_51 = arith.constant 0 : index
    %swap3A_52 = arith.constant 0 : index
    %swap3A_53 = vector.load %arg4[%swap3A_50, %swap3A_51, %swap3A_52] : memref<27x512x128xf32, #tpu.memory_space<vmem>>, vector<1x512x128xf32>
    %swap3A_54 = vector.shape_cast %swap3A_53 : vector<1x512x128xf32> to vector<512x128xf32>
    %swap3A_55 = vector.shape_cast %dot_general3A_49 : vector<512x128xf32> to vector<1x512x128xf32>
    tpu.vector_store %arg4[%swap3A_50, %swap3A_51, %swap3A_52], %swap3A_55 {strides = array<i32>} : memref<27x512x128xf32, #tpu.memory_space<vmem>>, vector<1x512x128xf32>,
    %get3A_56 = arith.constant 4 : index
    %get3A_57 = arith.constant 0 : index
    %get3A_58 = arith.constant 0 : index
    %get3A_59 = vector.load %arg2[%get3A_56, %get3A_57, %get3A_58] : memref<27x128x128xf32, #tpu.memory_space<vmem>>, vector<1x128x128xf32>
    %get3A_60 = vector.shape_cast %get3A_59 : vector<1x128x128xf32> to vector<128x128xf32>
    %dot_general3A_61 = arith.constant dense<0.000000e+00> : vector<512x128xf32>
    %dot_general3A_62 = tpu.matmul %get3A_1, %get3A_60, %dot_general3A_61 {dimension_numbers = #tpu.dot_dimension_numbers<[1], [0], [0], [1], [0, 0, 1, 1], [], []>, transpose_lhs_hint = false} : vector<512x128xf32>, vector<128x128xf32>, vector<512x128xf32> -> vector<512x128xf32>
    %swap3A_63 = arith.constant 4 : index
    %swap3A_64 = arith.constant 0 : index
    %swap3A_65 = arith.constant 0 : index
    %swap3A_66 = vector.load %arg4[%swap3A_63, %swap3A_64, %swap3A_65] : memref<27x512x128xf32, #tpu.memory_space<vmem>>, vector<1x512x128xf32>
    %swap3A_67 = vector.shape_cast %swap3A_66 : vector<1x512x128xf32> to vector<512x128xf32>
    %swap3A_68 = vector.shape_cast %dot_general3A_62 : vector<512x128xf32> to vector<1x512x128xf32>
    tpu.vector_store %arg4[%swap3A_63, %swap3A_64, %swap3A_65], %swap3A_68 {strides = array<i32>} : memref<27x512x128xf32, #tpu.memory_space<vmem>>, vector<1x512x128xf32>,
    %get3A_69 = arith.constant 5 : index
    %get3A_70 = arith.constant 0 : index
    %get3A_71 = arith.constant 0 : index
    %get3A_72 = vector.load %arg2[%get3A_69, %get3A_70, %get3A_71] : memref<27x128x128xf32, #tpu.memory_space<vmem>>, vector<1x128x128xf32>
    %get3A_73 = vector.shape_cast %get3A_72 : vector<1x128x128xf32> to vector<128x128xf32>
    %dot_general3A_74 = arith.constant dense<0.000000e+00> : vector<512x128xf32>
    %dot_general3A_75 = tpu.matmul %get3A_1, %get3A_73, %dot_general3A_74 {dimension_numbers = #tpu.dot_dimension_numbers<[1], [0], [0], [1], [0, 0, 1, 1], [], []>, transpose_lhs_hint = false} : vector<512x128xf32>, vector<128x128xf32>, vector<512x128xf32> -> vector<512x128xf32>
    %swap3A_76 = arith.constant 5 : index
    %swap3A_77 = arith.constant 0 : index
    %swap3A_78 = arith.constant 0 : index
    %swap3A_79 = vector.load %arg4[%swap3A_76, %swap3A_77, %swap3A_78] : memref<27x512x128xf32, #tpu.memory_space<vmem>>, vector<1x512x128xf32>
    %swap3A_80 = vector.shape_cast %swap3A_79 : vector<1x512x128xf32> to vector<512x128xf32>
    %swap3A_81 = vector.shape_cast %dot_general3A_75 : vector<512x128xf32> to vector<1x512x128xf32>
    tpu.vector_store %arg4[%swap3A_76, %swap3A_77, %swap3A_78], %swap3A_81 {strides = array<i32>} : memref<27x512x128xf32, #tpu.memory_space<vmem>>, vector<1x512x128xf32>,
    %get3A_82 = arith.constant 6 : index
    %get3A_83 = arith.constant 0 : index
    %get3A_84 = arith.constant 0 : index
    %get3A_85 = vector.load %arg2[%get3A_82, %get3A_83, %get3A_84] : memref<27x128x128xf32, #tpu.memory_space<vmem>>, vector<1x128x128xf32>
    %get3A_86 = vector.shape_cast %get3A_85 : vector<1x128x128xf32> to vector<128x128xf32>
    %dot_general3A_87 = arith.constant dense<0.000000e+00> : vector<512x128xf32>
    %dot_general3A_88 = tpu.matmul %get3A_1, %get3A_86, %dot_general3A_87 {dimension_numbers = #tpu.dot_dimension_numbers<[1], [0], [0], [1], [0, 0, 1, 1], [], []>, transpose_lhs_hint = false} : vector<512x128xf32>, vector<128x128xf32>, vector<512x128xf32> -> vector<512x128xf32>
    %swap3A_89 = arith.constant 6 : index
    %swap3A_90 = arith.constant 0 : index
    %swap3A_91 = arith.constant 0 : index
    %swap3A_92 = vector.load %arg4[%swap3A_89, %swap3A_90, %swap3A_91] : memref<27x512x128xf32, #tpu.memory_space<vmem>>, vector<1x512x128xf32>
    %swap3A_93 = vector.shape_cast %swap3A_92 : vector<1x512x128xf32> to vector<512x128xf32>
    %swap3A_94 = vector.shape_cast %dot_general3A_88 : vector<512x128xf32> to vector<1x512x128xf32>
    tpu.vector_store %arg4[%swap3A_89, %swap3A_90, %swap3A_91], %swap3A_94 {strides = array<i32>} : memref<27x512x128xf32, #tpu.memory_space<vmem>>, vector<1x512x128xf32>,
    %get3A_95 = arith.constant 7 : index
    %get3A_96 = arith.constant 0 : index
    %get3A_97 = arith.constant 0 : index
    %get3A_98 = vector.load %arg2[%get3A_95, %get3A_96, %get3A_97] : memref<27x128x128xf32, #tpu.memory_space<vmem>>, vector<1x128x128xf32>
    %get3A_99 = vector.shape_cast %get3A_98 : vector<1x128x128xf32> to vector<128x128xf32>
    %dot_general3A_100 = arith.constant dense<0.000000e+00> : vector<512x128xf32>
    %dot_general3A_101 = tpu.matmul %get3A_1, %get3A_99, %dot_general3A_100 {dimension_numbers = #tpu.dot_dimension_numbers<[1], [0], [0], [1], [0, 0, 1, 1], [], []>, transpose_lhs_hint = false} : vector<512x128xf32>, vector<128x128xf32>, vector<512x128xf32> -> vector<512x128xf32>
    %swap3A_102 = arith.constant 7 : index
    %swap3A_103 = arith.constant 0 : index
    %swap3A_104 = arith.constant 0 : index
    %swap3A_105 = vector.load %arg4[%swap3A_102, %swap3A_103, %swap3A_104] : memref<27x512x128xf32, #tpu.memory_space<vmem>>, vector<1x512x128xf32>
    %swap3A_106 = vector.shape_cast %swap3A_105 : vector<1x512x128xf32> to vector<512x128xf32>
    %swap3A_107 = vector.shape_cast %dot_general3A_101 : vector<512x128xf32> to vector<1x512x128xf32>
    tpu.vector_store %arg4[%swap3A_102, %swap3A_103, %swap3A_104], %swap3A_107 {strides = array<i32>} : memref<27x512x128xf32, #tpu.memory_space<vmem>>, vector<1x512x128xf32>,
    %get3A_108 = arith.constant 8 : index
    %get3A_109 = arith.constant 0 : index
    %get3A_110 = arith.constant 0 : index
    %get3A_111 = vector.load %arg2[%get3A_108, %get3A_109, %get3A_110] : memref<27x128x128xf32, #tpu.memory_space<vmem>>, vector<1x128x128xf32>
    %get3A_112 = vector.shape_cast %get3A_111 : vector<1x128x128xf32> to vector<128x128xf32>
    %dot_general3A_113 = arith.constant dense<0.000000e+00> : vector<512x128xf32>
    %dot_general3A_114 = tpu.matmul %get3A_1, %get3A_112, %dot_general3A_113 {dimension_numbers = #tpu.dot_dimension_numbers<[1], [0], [0], [1], [0, 0, 1, 1], [], []>, transpose_lhs_hint = false} : vector<512x128xf32>, vector<128x128xf32>, vector<512x128xf32> -> vector<512x128xf32>
    %swap3A_115 = arith.constant 8 : index
    %swap3A_116 = arith.constant 0 : index
    %swap3A_117 = arith.constant 0 : index
    %swap3A_118 = vector.load %arg4[%swap3A_115, %swap3A_116, %swap3A_117] : memref<27x512x128xf32, #tpu.memory_space<vmem>>, vector<1x512x128xf32>
    %swap3A_119 = vector.shape_cast %swap3A_118 : vector<1x512x128xf32> to vector<512x128xf32>
    %swap3A_120 = vector.shape_cast %dot_general3A_114 : vector<512x128xf32> to vector<1x512x128xf32>
    tpu.vector_store %arg4[%swap3A_115, %swap3A_116, %swap3A_117], %swap3A_120 {strides = array<i32>} : memref<27x512x128xf32, #tpu.memory_space<vmem>>, vector<1x512x128xf32>,
    %get3A_121 = arith.constant 9 : index
    %get3A_122 = arith.constant 0 : index
    %get3A_123 = arith.constant 0 : index
    %get3A_124 = vector.load %arg2[%get3A_121, %get3A_122, %get3A_123] : memref<27x128x128xf32, #tpu.memory_space<vmem>>, vector<1x128x128xf32>
    %get3A_125 = vector.shape_cast %get3A_124 : vector<1x128x128xf32> to vector<128x128xf32>
    %dot_general3A_126 = arith.constant dense<0.000000e+00> : vector<512x128xf32>
    %dot_general3A_127 = tpu.matmul %get3A_1, %get3A_125, %dot_general3A_126 {dimension_numbers = #tpu.dot_dimension_numbers<[1], [0], [0], [1], [0, 0, 1, 1], [], []>, transpose_lhs_hint = false} : vector<512x128xf32>, vector<128x128xf32>, vector<512x128xf32> -> vector<512x128xf32>
    %swap3A_128 = arith.constant 9 : index
    %swap3A_129 = arith.constant 0 : index
    %swap3A_130 = arith.constant 0 : index
    %swap3A_131 = vector.load %arg4[%swap3A_128, %swap3A_129, %swap3A_130] : memref<27x512x128xf32, #tpu.memory_space<vmem>>, vector<1x512x128xf32>
    %swap3A_132 = vector.shape_cast %swap3A_131 : vector<1x512x128xf32> to vector<512x128xf32>
    %swap3A_133 = vector.shape_cast %dot_general3A_127 : vector<512x128xf32> to vector<1x512x128xf32>
    tpu.vector_store %arg4[%swap3A_128, %swap3A_129, %swap3A_130], %swap3A_133 {strides = array<i32>} : memref<27x512x128xf32, #tpu.memory_space<vmem>>, vector<1x512x128xf32>,
    %get3A_134 = arith.constant 10 : index
    %get3A_135 = arith.constant 0 : index
    %get3A_136 = arith.constant 0 : index
    %get3A_137 = vector.load %arg2[%get3A_134, %get3A_135, %get3A_136] : memref<27x128x128xf32, #tpu.memory_space<vmem>>, vector<1x128x128xf32>
    %get3A_138 = vector.shape_cast %get3A_137 : vector<1x128x128xf32> to vector<128x128xf32>
    %dot_general3A_139 = arith.constant dense<0.000000e+00> : vector<512x128xf32>
    %dot_general3A_140 = tpu.matmul %get3A_1, %get3A_138, %dot_general3A_139 {dimension_numbers = #tpu.dot_dimension_numbers<[1], [0], [0], [1], [0, 0, 1, 1], [], []>, transpose_lhs_hint = false} : vector<512x128xf32>, vector<128x128xf32>, vector<512x128xf32> -> vector<512x128xf32>
    %swap3A_141 = arith.constant 10 : index
    %swap3A_142 = arith.constant 0 : index
    %swap3A_143 = arith.constant 0 : index
    %swap3A_144 = vector.load %arg4[%swap3A_141, %swap3A_142, %swap3A_143] : memref<27x512x128xf32, #tpu.memory_space<vmem>>, vector<1x512x128xf32>
    %swap3A_145 = vector.shape_cast %swap3A_144 : vector<1x512x128xf32> to vector<512x128xf32>
    %swap3A_146 = vector.shape_cast %dot_general3A_140 : vector<512x128xf32> to vector<1x512x128xf32>
    tpu.vector_store %arg4[%swap3A_141, %swap3A_142, %swap3A_143], %swap3A_146 {strides = array<i32>} : memref<27x512x128xf32, #tpu.memory_space<vmem>>, vector<1x512x128xf32>,
    %get3A_147 = arith.constant 11 : index
    %get3A_148 = arith.constant 0 : index
    %get3A_149 = arith.constant 0 : index
    %get3A_150 = vector.load %arg2[%get3A_147, %get3A_148, %get3A_149] : memref<27x128x128xf32, #tpu.memory_space<vmem>>, vector<1x128x128xf32>
    %get3A_151 = vector.shape_cast %get3A_150 : vector<1x128x128xf32> to vector<128x128xf32>
    %dot_general3A_152 = arith.constant dense<0.000000e+00> : vector<512x128xf32>
    %dot_general3A_153 = tpu.matmul %get3A_1, %get3A_151, %dot_general3A_152 {dimension_numbers = #tpu.dot_dimension_numbers<[1], [0], [0], [1], [0, 0, 1, 1], [], []>, transpose_lhs_hint = false} : vector<512x128xf32>, vector<128x128xf32>, vector<512x128xf32> -> vector<512x128xf32>
    %swap3A_154 = arith.constant 11 : index
    %swap3A_155 = arith.constant 0 : index
    %swap3A_156 = arith.constant 0 : index
    %swap3A_157 = vector.load %arg4[%swap3A_154, %swap3A_155, %swap3A_156] : memref<27x512x128xf32, #tpu.memory_space<vmem>>, vector<1x512x128xf32>
    %swap3A_158 = vector.shape_cast %swap3A_157 : vector<1x512x128xf32> to vector<512x128xf32>
    %swap3A_159 = vector.shape_cast %dot_general3A_153 : vector<512x128xf32> to vector<1x512x128xf32>
    tpu.vector_store %arg4[%swap3A_154, %swap3A_155, %swap3A_156], %swap3A_159 {strides = array<i32>} : memref<27x512x128xf32, #tpu.memory_space<vmem>>, vector<1x512x128xf32>,
    %get3A_160 = arith.constant 12 : index
    %get3A_161 = arith.constant 0 : index
    %get3A_162 = arith.constant 0 : index
    %get3A_163 = vector.load %arg2[%get3A_160, %get3A_161, %get3A_162] : memref<27x128x128xf32, #tpu.memory_space<vmem>>, vector<1x128x128xf32>
    %get3A_164 = vector.shape_cast %get3A_163 : vector<1x128x128xf32> to vector<128x128xf32>
    %dot_general3A_165 = arith.constant dense<0.000000e+00> : vector<512x128xf32>
    %dot_general3A_166 = tpu.matmul %get3A_1, %get3A_164, %dot_general3A_165 {dimension_numbers = #tpu.dot_dimension_numbers<[1], [0], [0], [1], [0, 0, 1, 1], [], []>, transpose_lhs_hint = false} : vector<512x128xf32>, vector<128x128xf32>, vector<512x128xf32> -> vector<512x128xf32>
    %swap3A_167 = arith.constant 12 : index
    %swap3A_168 = arith.constant 0 : index
    %swap3A_169 = arith.constant 0 : index
    %swap3A_170 = vector.load %arg4[%swap3A_167, %swap3A_168, %swap3A_169] : memref<27x512x128xf32, #tpu.memory_space<vmem>>, vector<1x512x128xf32>
    %swap3A_171 = vector.shape_cast %swap3A_170 : vector<1x512x128xf32> to vector<512x128xf32>
    %swap3A_172 = vector.shape_cast %dot_general3A_166 : vector<512x128xf32> to vector<1x512x128xf32>
    tpu.vector_store %arg4[%swap3A_167, %swap3A_168, %swap3A_169], %swap3A_172 {strides = array<i32>} : memref<27x512x128xf32, #tpu.memory_space<vmem>>, vector<1x512x128xf32>,
    %get3A_173 = arith.constant 13 : index
    %get3A_174 = arith.constant 0 : index
    %get3A_175 = arith.constant 0 : index
    %get3A_176 = vector.load %arg2[%get3A_173, %get3A_174, %get3A_175] : memref<27x128x128xf32, #tpu.memory_space<vmem>>, vector<1x128x128xf32>
    %get3A_177 = vector.shape_cast %get3A_176 : vector<1x128x128xf32> to vector<128x128xf32>
    %dot_general3A_178 = arith.constant dense<0.000000e+00> : vector<512x128xf32>
    %dot_general3A_179 = tpu.matmul %get3A_1, %get3A_177, %dot_general3A_178 {dimension_numbers = #tpu.dot_dimension_numbers<[1], [0], [0], [1], [0, 0, 1, 1], [], []>, transpose_lhs_hint = false} : vector<512x128xf32>, vector<128x128xf32>, vector<512x128xf32> -> vector<512x128xf32>
    %swap3A_180 = arith.constant 13 : index
    %swap3A_181 = arith.constant 0 : index
    %swap3A_182 = arith.constant 0 : index
    %swap3A_183 = vector.load %arg4[%swap3A_180, %swap3A_181, %swap3A_182] : memref<27x512x128xf32, #tpu.memory_space<vmem>>, vector<1x512x128xf32>
    %swap3A_184 = vector.shape_cast %swap3A_183 : vector<1x512x128xf32> to vector<512x128xf32>
    %swap3A_185 = vector.shape_cast %dot_general3A_179 : vector<512x128xf32> to vector<1x512x128xf32>
    tpu.vector_store %arg4[%swap3A_180, %swap3A_181, %swap3A_182], %swap3A_185 {strides = array<i32>} : memref<27x512x128xf32, #tpu.memory_space<vmem>>, vector<1x512x128xf32>,
    %get3A_186 = arith.constant 14 : index
    %get3A_187 = arith.constant 0 : index
    %get3A_188 = arith.constant 0 : index
    %get3A_189 = vector.load %arg2[%get3A_186, %get3A_187, %get3A_188] : memref<27x128x128xf32, #tpu.memory_space<vmem>>, vector<1x128x128xf32>
    %get3A_190 = vector.shape_cast %get3A_189 : vector<1x128x128xf32> to vector<128x128xf32>
    %dot_general3A_191 = arith.constant dense<0.000000e+00> : vector<512x128xf32>
    %dot_general3A_192 = tpu.matmul %get3A_1, %get3A_190, %dot_general3A_191 {dimension_numbers = #tpu.dot_dimension_numbers<[1], [0], [0], [1], [0, 0, 1, 1], [], []>, transpose_lhs_hint = false} : vector<512x128xf32>, vector<128x128xf32>, vector<512x128xf32> -> vector<512x128xf32>
    %swap3A_193 = arith.constant 14 : index
    %swap3A_194 = arith.constant 0 : index
    %swap3A_195 = arith.constant 0 : index
    %swap3A_196 = vector.load %arg4[%swap3A_193, %swap3A_194, %swap3A_195] : memref<27x512x128xf32, #tpu.memory_space<vmem>>, vector<1x512x128xf32>
    %swap3A_197 = vector.shape_cast %swap3A_196 : vector<1x512x128xf32> to vector<512x128xf32>
    %swap3A_198 = vector.shape_cast %dot_general3A_192 : vector<512x128xf32> to vector<1x512x128xf32>
    tpu.vector_store %arg4[%swap3A_193, %swap3A_194, %swap3A_195], %swap3A_198 {strides = array<i32>} : memref<27x512x128xf32, #tpu.memory_space<vmem>>, vector<1x512x128xf32>,
    %get3A_199 = arith.constant 15 : index
    %get3A_200 = arith.constant 0 : index
    %get3A_201 = arith.constant 0 : index
    %get3A_202 = vector.load %arg2[%get3A_199, %get3A_200, %get3A_201] : memref<27x128x128xf32, #tpu.memory_space<vmem>>, vector<1x128x128xf32>
    %get3A_203 = vector.shape_cast %get3A_202 : vector<1x128x128xf32> to vector<128x128xf32>
    %dot_general3A_204 = arith.constant dense<0.000000e+00> : vector<512x128xf32>
    %dot_general3A_205 = tpu.matmul %get3A_1, %get3A_203, %dot_general3A_204 {dimension_numbers = #tpu.dot_dimension_numbers<[1], [0], [0], [1], [0, 0, 1, 1], [], []>, transpose_lhs_hint = false} : vector<512x128xf32>, vector<128x128xf32>, vector<512x128xf32> -> vector<512x128xf32>
    %swap3A_206 = arith.constant 15 : index
    %swap3A_207 = arith.constant 0 : index
    %swap3A_208 = arith.constant 0 : index
    %swap3A_209 = vector.load %arg4[%swap3A_206, %swap3A_207, %swap3A_208] : memref<27x512x128xf32, #tpu.memory_space<vmem>>, vector<1x512x128xf32>
    %swap3A_210 = vector.shape_cast %swap3A_209 : vector<1x512x128xf32> to vector<512x128xf32>
    %swap3A_211 = vector.shape_cast %dot_general3A_205 : vector<512x128xf32> to vector<1x512x128xf32>
    tpu.vector_store %arg4[%swap3A_206, %swap3A_207, %swap3A_208], %swap3A_211 {strides = array<i32>} : memref<27x512x128xf32, #tpu.memory_space<vmem>>, vector<1x512x128xf32>,
    %get3A_212 = arith.constant 16 : index
    %get3A_213 = arith.constant 0 : index
    %get3A_214 = arith.constant 0 : index
    %get3A_215 = vector.load %arg2[%get3A_212, %get3A_213, %get3A_214] : memref<27x128x128xf32, #tpu.memory_space<vmem>>, vector<1x128x128xf32>
    %get3A_216 = vector.shape_cast %get3A_215 : vector<1x128x128xf32> to vector<128x128xf32>
    %dot_general3A_217 = arith.constant dense<0.000000e+00> : vector<512x128xf32>
    %dot_general3A_218 = tpu.matmul %get3A_1, %get3A_216, %dot_general3A_217 {dimension_numbers = #tpu.dot_dimension_numbers<[1], [0], [0], [1], [0, 0, 1, 1], [], []>, transpose_lhs_hint = false} : vector<512x128xf32>, vector<128x128xf32>, vector<512x128xf32> -> vector<512x128xf32>
    %swap3A_219 = arith.constant 16 : index
    %swap3A_220 = arith.constant 0 : index
    %swap3A_221 = arith.constant 0 : index
    %swap3A_222 = vector.load %arg4[%swap3A_219, %swap3A_220, %swap3A_221] : memref<27x512x128xf32, #tpu.memory_space<vmem>>, vector<1x512x128xf32>
    %swap3A_223 = vector.shape_cast %swap3A_222 : vector<1x512x128xf32> to vector<512x128xf32>
    %swap3A_224 = vector.shape_cast %dot_general3A_218 : vector<512x128xf32> to vector<1x512x128xf32>
    tpu.vector_store %arg4[%swap3A_219, %swap3A_220, %swap3A_221], %swap3A_224 {strides = array<i32>} : memref<27x512x128xf32, #tpu.memory_space<vmem>>, vector<1x512x128xf32>,
    %get3A_225 = arith.constant 17 : index
    %get3A_226 = arith.constant 0 : index
    %get3A_227 = arith.constant 0 : index
    %get3A_228 = vector.load %arg2[%get3A_225, %get3A_226, %get3A_227] : memref<27x128x128xf32, #tpu.memory_space<vmem>>, vector<1x128x128xf32>
    %get3A_229 = vector.shape_cast %get3A_228 : vector<1x128x128xf32> to vector<128x128xf32>
    %dot_general3A_230 = arith.constant dense<0.000000e+00> : vector<512x128xf32>
    %dot_general3A_231 = tpu.matmul %get3A_1, %get3A_229, %dot_general3A_230 {dimension_numbers = #tpu.dot_dimension_numbers<[1], [0], [0], [1], [0, 0, 1, 1], [], []>, transpose_lhs_hint = false} : vector<512x128xf32>, vector<128x128xf32>, vector<512x128xf32> -> vector<512x128xf32>
    %swap3A_232 = arith.constant 17 : index
    %swap3A_233 = arith.constant 0 : index
    %swap3A_234 = arith.constant 0 : index
    %swap3A_235 = vector.load %arg4[%swap3A_232, %swap3A_233, %swap3A_234] : memref<27x512x128xf32, #tpu.memory_space<vmem>>, vector<1x512x128xf32>
    %swap3A_236 = vector.shape_cast %swap3A_235 : vector<1x512x128xf32> to vector<512x128xf32>
    %swap3A_237 = vector.shape_cast %dot_general3A_231 : vector<512x128xf32> to vector<1x512x128xf32>
    tpu.vector_store %arg4[%swap3A_232, %swap3A_233, %swap3A_234], %swap3A_237 {strides = array<i32>} : memref<27x512x128xf32, #tpu.memory_space<vmem>>, vector<1x512x128xf32>,
    %get3A_238 = arith.constant 18 : index
    %get3A_239 = arith.constant 0 : index
    %get3A_240 = arith.constant 0 : index
    %get3A_241 = vector.load %arg2[%get3A_238, %get3A_239, %get3A_240] : memref<27x128x128xf32, #tpu.memory_space<vmem>>, vector<1x128x128xf32>
    %get3A_242 = vector.shape_cast %get3A_241 : vector<1x128x128xf32> to vector<128x128xf32>
    %dot_general3A_243 = arith.constant dense<0.000000e+00> : vector<512x128xf32>
    %dot_general3A_244 = tpu.matmul %get3A_1, %get3A_242, %dot_general3A_243 {dimension_numbers = #tpu.dot_dimension_numbers<[1], [0], [0], [1], [0, 0, 1, 1], [], []>, transpose_lhs_hint = false} : vector<512x128xf32>, vector<128x128xf32>, vector<512x128xf32> -> vector<512x128xf32>
    %swap3A_245 = arith.constant 18 : index
    %swap3A_246 = arith.constant 0 : index
    %swap3A_247 = arith.constant 0 : index
    %swap3A_248 = vector.load %arg4[%swap3A_245, %swap3A_246, %swap3A_247] : memref<27x512x128xf32, #tpu.memory_space<vmem>>, vector<1x512x128xf32>
    %swap3A_249 = vector.shape_cast %swap3A_248 : vector<1x512x128xf32> to vector<512x128xf32>
    %swap3A_250 = vector.shape_cast %dot_general3A_244 : vector<512x128xf32> to vector<1x512x128xf32>
    tpu.vector_store %arg4[%swap3A_245, %swap3A_246, %swap3A_247], %swap3A_250 {strides = array<i32>} : memref<27x512x128xf32, #tpu.memory_space<vmem>>, vector<1x512x128xf32>,
    %get3A_251 = arith.constant 19 : index
    %get3A_252 = arith.constant 0 : index
    %get3A_253 = arith.constant 0 : index
    %get3A_254 = vector.load %arg2[%get3A_251, %get3A_252, %get3A_253] : memref<27x128x128xf32, #tpu.memory_space<vmem>>, vector<1x128x128xf32>
    %get3A_255 = vector.shape_cast %get3A_254 : vector<1x128x128xf32> to vector<128x128xf32>
    %dot_general3A_256 = arith.constant dense<0.000000e+00> : vector<512x128xf32>
    %dot_general3A_257 = tpu.matmul %get3A_1, %get3A_255, %dot_general3A_256 {dimension_numbers = #tpu.dot_dimension_numbers<[1], [0], [0], [1], [0, 0, 1, 1], [], []>, transpose_lhs_hint = false} : vector<512x128xf32>, vector<128x128xf32>, vector<512x128xf32> -> vector<512x128xf32>
    %swap3A_258 = arith.constant 19 : index
    %swap3A_259 = arith.constant 0 : index
    %swap3A_260 = arith.constant 0 : index
    %swap3A_261 = vector.load %arg4[%swap3A_258, %swap3A_259, %swap3A_260] : memref<27x512x128xf32, #tpu.memory_space<vmem>>, vector<1x512x128xf32>
    %swap3A_262 = vector.shape_cast %swap3A_261 : vector<1x512x128xf32> to vector<512x128xf32>
    %swap3A_263 = vector.shape_cast %dot_general3A_257 : vector<512x128xf32> to vector<1x512x128xf32>
    tpu.vector_store %arg4[%swap3A_258, %swap3A_259, %swap3A_260], %swap3A_263 {strides = array<i32>} : memref<27x512x128xf32, #tpu.memory_space<vmem>>, vector<1x512x128xf32>,
    %get3A_264 = arith.constant 20 : index
    %get3A_265 = arith.constant 0 : index
    %get3A_266 = arith.constant 0 : index
    %get3A_267 = vector.load %arg2[%get3A_264, %get3A_265, %get3A_266] : memref<27x128x128xf32, #tpu.memory_space<vmem>>, vector<1x128x128xf32>
    %get3A_268 = vector.shape_cast %get3A_267 : vector<1x128x128xf32> to vector<128x128xf32>
    %dot_general3A_269 = arith.constant dense<0.000000e+00> : vector<512x128xf32>
    %dot_general3A_270 = tpu.matmul %get3A_1, %get3A_268, %dot_general3A_269 {dimension_numbers = #tpu.dot_dimension_numbers<[1], [0], [0], [1], [0, 0, 1, 1], [], []>, transpose_lhs_hint = false} : vector<512x128xf32>, vector<128x128xf32>, vector<512x128xf32> -> vector<512x128xf32>
    %swap3A_271 = arith.constant 20 : index
    %swap3A_272 = arith.constant 0 : index
    %swap3A_273 = arith.constant 0 : index
    %swap3A_274 = vector.load %arg4[%swap3A_271, %swap3A_272, %swap3A_273] : memref<27x512x128xf32, #tpu.memory_space<vmem>>, vector<1x512x128xf32>
    %swap3A_275 = vector.shape_cast %swap3A_274 : vector<1x512x128xf32> to vector<512x128xf32>
    %swap3A_276 = vector.shape_cast %dot_general3A_270 : vector<512x128xf32> to vector<1x512x128xf32>
    tpu.vector_store %arg4[%swap3A_271, %swap3A_272, %swap3A_273], %swap3A_276 {strides = array<i32>} : memref<27x512x128xf32, #tpu.memory_space<vmem>>, vector<1x512x128xf32>,
    %get3A_277 = arith.constant 21 : index
    %get3A_278 = arith.constant 0 : index
    %get3A_279 = arith.constant 0 : index
    %get3A_280 = vector.load %arg2[%get3A_277, %get3A_278, %get3A_279] : memref<27x128x128xf32, #tpu.memory_space<vmem>>, vector<1x128x128xf32>
    %get3A_281 = vector.shape_cast %get3A_280 : vector<1x128x128xf32> to vector<128x128xf32>
    %dot_general3A_282 = arith.constant dense<0.000000e+00> : vector<512x128xf32>
    %dot_general3A_283 = tpu.matmul %get3A_1, %get3A_281, %dot_general3A_282 {dimension_numbers = #tpu.dot_dimension_numbers<[1], [0], [0], [1], [0, 0, 1, 1], [], []>, transpose_lhs_hint = false} : vector<512x128xf32>, vector<128x128xf32>, vector<512x128xf32> -> vector<512x128xf32>
    %swap3A_284 = arith.constant 21 : index
    %swap3A_285 = arith.constant 0 : index
    %swap3A_286 = arith.constant 0 : index
    %swap3A_287 = vector.load %arg4[%swap3A_284, %swap3A_285, %swap3A_286] : memref<27x512x128xf32, #tpu.memory_space<vmem>>, vector<1x512x128xf32>
    %swap3A_288 = vector.shape_cast %swap3A_287 : vector<1x512x128xf32> to vector<512x128xf32>
    %swap3A_289 = vector.shape_cast %dot_general3A_283 : vector<512x128xf32> to vector<1x512x128xf32>
    tpu.vector_store %arg4[%swap3A_284, %swap3A_285, %swap3A_286], %swap3A_289 {strides = array<i32>} : memref<27x512x128xf32, #tpu.memory_space<vmem>>, vector<1x512x128xf32>,
    %get3A_290 = arith.constant 22 : index
    %get3A_291 = arith.constant 0 : index
    %get3A_292 = arith.constant 0 : index
    %get3A_293 = vector.load %arg2[%get3A_290, %get3A_291, %get3A_292] : memref<27x128x128xf32, #tpu.memory_space<vmem>>, vector<1x128x128xf32>
    %get3A_294 = vector.shape_cast %get3A_293 : vector<1x128x128xf32> to vector<128x128xf32>
    %dot_general3A_295 = arith.constant dense<0.000000e+00> : vector<512x128xf32>
    %dot_general3A_296 = tpu.matmul %get3A_1, %get3A_294, %dot_general3A_295 {dimension_numbers = #tpu.dot_dimension_numbers<[1], [0], [0], [1], [0, 0, 1, 1], [], []>, transpose_lhs_hint = false} : vector<512x128xf32>, vector<128x128xf32>, vector<512x128xf32> -> vector<512x128xf32>
    %swap3A_297 = arith.constant 22 : index
    %swap3A_298 = arith.constant 0 : index
    %swap3A_299 = arith.constant 0 : index
    %swap3A_300 = vector.load %arg4[%swap3A_297, %swap3A_298, %swap3A_299] : memref<27x512x128xf32, #tpu.memory_space<vmem>>, vector<1x512x128xf32>
    %swap3A_301 = vector.shape_cast %swap3A_300 : vector<1x512x128xf32> to vector<512x128xf32>
    %swap3A_302 = vector.shape_cast %dot_general3A_296 : vector<512x128xf32> to vector<1x512x128xf32>
    tpu.vector_store %arg4[%swap3A_297, %swap3A_298, %swap3A_299], %swap3A_302 {strides = array<i32>} : memref<27x512x128xf32, #tpu.memory_space<vmem>>, vector<1x512x128xf32>,
    %get3A_303 = arith.constant 23 : index
    %get3A_304 = arith.constant 0 : index
    %get3A_305 = arith.constant 0 : index
    %get3A_306 = vector.load %arg2[%get3A_303, %get3A_304, %get3A_305] : memref<27x128x128xf32, #tpu.memory_space<vmem>>, vector<1x128x128xf32>
    %get3A_307 = vector.shape_cast %get3A_306 : vector<1x128x128xf32> to vector<128x128xf32>
    %dot_general3A_308 = arith.constant dense<0.000000e+00> : vector<512x128xf32>
    %dot_general3A_309 = tpu.matmul %get3A_1, %get3A_307, %dot_general3A_308 {dimension_numbers = #tpu.dot_dimension_numbers<[1], [0], [0], [1], [0, 0, 1, 1], [], []>, transpose_lhs_hint = false} : vector<512x128xf32>, vector<128x128xf32>, vector<512x128xf32> -> vector<512x128xf32>
    %swap3A_310 = arith.constant 23 : index
    %swap3A_311 = arith.constant 0 : index
    %swap3A_312 = arith.constant 0 : index
    %swap3A_313 = vector.load %arg4[%swap3A_310, %swap3A_311, %swap3A_312] : memref<27x512x128xf32, #tpu.memory_space<vmem>>, vector<1x512x128xf32>
    %swap3A_314 = vector.shape_cast %swap3A_313 : vector<1x512x128xf32> to vector<512x128xf32>
    %swap3A_315 = vector.shape_cast %dot_general3A_309 : vector<512x128xf32> to vector<1x512x128xf32>
    tpu.vector_store %arg4[%swap3A_310, %swap3A_311, %swap3A_312], %swap3A_315 {strides = array<i32>} : memref<27x512x128xf32, #tpu.memory_space<vmem>>, vector<1x512x128xf32>,
    %get3A_316 = arith.constant 24 : index
    %get3A_317 = arith.constant 0 : index
    %get3A_318 = arith.constant 0 : index
    %get3A_319 = vector.load %arg2[%get3A_316, %get3A_317, %get3A_318] : memref<27x128x128xf32, #tpu.memory_space<vmem>>, vector<1x128x128xf32>
    %get3A_320 = vector.shape_cast %get3A_319 : vector<1x128x128xf32> to vector<128x128xf32>
    %dot_general3A_321 = arith.constant dense<0.000000e+00> : vector<512x128xf32>
    %dot_general3A_322 = tpu.matmul %get3A_1, %get3A_320, %dot_general3A_321 {dimension_numbers = #tpu.dot_dimension_numbers<[1], [0], [0], [1], [0, 0, 1, 1], [], []>, transpose_lhs_hint = false} : vector<512x128xf32>, vector<128x128xf32>, vector<512x128xf32> -> vector<512x128xf32>
    %swap3A_323 = arith.constant 24 : index
    %swap3A_324 = arith.constant 0 : index
    %swap3A_325 = arith.constant 0 : index
    %swap3A_326 = vector.load %arg4[%swap3A_323, %swap3A_324, %swap3A_325] : memref<27x512x128xf32, #tpu.memory_space<vmem>>, vector<1x512x128xf32>
    %swap3A_327 = vector.shape_cast %swap3A_326 : vector<1x512x128xf32> to vector<512x128xf32>
    %swap3A_328 = vector.shape_cast %dot_general3A_322 : vector<512x128xf32> to vector<1x512x128xf32>
    tpu.vector_store %arg4[%swap3A_323, %swap3A_324, %swap3A_325], %swap3A_328 {strides = array<i32>} : memref<27x512x128xf32, #tpu.memory_space<vmem>>, vector<1x512x128xf32>,
    %get3A_329 = arith.constant 25 : index
    %get3A_330 = arith.constant 0 : index
    %get3A_331 = arith.constant 0 : index
    %get3A_332 = vector.load %arg2[%get3A_329, %get3A_330, %get3A_331] : memref<27x128x128xf32, #tpu.memory_space<vmem>>, vector<1x128x128xf32>
    %get3A_333 = vector.shape_cast %get3A_332 : vector<1x128x128xf32> to vector<128x128xf32>
    %dot_general3A_334 = arith.constant dense<0.000000e+00> : vector<512x128xf32>
    %dot_general3A_335 = tpu.matmul %get3A_1, %get3A_333, %dot_general3A_334 {dimension_numbers = #tpu.dot_dimension_numbers<[1], [0], [0], [1], [0, 0, 1, 1], [], []>, transpose_lhs_hint = false} : vector<512x128xf32>, vector<128x128xf32>, vector<512x128xf32> -> vector<512x128xf32>
    %swap3A_336 = arith.constant 25 : index
    %swap3A_337 = arith.constant 0 : index
    %swap3A_338 = arith.constant 0 : index
    %swap3A_339 = vector.load %arg4[%swap3A_336, %swap3A_337, %swap3A_338] : memref<27x512x128xf32, #tpu.memory_space<vmem>>, vector<1x512x128xf32>
    %swap3A_340 = vector.shape_cast %swap3A_339 : vector<1x512x128xf32> to vector<512x128xf32>
    %swap3A_341 = vector.shape_cast %dot_general3A_335 : vector<512x128xf32> to vector<1x512x128xf32>
    tpu.vector_store %arg4[%swap3A_336, %swap3A_337, %swap3A_338], %swap3A_341 {strides = array<i32>} : memref<27x512x128xf32, #tpu.memory_space<vmem>>, vector<1x512x128xf32>,
    %get3A_342 = arith.constant 26 : index
    %get3A_343 = arith.constant 0 : index
    %get3A_344 = arith.constant 0 : index
    %get3A_345 = vector.load %arg2[%get3A_342, %get3A_343, %get3A_344] : memref<27x128x128xf32, #tpu.memory_space<vmem>>, vector<1x128x128xf32>
    %get3A_346 = vector.shape_cast %get3A_345 : vector<1x128x128xf32> to vector<128x128xf32>
    %dot_general3A_347 = arith.constant dense<0.000000e+00> : vector<512x128xf32>
    %dot_general3A_348 = tpu.matmul %get3A_1, %get3A_346, %dot_general3A_347 {dimension_numbers = #tpu.dot_dimension_numbers<[1], [0], [0], [1], [0, 0, 1, 1], [], []>, transpose_lhs_hint = false} : vector<512x128xf32>, vector<128x128xf32>, vector<512x128xf32> -> vector<512x128xf32>
    %swap3A_349 = arith.constant 26 : index
    %swap3A_350 = arith.constant 0 : index
    %swap3A_351 = arith.constant 0 : index
    %swap3A_352 = vector.load %arg4[%swap3A_349, %swap3A_350, %swap3A_351] : memref<27x512x128xf32, #tpu.memory_space<vmem>>, vector<1x512x128xf32>
    %swap3A_353 = vector.shape_cast %swap3A_352 : vector<1x512x128xf32> to vector<512x128xf32>
    %swap3A_354 = vector.shape_cast %dot_general3A_348 : vector<512x128xf32> to vector<1x512x128xf32>
    tpu.vector_store %arg4[%swap3A_349, %swap3A_350, %swap3A_351], %swap3A_354 {strides = array<i32>} : memref<27x512x128xf32, #tpu.memory_space<vmem>>, vector<1x512x128xf32>,
    return
  }
  func.func @transform_0(%arg0: i32) -> (i32, i32) {
    %c0_i32 = arith.constant 0 : i32
    %c0_i32_0 = arith.constant 0 : i32
    return %arg0, %c0_i32 : i32, i32
  }
  func.func @transform_1(%arg0: i32) -> (i32, i32, i32) {
    %c0_i32 = arith.constant 0 : i32
    %c0_i32_0 = arith.constant 0 : i32
    %c0_i32_1 = arith.constant 0 : i32
    %c0_i32_2 = arith.constant 0 : i32
    return %c0_i32, %c0_i32_0, %c0_i32_1 : i32, i32, i32
  }
  func.func @transform_2(%arg0: i32) -> (i32, i32) {
    %c0_i32 = arith.constant 0 : i32
    %c0_i32_0 = arith.constant 0 : i32
    %c0_i32_1 = arith.constant 0 : i32
    return %c0_i32, %c0_i32_0 : i32, i32
  }
  func.func @transform_3(%arg0: i32) -> (i32, i32, i32) {
    %c0_i32 = arith.constant 0 : i32
    %c0_i32_0 = arith.constant 0 : i32
    %c0_i32_1 = arith.constant 0 : i32
    return %c0_i32, %arg0, %c0_i32_0 : i32, i32, i32
  }
}

</mosaic_0001>

<sc_bundles>
// kernel: kernel.4.cloned.1.call-start
scs
__scs_entry_jumppad:
0x0: {  	(pc) =	sbr.rel $0x88, $3  }
0x1: {  	(tag) =	ssettag $0x0;
	lr =	simm.s32 $0x1  }
0x2: {  	[smem:$0x3F9D] =	sst lr;
	_ =	strace $0xD0000000  }
0x3: {  	_ = 	snop  }
0x4: {  	_ = 	snop  }
0x5: {  	_ = 	snop  }
0x6: {  	_ = 	snop  }
0x7: {  	_ = 	snop  }
__scs_overlays_trampoline_lowered:
0x8: {  	[smem:$0x3FAC] =	sst s0  }
0x9: {  	[smem:$0x3FAD] =	sst s1  }
0xa: {  	[smem:$0x3FAE] =	sst s2  }
0xb: {  	[smem:$0x3FAF] =	sst s3  }
0xc: {  	[smem:$0x3FB0] =	sst s4  }
0xd: {  	[smem:$0x3FB1] =	sst s5  }
0xe: {  	[smem:$0x3FB2] =	sst s6  }
0xf: {  	[smem:$0x3FB3] =	sst s7  }
0x10: {  	[smem:$0x3FB4] =	sst s8  }
0x11: {  	[smem:$0x3FB5] =	sst s9;
	s0 =	simm.s32 @!p0 $0x0  }
0x12: {  	s1 =	sld [smem:$0x3F9B];
	s0 =	simm.s32 @p0 $0x1  }
0x13: {  	[smem:$0x3FB6] =	sst s0;
	s0 =	simm.s32 @!p1 $0x0  }
0x14: {  	s2 =	sld [smem:$0x3F9A];
	s0 =	simm.s32 @p1 $0x1  }
0x15: {  	[smem:$0x3FB7] =	sst s0;
	s0 =	simm.s32 @!p2 $0x0  }
0x16: {  	s3 =	sld [smem:$0x3FDB];
	s0 =	simm.s32 @p2 $0x1  }
0x17: {  	s4 =	simm.s32 $0x1BF5;
	[smem:$0x3FB9] =	sst s0  }
0x18: {  	s0 =	sld [smem:$0x3F9C];
	_ =	swait.ge [sflag:s4], $0x0  }
0x19: {  	s7 =	sld [smem:$0x3F9D]  }
0x1a: {  	s8 =	sadd.s32 $0xFFFFE003, lr  }
0x1b: {  	s9 =	sadd.s32 $0xFFFFFEF7, lr;
	s5 =	simm.s32 $0xFFFFFFFF;
	p2 =	slt.u32 s8, $0xFFFFF086  }
0x1c: {  	p1 =	slt.u32 s9, $0xF7A;
	s5 =	simm.s32 @!p2 $0x0  }
0x1d: {  	s5 =	simm.s32 @p1 $0x1;
	p0 =	seq.s32 s7, s2  }
0x1e: {  	s7 =	smul.u32 @!p0 $0xF7A, s2;
	p2 =	seq.s32 @!p0 s5, $0x0  }
0x1f: {  	s9 =	smul.u32 $0xF7A, s1;
	s8 =	simm.s32 @!p0 $0x1BF5;
	p2 =	por !p2, p0  }
0x20: {  	[sflag:s8] =	ssyncset.s32 @!p0 $0xFFFFF086;
	s6 =	sadd.s32 @!p0 s3, s7;
	s7 =	simm.s32 @!p0 $0x108  }
0x21: {  	s3 =	sadd.s32 s3, s9;
	s6 =	sadd.s32 @!p0 $0x88, s6;
	s7 =	simm.s32 @p2 $0x1082  }
0x22: {  	[simem:s7], [sflag:s8] =	dma.local @!p0 [hbm:s6], $0xF7A  }
0x23: {  	s9 =	sor.u32 $0xD0000000, s2;
	s6 =	simm.s32 $0x108;
	_ =	swait.ge @!p0 [sflag:s8], $0x0  }
0x24: {  	s3 =	sadd.s32 $0x88, s3;
	s6 =	simm.s32 @!p1 $0x1082;
	[sflag:s4] =	ssyncset.s32 $0xFFFFF086  }
0x25: {  	[simem:s6], [sflag:s4] =	dma.local [hbm:s3], $0xF7A  }
0x26: {  	[smem:$0x3F9D] =	sst s1;
	(tag) =	ssettag s2;
	_ =	strace s9  }
0x27: {  	s1 =	sld [smem:$0x3FAD]  }
0x28: {  	s2 =	sld [smem:$0x3FAE]  }
0x29: {  	s4 =	sld [smem:$0x3FB0]  }
0x2a: {  	p0 =	seq.s32 s5, $0x0;
	s5 =	sld [smem:$0x3FB1]  }
0x2b: {  	s6 =	sld [smem:$0x3FB2]  }
0x2c: {  	s7 =	sld [smem:$0x3FB3]  }
0x2d: {  	s3 =	simm.s32 $0x108;
	s8 =	sld [smem:$0x3FB4]  }
0x2e: {  	s3 =	simm.s32 @!p0 $0x1082;
	s9 =	sld [smem:$0x3FB5]  }
0x2f: {  	lr =	sadd.s32 s0, s3;
	s0 =	sld [smem:$0x3FAC]  }
0x30: {  	s3 =	sld [smem:$0x3FAF]  }
0x31: {  	[smem:$0x3FB8] =	sst s10  }
0x32: {  	s10 =	sld [smem:$0x3FB6];
	_ =	sdelay $0x3  }
0x33: {  	p0 =	seq.s32 s10, $0x1;
	s10 =	sld [smem:$0x3FB8];
	_ =	sdelay $0x3  }
0x34: {  	[smem:$0x3FB8] =	sst s10  }
0x35: {  	s10 =	sld [smem:$0x3FB7];
	_ =	sdelay $0x3  }
0x36: {  	p1 =	seq.s32 s10, $0x1;
	s10 =	sld [smem:$0x3FB8];
	_ =	sdelay $0x3  }
0x37: {  	[smem:$0x3FB8] =	sst s10  }
0x38: {  	s10 =	sld [smem:$0x3FB9]  }
0x39: {  	_ = 	snop;
	(pc) =	sbr.ind lr, $3  }
0x3a: {  	_ = 	snop  }
0x3b: {  	_ = 	snop  }
0x3c: {  	p2 =	seq.s32 s10, $0x1;
	s10 =	sld [smem:$0x3FB8]  }
0x3d: {  	_ =	shalt  }
0x3e: {  	_ =	shalt  }
0x3f: {  	_ =	shalt  }
0x40: {  	_ =	shalt  }
0x41: {  	_ =	shalt  }
0x42: {  	_ =	shalt  }
0x43: {  	_ =	shalt  }
0x44: {  	_ =	shalt  }
0x45: {  	_ =	shalt  }
0x46: {  	_ =	shalt  }
0x47: {  	_ =	shalt  }
0x48: {  	_ =	shalt  }
0x49: {  	_ =	shalt  }
0x4a: {  	_ =	shalt  }
0x4b: {  	_ =	shalt  }
0x4c: {  	_ =	shalt  }
0x4d: {  	_ =	shalt  }
0x4e: {  	_ =	shalt  }
0x4f: {  	_ =	shalt  }
0x50: {  	_ =	shalt  }
0x51: {  	_ =	shalt  }
0x52: {  	_ =	shalt  }
0x53: {  	_ =	shalt  }
0x54: {  	_ =	shalt  }
0x55: {  	_ =	shalt  }
0x56: {  	_ =	shalt  }
0x57: {  	_ =	shalt  }
0x58: {  	_ =	shalt  }
0x59: {  	_ =	shalt  }
0x5a: {  	_ =	shalt  }
0x5b: {  	_ =	shalt  }
0x5c: {  	_ =	shalt  }
0x5d: {  	_ =	shalt  }
0x5e: {  	_ =	shalt  }
0x5f: {  	_ =	shalt  }
0x60: {  	_ =	shalt  }
0x61: {  	_ =	shalt  }
0x62: {  	_ =	shalt  }
0x63: {  	_ =	shalt  }
0x64: {  	_ =	shalt  }
0x65: {  	_ =	shalt  }
0x66: {  	_ =	shalt  }
0x67: {  	_ =	shalt  }
0x68: {  	_ =	shalt  }
0x69: {  	_ =	shalt  }
0x6a: {  	_ =	shalt  }
0x6b: {  	_ =	shalt  }
0x6c: {  	_ =	shalt  }
0x6d: {  	_ =	shalt  }
0x6e: {  	_ =	shalt  }
0x6f: {  	_ =	shalt  }
0x70: {  	_ =	shalt  }
0x71: {  	_ =	shalt  }
0x72: {  	_ =	shalt  }
0x73: {  	_ =	shalt  }
0x74: {  	_ =	shalt  }
0x75: {  	_ =	shalt  }
0x76: {  	_ =	shalt  }
0x77: {  	_ =	shalt  }
0x78: {  	_ =	shalt  }
0x79: {  	_ =	shalt  }
0x7a: {  	_ =	shalt  }
0x7b: {  	_ =	shalt  }
0x7c: {  	_ =	shalt  }
0x7d: {  	_ =	shalt  }
0x7e: {  	_ =	shalt  }
0x7f: {  	_ =	shalt  }
0x80: {  	_ =	shalt  }
0x81: {  	_ =	shalt  }
0x82: {  	_ =	shalt  }
0x83: {  	_ =	shalt  }
0x84: {  	_ =	shalt  }
0x85: {  	_ =	shalt  }
0x86: {  	_ =	shalt  }
0x87: {  	_ =	shalt  }
.Lfunc_end0:
.L_simem_size_0:
called_computation_lowered:
.L_overlay_start_0:
0x88: {  	s2 =	sld [smem:$0x3FD9]  }
0x89: {  	s3 =	sld [smem:$0x3FFE];
	_ =	sdelay $0x1  }
0x8a: {  	s1 =	srdreg.scid  }
0x8b: {  	s0 =	sand.u32 $0x1, s1  }
0x8c: {  	s17 =	sshll.u32 s0, $0xA;
	s2 =	sadd.s32 s3, s2  }
0x8d: {  	s2 =	sadd.s32 s2, s17  }
0x8e: {  	[smem:$0x3FC4] =	sst s2  }
0x8f: {  	_ = 	snop  }
0x90: {  	s2 =	sld [smem:$0x3FD0];
	(tm) =	ssettm $0x1  }
0x91: {  	s18 =	sld [smem:$0x3FFB];
	_ =	sdelay $0x3  }
0x92: {  	_ =	strace s18  }
0x93: {  	s3 =	sld [smem:$0x3FFC];
	_ =	sdelay $0x3  }
0x94: {  	_ =	strace s3  }
0x95: {  	s3 =	sld [smem:$0x3FFD];
	_ =	sdelay $0x3  }
0x96: {  	_ =	strace s3  }
0x97: {  	_ =	strace $0x8FFFFFFF  }
0x98: {  	s19 =	sld [smem:$0x3FDB];
	_ =	sdelay $0x1  }
0x99: {  	s4 =	simm.s32 $_scs_section_size  }
0x9a: {  	s5 =	simm.s32 $_size__tile_overlayer_lowered;
	s6 =	simm.s32 $_tile_overlayer_lowered  }
0x9b: {  	s22 =	simm.s32 $0x1BFF;
	s21 =	sshll.u32 s6, $0x1;
	s3 =	sadd.s32 s4, s19  }
0x9c: {  	s7 =	simm.s32 $0x0;
	s20 =	sshll.u32 s5, $0x1;
	s5 =	sadd.s32 s21, s3  }
0x9d: {  	[timem:s7], [sflag:s22] =	dma.local [hbm:s5], s20  }
0x9e: {  	_ =	swait.ge [sflag:s22], s20  }
0x9f: {  	s4 =	ssub.s32 $0x0, s20;
	[sflag:s22] =	ssyncset.done $0x0  }
0xa0: {  	[sflag:s22] =	ssyncadd.s32 s4;
	_ =	sdelay $0x1  }
0xa1: {  	s23 =	simm.s32 $0x1B8B  }
0xa2: {  	_ =	swait.ge [sflag:s23], $0x1  }
0xa3: {  	[sflag:s23] =	ssyncset.done $0x0  }
0xa4: {  	s25 =	simm.s32 $0x1B8E;
	s24 =	sld [smem:$0x3FFE];
	[sflag:s23] =	ssyncadd.s32 $0xFFFFFFFF  }
0xa5: {  	s26 =	simm.s32 $execute0_lowered;
	[smem:$0x3FD2] =	sst s25  }
0xa6: {  	s5 =	sshll.u32 s26, $0x1;
	_ =	strace $0x80000046;
	[dreg:$0x1] =	wrdreg $0xFFFFFFFF  }
0xa7: {  	s28 =	simm.s32 $_size_execute0_lowered;
	s3 =	sadd.s32 s3, s5;
	[dreg:$0x0] =	wrdreg $0x0  }
0xa8: {  	s5 =	sshll.u32 s28, $0x1;
	[dreg:$0x2] =	wrdreg s3  }
0xa9: {  	[dreg:$0x3] =	wrdreg s5  }
0xaa: {  	[dreg:$0x4] =	wrdreg $0xC0  }
0xab: {  	_ =	task [dreg:s7], $0x5FFFF  }
0xac: {  	[dreg:$0x1] =	wrdreg $0xFFFFFFFF  }
0xad: {  	[dreg:$0x0] =	wrdreg $0x60  }
0xae: {  	[dreg:$0x2] =	wrdreg s24  }
0xaf: {  	[dreg:$0x3] =	wrdreg s2  }
0xb0: {  	[dreg:$0x4] =	wrdreg $0x9  }
0xb1: {  	_ =	task.clear_ibuf [dreg:s7], $0x5FFFF;
	_ =	strace $0x90000046  }
0xb2: {  	s29 =	simm.s32 $0x9;
	_ =	strace $0x80000048  }
0xb3: {  	_ =	swait.ge [sflag:s29], $0x1  }
0xb4: {  	[sflag:s29] =	ssyncadd.s32 $0xFFFFFFFF  }
0xb5: {  	_ =	strace $0x90000048  }
0xb6: {  	_ =	sfence  }
0xb7: {  	s30 =	sld [smem:$0x0];
	_ =	sdelay $0x2  }
0xb8: {  	s31 =	sshll.u32 s1, $0xD;
	s1 =	sshrl.u32 s1, $0x2  }
0xb9: {  	s3 =	sand.u32 $0x4000, s31;
	s1 =	sadd.s32 s1, s30  }
0xba: {  	s0 =	sor.u32 s3, s0;
	s1 =	sshll.u32 s1, $0x11  }
0xbb: {  	s0 =	sor.u32 s1, s0  }
0xbc: {  	s0 =	sadd.s32 $0x8F2B, s0  }
0xbd: {  	[sflag:s0] =	ssyncadd.remote.s32 $0x1  }
0xbe: {  	_ =	sfence.sel $0xFFFF  }
0xbf: {  	[dreg:$0x0] =	wrdreg $0xFFFFFFFF;
	(pc) =	sbr.abs _section_cstart, $3  }
0xc0: {  	[dreg:$0x1] =	wrdreg $0xFFFFFFFF  }
0xc1: {  	_ =	task.clear_ibuf [dreg:s7], $0x2FFFF;
	_ =	strace $0x9FFFFFFF  }
0xc2: {  	(tm) =	ssettm $0x7FFFFFFF  }
0xc3: {  	_ =	shalt  }
tec
execute0_lowered:
.L_overlay_start_1:
0x0: {  	(tag) =	ssettag $0x1  }
0x1: {  	s1 =	srdreg.scid;
	s2 =	stileid.u32  }
0x2: {  	s0 =	rddreg [dreg:$0x0];
	s1 =	sand.u32 $0x1, s1;
	s3 =	sshll.u32 s2, $0x1  }
0x3: {  	s4 =	rddreg [dreg:$0x1];
	s3 =	sor.u32 s1, s3  }
0x4: {  	s2 =	simm.s32 $0x0;
	s1 =	ssub.s32 $0x2, s1;
	s5 =	smul.u32 $0x680, s3  }
0x5: {  	[smem:$0x7FF] =	sst s2;
	s6 =	smul.u32 $0x1A00, s3;
	s26 =	sshrl.u32 s1, $0x1  }
0x6: {  	_ =	strace $0x80000047;
	s3 =	sadd.s32 $0x1000, s0;
	s1 =	ssub.s32 s1, s26  }
0x7: {  	s5 =	sshrl.u32 s5, $0x3;
	s0 =	sadd.s32 s6, s0;
	s23 =	smax.u32 s1, $0x1  }
0x8: {  	s4 =	sadd.s32 s4, s5;
	s0 =	sadd.s32 $0x57D000, s0;
	[dreg:$0x17] =	wrdreg s23  }
0x9: {  	s5 =	sadd.s32 $0x1A00, s4;
	[dreg:$0x16] =	wrdreg s0  }
0xa: {  	s29 =	sadd.s32 $0x3400, s4;
	[dreg:$0x3] =	wrdreg s5  }
0xb: {  	s6 =	sadd.s32 $0x4E00, s4;
	[dreg:$0x4] =	wrdreg s29  }
0xc: {  	s7 =	sadd.s32 $0x6800, s4;
	[dreg:$0x5] =	wrdreg s6  }
0xd: {  	s8 =	sadd.s32 $0x8200, s4;
	[dreg:$0x6] =	wrdreg s7  }
0xe: {  	s9 =	sadd.s32 $0x9C00, s4;
	[dreg:$0x7] =	wrdreg s8  }
0xf: {  	s10 =	sadd.s32 $0xB600, s4;
	[dreg:$0x8] =	wrdreg s9  }
0x10: {  	s11 =	sadd.s32 $0xD000, s4;
	[dreg:$0x9] =	wrdreg s10  }
0x11: {  	s12 =	sadd.s32 $0xEA00, s4;
	[dreg:$0xa] =	wrdreg s11  }
0x12: {  	s13 =	sadd.s32 $0x10400, s4;
	[dreg:$0xb] =	wrdreg s12  }
0x13: {  	s14 =	sadd.s32 $0x11E00, s4;
	[dreg:$0xc] =	wrdreg s13  }
0x14: {  	s15 =	sadd.s32 $0x13800, s4;
	[dreg:$0xd] =	wrdreg s14  }
0x15: {  	s16 =	sadd.s32 $0x15200, s4;
	[dreg:$0xe] =	wrdreg s15  }
0x16: {  	s17 =	sadd.s32 $0x16C00, s4;
	[dreg:$0xf] =	wrdreg s16  }
0x17: {  	s18 =	sadd.s32 $0x18600, s4;
	[dreg:$0x10] =	wrdreg s17  }
0x18: {  	s19 =	sadd.s32 $0x1A000, s4;
	[dreg:$0x11] =	wrdreg s18  }
0x19: {  	s20 =	sadd.s32 $0x1BA00, s4;
	[dreg:$0x12] =	wrdreg s19  }
0x1a: {  	s30 =	simm.s32 $0xD00;
	s21 =	sadd.s32 $0x1D400, s4;
	[dreg:$0x13] =	wrdreg s20  }
0x1b: {  	s28 =	simm.s32 $0x3;
	s22 =	sadd.s32 $0x1EE00, s4;
	[dreg:$0x14] =	wrdreg s21  }
0x1c: {  	s23 =	simm.s32 $0x8F00;
	s24 =	sadd.s32 $0x20800, s4;
	[dreg:$0x15] =	wrdreg s22  }
0x1d: {  	s25 =	sadd.s32 $0x22200, s4;
	s26 =	sadd.s32 $0x23C00, s4;
	[dreg:$0x18] =	wrdreg s24  }
0x1e: {  	s31 =	sadd.s32 $0x27000, s4;
	s1 =	sadd.s32 $0x28A00, s4;
	[dreg:$0x19] =	wrdreg s25  }
0x1f: {  	s0 =	sadd.s32 $0x2A400, s4;
	[dreg:$0x1a] =	wrdreg s26;
	s29 =	sadd.s32 $0x25600, s4  }
0x20: {  	s5 =	simm.s32 $0x680;
	s15 =	simm.s32 $0x4780;
	s16 =	simm.s32 $0x4E00  }
0x21: {  	s17 =	simm.s32 $0x5480;
	s18 =	simm.s32 $0x5B00;
	s19 =	simm.s32 $0x6180  }
0x22: {  	s20 =	simm.s32 $0x6800;
	s6 =	simm.s32 $0x6E80;
	s21 =	simm.s32 $0x7500  }
0x23: {  	s7 =	simm.s32 $0x7B80;
	s22 =	simm.s32 $0x8200;
	s8 =	simm.s32 $0x8880  }
0x24: {  	s9 =	simm.s32 $0x9580;
	s24 =	simm.s32 $0x9C00;
	s10 =	simm.s32 $0xA280  }
0x25: {  	s25 =	simm.s32 $0xA900;
	s11 =	simm.s32 $0x2;
	s26 =	simm.s32 $0xAF80  }
0x26: {  	v0 =	vimm.f32 $0.0e+00;
	s12 =	simm.s32 $0x1;
	s13 =	simm.s32 $0x0;
	[dreg:$0x1b] =	wrdreg s29  }
.LBB2_1:
0x27: {  	[tilespmem:s2], [sflag:$0x2] =	stream.linear.gather [hbm4b:s4+s2], $0x680, $0x38;
	[tilespmem:$0x17F80] =	vst v63  }
0x28: {  	s14 =	rddreg [dreg:$0x3]  }
0x29: {  	[tilespmem:s5], [sflag:$0x2] =	stream.linear.gather [hbm4b:s14+s2], $0x680, $0x38;
	[tilespmem:$0x17F80] =	vst v63  }
0x2a: {  	s14 =	rddreg [dreg:$0x4]  }
0x2b: {  	[tilespmem:s30], [sflag:$0x2] =	stream.linear.gather [hbm4b:s14+s2], $0x680, $0x38;
	[tilespmem:$0x17F80] =	vst v63  }
0x2c: {  	s29 =	simm.s32 $0x1380;
	s30 =	rddreg [dreg:$0x5]  }
0x2d: {  	[tilespmem:s29], [sflag:$0x2] =	stream.linear.gather [hbm4b:s30+s2], $0x680, $0x38;
	[tilespmem:$0x17F80] =	vst v63  }
0x2e: {  	s30 =	rddreg [dreg:$0x6];
	s29 =	simm.s32 $0x1A00  }
0x2f: {  	[tilespmem:s29], [sflag:$0x2] =	stream.linear.gather [hbm4b:s30+s2], $0x680, $0x38;
	[tilespmem:$0x17F80] =	vst v63  }
0x30: {  	s30 =	rddreg [dreg:$0x7];
	s29 =	simm.s32 $0x2080  }
0x31: {  	[tilespmem:s29], [sflag:$0x2] =	stream.linear.gather [hbm4b:s30+s2], $0x680, $0x38;
	[tilespmem:$0x17F80] =	vst v63  }
0x32: {  	s30 =	rddreg [dreg:$0x8];
	s29 =	simm.s32 $0x2700  }
0x33: {  	[tilespmem:s29], [sflag:$0x2] =	stream.linear.gather [hbm4b:s30+s2], $0x680, $0x38;
	[tilespmem:$0x17F80] =	vst v63  }
0x34: {  	s30 =	rddreg [dreg:$0x9];
	s29 =	simm.s32 $0x2D80  }
0x35: {  	[tilespmem:s29], [sflag:$0x2] =	stream.linear.gather [hbm4b:s30+s2], $0x680, $0x38;
	[tilespmem:$0x17F80] =	vst v63  }
0x36: {  	s30 =	rddreg [dreg:$0xa];
	s29 =	simm.s32 $0x3400  }
0x37: {  	[tilespmem:s29], [sflag:$0x2] =	stream.linear.gather [hbm4b:s30+s2], $0x680, $0x38;
	[tilespmem:$0x17F80] =	vst v63  }
0x38: {  	s30 =	rddreg [dreg:$0xb];
	s29 =	simm.s32 $0x3A80  }
0x39: {  	[tilespmem:s29], [sflag:$0x2] =	stream.linear.gather [hbm4b:s30+s2], $0x680, $0x38;
	[tilespmem:$0x17F80] =	vst v63  }
0x3a: {  	s30 =	rddreg [dreg:$0xc];
	s29 =	simm.s32 $0x4100  }
0x3b: {  	[tilespmem:s29], [sflag:$0x2] =	stream.linear.gather [hbm4b:s30+s2], $0x680, $0x38;
	[tilespmem:$0x17F80] =	vst v63  }
0x3c: {  	s30 =	rddreg [dreg:$0xd]  }
0x3d: {  	[tilespmem:s15], [sflag:$0x2] =	stream.linear.gather [hbm4b:s30+s2], $0x680, $0x38;
	[tilespmem:$0x17F80] =	vst v63  }
0x3e: {  	s30 =	rddreg [dreg:$0xe]  }
0x3f: {  	[tilespmem:s16], [sflag:$0x2] =	stream.linear.gather [hbm4b:s30+s2], $0x680, $0x38;
	[tilespmem:$0x17F80] =	vst v63  }
0x40: {  	s30 =	rddreg [dreg:$0xf]  }
0x41: {  	[tilespmem:s17], [sflag:$0x2] =	stream.linear.gather [hbm4b:s30+s2], $0x680, $0x38;
	[tilespmem:$0x17F80] =	vst v63  }
0x42: {  	s30 =	rddreg [dreg:$0x10]  }
0x43: {  	[tilespmem:s18], [sflag:$0x2] =	stream.linear.gather [hbm4b:s30+s2], $0x680, $0x38;
	[tilespmem:$0x17F80] =	vst v63  }
0x44: {  	s30 =	rddreg [dreg:$0x11]  }
0x45: {  	[tilespmem:s19], [sflag:$0x2] =	stream.linear.gather [hbm4b:s30+s2], $0x680, $0x38;
	[tilespmem:$0x17F80] =	vst v63  }
0x46: {  	s30 =	rddreg [dreg:$0x12]  }
0x47: {  	[tilespmem:s20], [sflag:$0x2] =	stream.linear.gather [hbm4b:s30+s2], $0x680, $0x38;
	[tilespmem:$0x17F80] =	vst v63  }
0x48: {  	s30 =	rddreg [dreg:$0x13]  }
0x49: {  	[tilespmem:s6], [sflag:$0x2] =	stream.linear.gather [hbm4b:s30+s2], $0x680, $0x38;
	[tilespmem:$0x17F80] =	vst v63  }
0x4a: {  	s30 =	rddreg [dreg:$0x14]  }
0x4b: {  	[tilespmem:s21], [sflag:$0x2] =	stream.linear.gather [hbm4b:s30+s2], $0x680, $0x38;
	[tilespmem:$0x17F80] =	vst v63  }
0x4c: {  	s30 =	rddreg [dreg:$0x15]  }
0x4d: {  	[tilespmem:s7], [sflag:$0x2] =	stream.linear.gather [hbm4b:s30+s2], $0x680, $0x38;
	[tilespmem:$0x17F80] =	vst v63  }
0x4e: {  	s30 =	rddreg [dreg:$0x18]  }
0x4f: {  	[tilespmem:s22], [sflag:$0x2] =	stream.linear.gather [hbm4b:s30+s2], $0x680, $0x38;
	[tilespmem:$0x17F80] =	vst v63  }
0x50: {  	s30 =	rddreg [dreg:$0x19]  }
0x51: {  	[tilespmem:s8], [sflag:$0x2] =	stream.linear.gather [hbm4b:s30+s2], $0x680, $0x38;
	[tilespmem:$0x17F80] =	vst v63  }
0x52: {  	s30 =	rddreg [dreg:$0x1a]  }
0x53: {  	[tilespmem:s23], [sflag:$0x2] =	stream.linear.gather [hbm4b:s30+s2], $0x680, $0x38;
	[tilespmem:$0x17F80] =	vst v63  }
0x54: {  	s30 =	rddreg [dreg:$0x1b]  }
0x55: {  	[tilespmem:s9], [sflag:$0x2] =	stream.linear.gather [hbm4b:s30+s2], $0x680, $0x38;
	[tilespmem:$0x17F80] =	vst v63  }
0x56: {  	_ = 	snop  }
0x57: {  	[tilespmem:s24], [sflag:$0x2] =	stream.linear.gather [hbm4b:s31+s2], $0x680, $0x38;
	[tilespmem:$0x17F80] =	vst v63  }
0x58: {  	_ = 	snop  }
0x59: {  	[tilespmem:s10], [sflag:$0x2] =	stream.linear.gather [hbm4b:s1+s2], $0x680, $0x38;
	[tilespmem:$0x17F80] =	vst v63  }
0x5a: {  	s14 =	simm.s32 $0x0;
	s29 =	simm.s32 $0x80  }
0x5b: {  	[tilespmem:s25], [sflag:$0x2] =	stream.linear.gather [hbm4b:s0+s2], $0x680, $0x38;
	[tilespmem:$0x17F80] =	vst v63  }
.LBB2_2:
0x5c: {  	p0 =	sne.s32 s29, $0x33F80;
	[tilespmem:s14+$0xAF80] =	vst v0;
	s30 =	smov.u32 s29;
	s29 =	sadd.s32 $0x80, s29  }
.Ltmp0:
0x5d: {  	[tilespmem:s14+$0xAF90] =	vst v0;
	(pc) =	sbr.rel @p0 .LBB2_2-.Ltmp0, $2  }
0x5e: {  	_ =	sdelay $0x2  }
0x5f: {  	s14 =	sshra.s32 s30, $0x2  }
0x60: {  	[tilespmem:s14+$0xAF80] =	vst v0  }
0x61: {  	[tilespmem:s14+$0xAF90] =	vst v0  }
0x62: {  	_ =	swait.ge [sflag:s11], $0x680  }
0x63: {  	[sflag:s11] =	ssyncset.done $0x0  }
0x64: {  	[sflag:s11] =	ssyncadd.s32 $0xFFFFF980  }
0x65: {  	_ =	swait.ge [sflag:s11], $0x680  }
0x66: {  	[sflag:s11] =	ssyncset.done $0x0  }
0x67: {  	[sflag:s11] =	ssyncadd.s32 $0xFFFFF980  }
0x68: {  	_ =	swait.ge [sflag:s11], $0x680  }
0x69: {  	[sflag:s11] =	ssyncset.done $0x0  }
0x6a: {  	[sflag:s11] =	ssyncadd.s32 $0xFFFFF980  }
0x6b: {  	_ =	swait.ge [sflag:s11], $0x680  }
0x6c: {  	[sflag:s11] =	ssyncset.done $0x0  }
0x6d: {  	[sflag:s11] =	ssyncadd.s32 $0xFFFFF980  }
0x6e: {  	_ =	swait.ge [sflag:s11], $0x680  }
0x6f: {  	[sflag:s11] =	ssyncset.done $0x0  }
0x70: {  	[sflag:s11] =	ssyncadd.s32 $0xFFFFF980  }
0x71: {  	_ =	swait.ge [sflag:s11], $0x680  }
0x72: {  	[sflag:s11] =	ssyncset.done $0x0  }
0x73: {  	[sflag:s11] =	ssyncadd.s32 $0xFFFFF980  }
0x74: {  	_ =	swait.ge [sflag:s11], $0x680  }
0x75: {  	[sflag:s11] =	ssyncset.done $0x0  }
0x76: {  	[sflag:s11] =	ssyncadd.s32 $0xFFFFF980  }
0x77: {  	_ =	swait.ge [sflag:s11], $0x680  }
0x78: {  	[sflag:s11] =	ssyncset.done $0x0  }
0x79: {  	[sflag:s11] =	ssyncadd.s32 $0xFFFFF980  }
0x7a: {  	_ =	swait.ge [sflag:s11], $0x680  }
0x7b: {  	[sflag:s11] =	ssyncset.done $0x0  }
0x7c: {  	[sflag:s11] =	ssyncadd.s32 $0xFFFFF980  }
0x7d: {  	_ =	swait.ge [sflag:s11], $0x680  }
0x7e: {  	[sflag:s11] =	ssyncset.done $0x0  }
0x7f: {  	[sflag:s11] =	ssyncadd.s32 $0xFFFFF980  }
0x80: {  	_ =	swait.ge [sflag:s11], $0x680  }
0x81: {  	[sflag:s11] =	ssyncset.done $0x0  }
0x82: {  	[sflag:s11] =	ssyncadd.s32 $0xFFFFF980  }
0x83: {  	_ =	swait.ge [sflag:s11], $0x680  }
0x84: {  	[sflag:s11] =	ssyncset.done $0x0  }
0x85: {  	[sflag:s11] =	ssyncadd.s32 $0xFFFFF980  }
0x86: {  	_ =	swait.ge [sflag:s11], $0x680  }
0x87: {  	[sflag:s11] =	ssyncset.done $0x0  }
0x88: {  	[sflag:s11] =	ssyncadd.s32 $0xFFFFF980  }
0x89: {  	_ =	swait.ge [sflag:s11], $0x680  }
0x8a: {  	[sflag:s11] =	ssyncset.done $0x0  }
0x8b: {  	[sflag:s11] =	ssyncadd.s32 $0xFFFFF980  }
0x8c: {  	_ =	swait.ge [sflag:s11], $0x680  }
0x8d: {  	[sflag:s11] =	ssyncset.done $0x0  }
0x8e: {  	[sflag:s11] =	ssyncadd.s32 $0xFFFFF980  }
0x8f: {  	_ =	swait.ge [sflag:s11], $0x680  }
0x90: {  	[sflag:s11] =	ssyncset.done $0x0  }
0x91: {  	[sflag:s11] =	ssyncadd.s32 $0xFFFFF980  }
0x92: {  	_ =	swait.ge [sflag:s11], $0x680  }
0x93: {  	[sflag:s11] =	ssyncset.done $0x0  }
0x94: {  	[sflag:s11] =	ssyncadd.s32 $0xFFFFF980  }
0x95: {  	_ =	swait.ge [sflag:s11], $0x680  }
0x96: {  	[sflag:s11] =	ssyncset.done $0x0  }
0x97: {  	[sflag:s11] =	ssyncadd.s32 $0xFFFFF980  }
0x98: {  	_ =	swait.ge [sflag:s11], $0x680  }
0x99: {  	[sflag:s11] =	ssyncset.done $0x0  }
0x9a: {  	[sflag:s11] =	ssyncadd.s32 $0xFFFFF980  }
0x9b: {  	_ =	swait.ge [sflag:s11], $0x680  }
0x9c: {  	[sflag:s11] =	ssyncset.done $0x0  }
0x9d: {  	[sflag:s11] =	ssyncadd.s32 $0xFFFFF980  }
0x9e: {  	_ =	swait.ge [sflag:s11], $0x680  }
0x9f: {  	[sflag:s11] =	ssyncset.done $0x0  }
0xa0: {  	[sflag:s11] =	ssyncadd.s32 $0xFFFFF980  }
0xa1: {  	_ =	swait.ge [sflag:s11], $0x680  }
0xa2: {  	[sflag:s11] =	ssyncset.done $0x0  }
0xa3: {  	[sflag:s11] =	ssyncadd.s32 $0xFFFFF980  }
0xa4: {  	_ =	swait.ge [sflag:s11], $0x680  }
0xa5: {  	[sflag:s11] =	ssyncset.done $0x0  }
0xa6: {  	[sflag:s11] =	ssyncadd.s32 $0xFFFFF980  }
0xa7: {  	_ =	swait.ge [sflag:s11], $0x680  }
0xa8: {  	[sflag:s11] =	ssyncset.done $0x0  }
0xa9: {  	[sflag:s11] =	ssyncadd.s32 $0xFFFFF980  }
0xaa: {  	_ =	swait.ge [sflag:s11], $0x680  }
0xab: {  	[sflag:s11] =	ssyncset.done $0x0  }
0xac: {  	[sflag:s11] =	ssyncadd.s32 $0xFFFFF980  }
0xad: {  	_ =	swait.ge [sflag:s11], $0x680  }
0xae: {  	[sflag:s11] =	ssyncset.done $0x0  }
0xaf: {  	[sflag:s11] =	ssyncadd.s32 $0xFFFFF980  }
0xb0: {  	_ =	swait.ge [sflag:s11], $0x680  }
0xb1: {  	s30 =	simm.s32 $0x0;
	[sflag:s11] =	ssyncset.done $0x0  }
0xb2: {  	s29 =	simm.s32 $0x0;
	s14 =	simm.s32 $0x40;
	[sflag:s11] =	ssyncadd.s32 $0xFFFFF980  }
0xb3: {  	[tilespmem:s26], [sflag:$0x1] =	stream.indirect.gather.add.f32 [hbm:s3], $0x20, s30, s5, $0xb8;
	[tilespmem:$0x17F80] =	vst v63  }
.LBB2_4:
0xb4: {  	p0 =	sne.s32 s14, $0x19C0;
	v1 =	vld [tilespmem:s29+$0x680];
	_ =	sdelay $0x1  }
.Ltmp1:
0xb5: {  	(pc) =	sbr.rel @p0 .LBB2_4-.Ltmp1, $3  }
0xb6: {  	_ =	sdelay $0x1  }
0xb7: {  	v1 =	vadd.s32 $0xD000, v1  }
0xb8: {  	[tilespmem:s29+$0x680] =	vst v1;
	s29 =	sshra.s32 s14, $0x2;
	s14 =	sadd.s32 $0x40, s14  }
0xb9: {  	v1 =	vld [tilespmem:s29+$0x680];
	_ =	sdelay $0x4  }
0xba: {  	v1 =	vadd.s32 $0xD000, v1  }
0xbb: {  	s14 =	simm.s32 $0x40;
	s30 =	simm.s32 $0xD00;
	[tilespmem:s29+$0x680] =	vst v1;
	s29 =	simm.s32 $0x0  }
0xbc: {  	[tilespmem:s26], [sflag:$0x1] =	stream.indirect.gather.add.f32 [hbm:s3], $0x20, s5, s5, $0xb8;
	[tilespmem:$0x17F80] =	vst v63  }
.LBB2_6:
0xbd: {  	p0 =	sne.s32 s14, $0x19C0;
	v1 =	vld [tilespmem:s29+$0xD00];
	_ =	sdelay $0x1  }
.Ltmp2:
0xbe: {  	(pc) =	sbr.rel @p0 .LBB2_6-.Ltmp2, $3  }
0xbf: {  	_ =	sdelay $0x1  }
0xc0: {  	v1 =	vadd.s32 $0x1A000, v1  }
0xc1: {  	[tilespmem:s29+$0xD00] =	vst v1;
	s29 =	sshra.s32 s14, $0x2;
	s14 =	sadd.s32 $0x40, s14  }
0xc2: {  	v1 =	vld [tilespmem:s29+$0xD00];
	_ =	sdelay $0x4  }
0xc3: {  	v1 =	vadd.s32 $0x1A000, v1  }
0xc4: {  	s14 =	simm.s32 $0x40;
	[tilespmem:s29+$0xD00] =	vst v1;
	s29 =	simm.s32 $0x0  }
0xc5: {  	[tilespmem:s26], [sflag:$0x1] =	stream.indirect.gather.add.f32 [hbm:s3], $0x20, s30, s5, $0xb8;
	[tilespmem:$0x17F80] =	vst v63  }
.LBB2_8:
0xc6: {  	p0 =	sne.s32 s14, $0x19C0;
	v1 =	vld [tilespmem:s29+$0x1380];
	_ =	sdelay $0x1  }
.Ltmp3:
0xc7: {  	(pc) =	sbr.rel @p0 .LBB2_8-.Ltmp3, $3  }
0xc8: {  	_ =	sdelay $0x1  }
0xc9: {  	v1 =	vadd.s32 $0x27000, v1  }
0xca: {  	[tilespmem:s29+$0x1380] =	vst v1;
	s29 =	sshra.s32 s14, $0x2;
	s14 =	sadd.s32 $0x40, s14  }
0xcb: {  	v1 =	vld [tilespmem:s29+$0x1380];
	_ =	sdelay $0x4  }
0xcc: {  	v1 =	vadd.s32 $0x27000, v1  }
0xcd: {  	s14 =	simm.s32 $0x1380;
	[tilespmem:s29+$0x1380] =	vst v1  }
0xce: {  	[tilespmem:s26], [sflag:$0x1] =	stream.indirect.gather.add.f32 [hbm:s3], $0x20, s14, s5, $0xb8;
	[tilespmem:$0x17F80] =	vst v63  }
0xcf: {  	s29 =	simm.s32 $0x0;
	s14 =	simm.s32 $0x40  }
.LBB2_10:
0xd0: {  	p0 =	sne.s32 s14, $0x19C0;
	v1 =	vld [tilespmem:s29+$0x1A00];
	_ =	sdelay $0x1  }
.Ltmp4:
0xd1: {  	(pc) =	sbr.rel @p0 .LBB2_10-.Ltmp4, $3  }
0xd2: {  	_ =	sdelay $0x1  }
0xd3: {  	v1 =	vadd.s32 $0x34000, v1  }
0xd4: {  	[tilespmem:s29+$0x1A00] =	vst v1;
	s29 =	sshra.s32 s14, $0x2;
	s14 =	sadd.s32 $0x40, s14  }
0xd5: {  	v1 =	vld [tilespmem:s29+$0x1A00];
	_ =	sdelay $0x4  }
0xd6: {  	v1 =	vadd.s32 $0x34000, v1  }
0xd7: {  	s14 =	simm.s32 $0x1A00;
	[tilespmem:s29+$0x1A00] =	vst v1  }
0xd8: {  	[tilespmem:s26], [sflag:$0x1] =	stream.indirect.gather.add.f32 [hbm:s3], $0x20, s14, s5, $0xb8;
	[tilespmem:$0x17F80] =	vst v63  }
0xd9: {  	s29 =	simm.s32 $0x0;
	s14 =	simm.s32 $0x40  }
.LBB2_12:
0xda: {  	p0 =	sne.s32 s14, $0x19C0;
	v1 =	vld [tilespmem:s29+$0x2080];
	_ =	sdelay $0x1  }
.Ltmp5:
0xdb: {  	(pc) =	sbr.rel @p0 .LBB2_12-.Ltmp5, $3  }
0xdc: {  	_ =	sdelay $0x1  }
0xdd: {  	v1 =	vadd.s32 $0x41000, v1  }
0xde: {  	[tilespmem:s29+$0x2080] =	vst v1;
	s29 =	sshra.s32 s14, $0x2;
	s14 =	sadd.s32 $0x40, s14  }
0xdf: {  	v1 =	vld [tilespmem:s29+$0x2080];
	_ =	sdelay $0x4  }
0xe0: {  	v1 =	vadd.s32 $0x41000, v1  }
0xe1: {  	s14 =	simm.s32 $0x2080;
	[tilespmem:s29+$0x2080] =	vst v1  }
0xe2: {  	[tilespmem:s26], [sflag:$0x1] =	stream.indirect.gather.add.f32 [hbm:s3], $0x20, s14, s5, $0xb8;
	[tilespmem:$0x17F80] =	vst v63  }
0xe3: {  	s29 =	simm.s32 $0x0;
	s14 =	simm.s32 $0x40  }
.LBB2_14:
0xe4: {  	p0 =	sne.s32 s14, $0x19C0;
	v1 =	vld [tilespmem:s29+$0x2700];
	_ =	sdelay $0x1  }
.Ltmp6:
0xe5: {  	(pc) =	sbr.rel @p0 .LBB2_14-.Ltmp6, $3  }
0xe6: {  	_ =	sdelay $0x1  }
0xe7: {  	v1 =	vadd.s32 $0x4E000, v1  }
0xe8: {  	[tilespmem:s29+$0x2700] =	vst v1;
	s29 =	sshra.s32 s14, $0x2;
	s14 =	sadd.s32 $0x40, s14  }
0xe9: {  	v1 =	vld [tilespmem:s29+$0x2700];
	_ =	sdelay $0x4  }
0xea: {  	v1 =	vadd.s32 $0x4E000, v1  }
0xeb: {  	s14 =	simm.s32 $0x2700;
	[tilespmem:s29+$0x2700] =	vst v1  }
0xec: {  	[tilespmem:s26], [sflag:$0x1] =	stream.indirect.gather.add.f32 [hbm:s3], $0x20, s14, s5, $0xb8;
	[tilespmem:$0x17F80] =	vst v63  }
0xed: {  	s29 =	simm.s32 $0x0;
	s14 =	simm.s32 $0x40  }
.LBB2_16:
0xee: {  	p0 =	sne.s32 s14, $0x19C0;
	v1 =	vld [tilespmem:s29+$0x2D80];
	_ =	sdelay $0x1  }
.Ltmp7:
0xef: {  	(pc) =	sbr.rel @p0 .LBB2_16-.Ltmp7, $3  }
0xf0: {  	_ =	sdelay $0x1  }
0xf1: {  	v1 =	vadd.s32 $0x5B000, v1  }
0xf2: {  	[tilespmem:s29+$0x2D80] =	vst v1;
	s29 =	sshra.s32 s14, $0x2;
	s14 =	sadd.s32 $0x40, s14  }
0xf3: {  	v1 =	vld [tilespmem:s29+$0x2D80];
	_ =	sdelay $0x4  }
0xf4: {  	v1 =	vadd.s32 $0x5B000, v1  }
0xf5: {  	s14 =	simm.s32 $0x2D80;
	[tilespmem:s29+$0x2D80] =	vst v1  }
0xf6: {  	[tilespmem:s26], [sflag:$0x1] =	stream.indirect.gather.add.f32 [hbm:s3], $0x20, s14, s5, $0xb8;
	[tilespmem:$0x17F80] =	vst v63  }
0xf7: {  	s29 =	simm.s32 $0x0;
	s14 =	simm.s32 $0x40  }
.LBB2_18:
0xf8: {  	p0 =	sne.s32 s14, $0x19C0;
	v1 =	vld [tilespmem:s29+$0x3400];
	_ =	sdelay $0x1  }
.Ltmp8:
0xf9: {  	(pc) =	sbr.rel @p0 .LBB2_18-.Ltmp8, $3  }
0xfa: {  	_ =	sdelay $0x1  }
0xfb: {  	v1 =	vadd.s32 $0x68000, v1  }
0xfc: {  	[tilespmem:s29+$0x3400] =	vst v1;
	s29 =	sshra.s32 s14, $0x2;
	s14 =	sadd.s32 $0x40, s14  }
0xfd: {  	v1 =	vld [tilespmem:s29+$0x3400];
	_ =	sdelay $0x4  }
0xfe: {  	v1 =	vadd.s32 $0x68000, v1  }
0xff: {  	s14 =	simm.s32 $0x3400;
	[tilespmem:s29+$0x3400] =	vst v1  }
0x100: {  	[tilespmem:s26], [sflag:$0x1] =	stream.indirect.gather.add.f32 [hbm:s3], $0x20, s14, s5, $0xb8;
	[tilespmem:$0x17F80] =	vst v63  }
0x101: {  	s29 =	simm.s32 $0x0;
	s14 =	simm.s32 $0x40  }
.LBB2_20:
0x102: {  	p0 =	sne.s32 s14, $0x19C0;
	v1 =	vld [tilespmem:s29+$0x3A80];
	_ =	sdelay $0x1  }
.Ltmp9:
0x103: {  	(pc) =	sbr.rel @p0 .LBB2_20-.Ltmp9, $3  }
0x104: {  	_ =	sdelay $0x1  }
0x105: {  	v1 =	vadd.s32 $0x75000, v1  }
0x106: {  	[tilespmem:s29+$0x3A80] =	vst v1;
	s29 =	sshra.s32 s14, $0x2;
	s14 =	sadd.s32 $0x40, s14  }
0x107: {  	v1 =	vld [tilespmem:s29+$0x3A80];
	_ =	sdelay $0x4  }
0x108: {  	v1 =	vadd.s32 $0x75000, v1  }
0x109: {  	s14 =	simm.s32 $0x3A80;
	[tilespmem:s29+$0x3A80] =	vst v1  }
0x10a: {  	[tilespmem:s26], [sflag:$0x1] =	stream.indirect.gather.add.f32 [hbm:s3], $0x20, s14, s5, $0xb8;
	[tilespmem:$0x17F80] =	vst v63  }
0x10b: {  	s29 =	simm.s32 $0x0;
	s14 =	simm.s32 $0x40  }
.LBB2_22:
0x10c: {  	p0 =	sne.s32 s14, $0x19C0;
	v1 =	vld [tilespmem:s29+$0x4100];
	_ =	sdelay $0x1  }
.Ltmp10:
0x10d: {  	(pc) =	sbr.rel @p0 .LBB2_22-.Ltmp10, $3  }
0x10e: {  	_ =	sdelay $0x1  }
0x10f: {  	v1 =	vadd.s32 $0x82000, v1  }
0x110: {  	[tilespmem:s29+$0x4100] =	vst v1;
	s29 =	sshra.s32 s14, $0x2;
	s14 =	sadd.s32 $0x40, s14  }
0x111: {  	v1 =	vld [tilespmem:s29+$0x4100];
	_ =	sdelay $0x4  }
0x112: {  	v1 =	vadd.s32 $0x82000, v1  }
0x113: {  	s14 =	simm.s32 $0x4100;
	[tilespmem:s29+$0x4100] =	vst v1  }
0x114: {  	[tilespmem:s26], [sflag:$0x1] =	stream.indirect.gather.add.f32 [hbm:s3], $0x20, s14, s5, $0xb8;
	[tilespmem:$0x17F80] =	vst v63  }
0x115: {  	s29 =	simm.s32 $0x0;
	s14 =	simm.s32 $0x40  }
.LBB2_24:
0x116: {  	p0 =	sne.s32 s14, $0x19C0;
	v1 =	vld [tilespmem:s29+$0x4780];
	_ =	sdelay $0x1  }
.Ltmp11:
0x117: {  	(pc) =	sbr.rel @p0 .LBB2_24-.Ltmp11, $3  }
0x118: {  	_ =	sdelay $0x1  }
0x119: {  	v1 =	vadd.s32 $0x8F000, v1  }
0x11a: {  	[tilespmem:s29+$0x4780] =	vst v1;
	s29 =	sshra.s32 s14, $0x2;
	s14 =	sadd.s32 $0x40, s14  }
0x11b: {  	v1 =	vld [tilespmem:s29+$0x4780];
	_ =	sdelay $0x4  }
0x11c: {  	v1 =	vadd.s32 $0x8F000, v1  }
0x11d: {  	s14 =	simm.s32 $0x40;
	[tilespmem:s29+$0x4780] =	vst v1;
	s29 =	simm.s32 $0x0  }
0x11e: {  	[tilespmem:s26], [sflag:$0x1] =	stream.indirect.gather.add.f32 [hbm:s3], $0x20, s15, s5, $0xb8;
	[tilespmem:$0x17F80] =	vst v63  }
.LBB2_26:
0x11f: {  	p0 =	sne.s32 s14, $0x19C0;
	v1 =	vld [tilespmem:s29+$0x4E00];
	_ =	sdelay $0x1  }
.Ltmp12:
0x120: {  	(pc) =	sbr.rel @p0 .LBB2_26-.Ltmp12, $3  }
0x121: {  	_ =	sdelay $0x1  }
0x122: {  	v1 =	vadd.s32 $0x9C000, v1  }
0x123: {  	[tilespmem:s29+$0x4E00] =	vst v1;
	s29 =	sshra.s32 s14, $0x2;
	s14 =	sadd.s32 $0x40, s14  }
0x124: {  	v1 =	vld [tilespmem:s29+$0x4E00];
	_ =	sdelay $0x4  }
0x125: {  	v1 =	vadd.s32 $0x9C000, v1  }
0x126: {  	s14 =	simm.s32 $0x40;
	[tilespmem:s29+$0x4E00] =	vst v1;
	s29 =	simm.s32 $0x0  }
0x127: {  	[tilespmem:s26], [sflag:$0x1] =	stream.indirect.gather.add.f32 [hbm:s3], $0x20, s16, s5, $0xb8;
	[tilespmem:$0x17F80] =	vst v63  }
.LBB2_28:
0x128: {  	p0 =	sne.s32 s14, $0x19C0;
	v1 =	vld [tilespmem:s29+$0x5480];
	_ =	sdelay $0x1  }
.Ltmp13:
0x129: {  	(pc) =	sbr.rel @p0 .LBB2_28-.Ltmp13, $3  }
0x12a: {  	_ =	sdelay $0x1  }
0x12b: {  	v1 =	vadd.s32 $0xA9000, v1  }
0x12c: {  	[tilespmem:s29+$0x5480] =	vst v1;
	s29 =	sshra.s32 s14, $0x2;
	s14 =	sadd.s32 $0x40, s14  }
0x12d: {  	v1 =	vld [tilespmem:s29+$0x5480];
	_ =	sdelay $0x4  }
0x12e: {  	v1 =	vadd.s32 $0xA9000, v1  }
0x12f: {  	s14 =	simm.s32 $0x40;
	[tilespmem:s29+$0x5480] =	vst v1;
	s29 =	simm.s32 $0x0  }
0x130: {  	[tilespmem:s26], [sflag:$0x1] =	stream.indirect.gather.add.f32 [hbm:s3], $0x20, s17, s5, $0xb8;
	[tilespmem:$0x17F80] =	vst v63  }
.LBB2_30:
0x131: {  	p0 =	sne.s32 s14, $0x19C0;
	v1 =	vld [tilespmem:s29+$0x5B00];
	_ =	sdelay $0x1  }
.Ltmp14:
0x132: {  	(pc) =	sbr.rel @p0 .LBB2_30-.Ltmp14, $3  }
0x133: {  	_ =	sdelay $0x1  }
0x134: {  	v1 =	vadd.s32 $0xB6000, v1  }
0x135: {  	[tilespmem:s29+$0x5B00] =	vst v1;
	s29 =	sshra.s32 s14, $0x2;
	s14 =	sadd.s32 $0x40, s14  }
0x136: {  	v1 =	vld [tilespmem:s29+$0x5B00];
	_ =	sdelay $0x4  }
0x137: {  	v1 =	vadd.s32 $0xB6000, v1  }
0x138: {  	s14 =	simm.s32 $0x40;
	[tilespmem:s29+$0x5B00] =	vst v1;
	s29 =	simm.s32 $0x0  }
0x139: {  	[tilespmem:s26], [sflag:$0x1] =	stream.indirect.gather.add.f32 [hbm:s3], $0x20, s18, s5, $0xb8;
	[tilespmem:$0x17F80] =	vst v63  }
.LBB2_32:
0x13a: {  	p0 =	sne.s32 s14, $0x19C0;
	v1 =	vld [tilespmem:s29+$0x6180];
	_ =	sdelay $0x1  }
.Ltmp15:
0x13b: {  	(pc) =	sbr.rel @p0 .LBB2_32-.Ltmp15, $3  }
0x13c: {  	_ =	sdelay $0x1  }
0x13d: {  	v1 =	vadd.s32 $0xC3000, v1  }
0x13e: {  	[tilespmem:s29+$0x6180] =	vst v1;
	s29 =	sshra.s32 s14, $0x2;
	s14 =	sadd.s32 $0x40, s14  }
0x13f: {  	v1 =	vld [tilespmem:s29+$0x6180];
	_ =	sdelay $0x4  }
0x140: {  	v1 =	vadd.s32 $0xC3000, v1  }
0x141: {  	s14 =	simm.s32 $0x40;
	[tilespmem:s29+$0x6180] =	vst v1;
	s29 =	simm.s32 $0x0  }
0x142: {  	[tilespmem:s26], [sflag:$0x1] =	stream.indirect.gather.add.f32 [hbm:s3], $0x20, s19, s5, $0xb8;
	[tilespmem:$0x17F80] =	vst v63  }
.LBB2_34:
0x143: {  	p0 =	sne.s32 s14, $0x19C0;
	v1 =	vld [tilespmem:s29+$0x6800];
	_ =	sdelay $0x1  }
.Ltmp16:
0x144: {  	(pc) =	sbr.rel @p0 .LBB2_34-.Ltmp16, $3  }
0x145: {  	_ =	sdelay $0x1  }
0x146: {  	v1 =	vadd.s32 $0xD0000, v1  }
0x147: {  	[tilespmem:s29+$0x6800] =	vst v1;
	s29 =	sshra.s32 s14, $0x2;
	s14 =	sadd.s32 $0x40, s14  }
0x148: {  	v1 =	vld [tilespmem:s29+$0x6800];
	_ =	sdelay $0x4  }
0x149: {  	v1 =	vadd.s32 $0xD0000, v1  }
0x14a: {  	s14 =	simm.s32 $0x40;
	[tilespmem:s29+$0x6800] =	vst v1;
	s29 =	simm.s32 $0x0  }
0x14b: {  	[tilespmem:s26], [sflag:$0x1] =	stream.indirect.gather.add.f32 [hbm:s3], $0x20, s20, s5, $0xb8;
	[tilespmem:$0x17F80] =	vst v63  }
.LBB2_36:
0x14c: {  	p0 =	sne.s32 s14, $0x19C0;
	v1 =	vld [tilespmem:s29+$0x6E80];
	_ =	sdelay $0x1  }
.Ltmp17:
0x14d: {  	(pc) =	sbr.rel @p0 .LBB2_36-.Ltmp17, $3  }
0x14e: {  	_ =	sdelay $0x1  }
0x14f: {  	v1 =	vadd.s32 $0xDD000, v1  }
0x150: {  	[tilespmem:s29+$0x6E80] =	vst v1;
	s29 =	sshra.s32 s14, $0x2;
	s14 =	sadd.s32 $0x40, s14  }
0x151: {  	v1 =	vld [tilespmem:s29+$0x6E80];
	_ =	sdelay $0x4  }
0x152: {  	v1 =	vadd.s32 $0xDD000, v1  }
0x153: {  	s14 =	simm.s32 $0x40;
	[tilespmem:s29+$0x6E80] =	vst v1;
	s29 =	simm.s32 $0x0  }
0x154: {  	[tilespmem:s26], [sflag:$0x1] =	stream.indirect.gather.add.f32 [hbm:s3], $0x20, s6, s5, $0xb8;
	[tilespmem:$0x17F80] =	vst v63  }
.LBB2_38:
0x155: {  	p0 =	sne.s32 s14, $0x19C0;
	v1 =	vld [tilespmem:s29+$0x7500];
	_ =	sdelay $0x1  }
.Ltmp18:
0x156: {  	(pc) =	sbr.rel @p0 .LBB2_38-.Ltmp18, $3  }
0x157: {  	_ =	sdelay $0x1  }
0x158: {  	v1 =	vadd.s32 $0xEA000, v1  }
0x159: {  	[tilespmem:s29+$0x7500] =	vst v1;
	s29 =	sshra.s32 s14, $0x2;
	s14 =	sadd.s32 $0x40, s14  }
0x15a: {  	v1 =	vld [tilespmem:s29+$0x7500];
	_ =	sdelay $0x4  }
0x15b: {  	v1 =	vadd.s32 $0xEA000, v1  }
0x15c: {  	s14 =	simm.s32 $0x40;
	[tilespmem:s29+$0x7500] =	vst v1;
	s29 =	simm.s32 $0x0  }
0x15d: {  	[tilespmem:s26], [sflag:$0x1] =	stream.indirect.gather.add.f32 [hbm:s3], $0x20, s21, s5, $0xb8;
	[tilespmem:$0x17F80] =	vst v63  }
.LBB2_40:
0x15e: {  	p0 =	sne.s32 s14, $0x19C0;
	v1 =	vld [tilespmem:s29+$0x7B80];
	_ =	sdelay $0x1  }
.Ltmp19:
0x15f: {  	(pc) =	sbr.rel @p0 .LBB2_40-.Ltmp19, $3  }
0x160: {  	_ =	sdelay $0x1  }
0x161: {  	v1 =	vadd.s32 $0xF7000, v1  }
0x162: {  	[tilespmem:s29+$0x7B80] =	vst v1;
	s29 =	sshra.s32 s14, $0x2;
	s14 =	sadd.s32 $0x40, s14  }
0x163: {  	v1 =	vld [tilespmem:s29+$0x7B80];
	_ =	sdelay $0x4  }
0x164: {  	v1 =	vadd.s32 $0xF7000, v1  }
0x165: {  	s14 =	simm.s32 $0x40;
	[tilespmem:s29+$0x7B80] =	vst v1;
	s29 =	simm.s32 $0x0  }
0x166: {  	[tilespmem:s26], [sflag:$0x1] =	stream.indirect.gather.add.f32 [hbm:s3], $0x20, s7, s5, $0xb8;
	[tilespmem:$0x17F80] =	vst v63  }
.LBB2_42:
0x167: {  	p0 =	sne.s32 s14, $0x19C0;
	v1 =	vld [tilespmem:s29+$0x8200];
	_ =	sdelay $0x1  }
.Ltmp20:
0x168: {  	(pc) =	sbr.rel @p0 .LBB2_42-.Ltmp20, $3  }
0x169: {  	_ =	sdelay $0x1  }
0x16a: {  	v1 =	vadd.s32 $0x104000, v1  }
0x16b: {  	[tilespmem:s29+$0x8200] =	vst v1;
	s29 =	sshra.s32 s14, $0x2;
	s14 =	sadd.s32 $0x40, s14  }
0x16c: {  	v1 =	vld [tilespmem:s29+$0x8200];
	_ =	sdelay $0x4  }
0x16d: {  	v1 =	vadd.s32 $0x104000, v1  }
0x16e: {  	s14 =	simm.s32 $0x40;
	[tilespmem:s29+$0x8200] =	vst v1;
	s29 =	simm.s32 $0x0  }
0x16f: {  	[tilespmem:s26], [sflag:$0x1] =	stream.indirect.gather.add.f32 [hbm:s3], $0x20, s22, s5, $0xb8;
	[tilespmem:$0x17F80] =	vst v63  }
.LBB2_44:
0x170: {  	p0 =	sne.s32 s14, $0x19C0;
	v1 =	vld [tilespmem:s29+$0x8880];
	_ =	sdelay $0x1  }
.Ltmp21:
0x171: {  	(pc) =	sbr.rel @p0 .LBB2_44-.Ltmp21, $3  }
0x172: {  	_ =	sdelay $0x1  }
0x173: {  	v1 =	vadd.s32 $0x111000, v1  }
0x174: {  	[tilespmem:s29+$0x8880] =	vst v1;
	s29 =	sshra.s32 s14, $0x2;
	s14 =	sadd.s32 $0x40, s14  }
0x175: {  	v1 =	vld [tilespmem:s29+$0x8880];
	_ =	sdelay $0x4  }
0x176: {  	v1 =	vadd.s32 $0x111000, v1  }
0x177: {  	s14 =	simm.s32 $0x40;
	[tilespmem:s29+$0x8880] =	vst v1;
	s29 =	simm.s32 $0x0  }
0x178: {  	[tilespmem:s26], [sflag:$0x1] =	stream.indirect.gather.add.f32 [hbm:s3], $0x20, s8, s5, $0xb8;
	[tilespmem:$0x17F80] =	vst v63  }
.LBB2_46:
0x179: {  	p0 =	sne.s32 s14, $0x19C0;
	v1 =	vld [tilespmem:s29+$0x8F00];
	_ =	sdelay $0x1  }
.Ltmp22:
0x17a: {  	(pc) =	sbr.rel @p0 .LBB2_46-.Ltmp22, $3  }
0x17b: {  	_ =	sdelay $0x1  }
0x17c: {  	v1 =	vadd.s32 $0x11E000, v1  }
0x17d: {  	[tilespmem:s29+$0x8F00] =	vst v1;
	s29 =	sshra.s32 s14, $0x2;
	s14 =	sadd.s32 $0x40, s14  }
0x17e: {  	v1 =	vld [tilespmem:s29+$0x8F00];
	_ =	sdelay $0x4  }
0x17f: {  	v1 =	vadd.s32 $0x11E000, v1  }
0x180: {  	s14 =	simm.s32 $0x40;
	[tilespmem:s29+$0x8F00] =	vst v1;
	s29 =	simm.s32 $0x0  }
0x181: {  	[tilespmem:s26], [sflag:$0x1] =	stream.indirect.gather.add.f32 [hbm:s3], $0x20, s23, s5, $0xb8;
	[tilespmem:$0x17F80] =	vst v63  }
.LBB2_48:
0x182: {  	p0 =	sne.s32 s14, $0x19C0;
	v1 =	vld [tilespmem:s29+$0x9580];
	_ =	sdelay $0x1  }
.Ltmp23:
0x183: {  	(pc) =	sbr.rel @p0 .LBB2_48-.Ltmp23, $3  }
0x184: {  	_ =	sdelay $0x1  }
0x185: {  	v1 =	vadd.s32 $0x12B000, v1  }
0x186: {  	[tilespmem:s29+$0x9580] =	vst v1;
	s29 =	sshra.s32 s14, $0x2;
	s14 =	sadd.s32 $0x40, s14  }
0x187: {  	v1 =	vld [tilespmem:s29+$0x9580];
	_ =	sdelay $0x4  }
0x188: {  	v1 =	vadd.s32 $0x12B000, v1  }
0x189: {  	s14 =	simm.s32 $0x40;
	[tilespmem:s29+$0x9580] =	vst v1;
	s29 =	simm.s32 $0x0  }
0x18a: {  	[tilespmem:s26], [sflag:$0x1] =	stream.indirect.gather.add.f32 [hbm:s3], $0x20, s9, s5, $0xb8;
	[tilespmem:$0x17F80] =	vst v63  }
.LBB2_50:
0x18b: {  	p0 =	sne.s32 s14, $0x19C0;
	v1 =	vld [tilespmem:s29+$0x9C00];
	_ =	sdelay $0x1  }
.Ltmp24:
0x18c: {  	(pc) =	sbr.rel @p0 .LBB2_50-.Ltmp24, $3  }
0x18d: {  	_ =	sdelay $0x1  }
0x18e: {  	v1 =	vadd.s32 $0x138000, v1  }
0x18f: {  	[tilespmem:s29+$0x9C00] =	vst v1;
	s29 =	sshra.s32 s14, $0x2;
	s14 =	sadd.s32 $0x40, s14  }
0x190: {  	v1 =	vld [tilespmem:s29+$0x9C00];
	_ =	sdelay $0x4  }
0x191: {  	v1 =	vadd.s32 $0x138000, v1  }
0x192: {  	s14 =	simm.s32 $0x40;
	[tilespmem:s29+$0x9C00] =	vst v1;
	s29 =	simm.s32 $0x0  }
0x193: {  	[tilespmem:s26], [sflag:$0x1] =	stream.indirect.gather.add.f32 [hbm:s3], $0x20, s24, s5, $0xb8;
	[tilespmem:$0x17F80] =	vst v63  }
.LBB2_52:
0x194: {  	p0 =	sne.s32 s14, $0x19C0;
	v1 =	vld [tilespmem:s29+$0xA280];
	_ =	sdelay $0x1  }
.Ltmp25:
0x195: {  	(pc) =	sbr.rel @p0 .LBB2_52-.Ltmp25, $3  }
0x196: {  	_ =	sdelay $0x1  }
0x197: {  	v1 =	vadd.s32 $0x145000, v1  }
0x198: {  	[tilespmem:s29+$0xA280] =	vst v1;
	s29 =	sshra.s32 s14, $0x2;
	s14 =	sadd.s32 $0x40, s14  }
0x199: {  	v1 =	vld [tilespmem:s29+$0xA280];
	_ =	sdelay $0x4  }
0x19a: {  	v1 =	vadd.s32 $0x145000, v1  }
0x19b: {  	s14 =	simm.s32 $0x40;
	[tilespmem:s29+$0xA280] =	vst v1;
	s29 =	simm.s32 $0x0  }
0x19c: {  	[tilespmem:s26], [sflag:$0x1] =	stream.indirect.gather.add.f32 [hbm:s3], $0x20, s10, s5, $0xb8;
	[tilespmem:$0x17F80] =	vst v63  }
.LBB2_54:
0x19d: {  	p0 =	sne.s32 s14, $0x19C0;
	v1 =	vld [tilespmem:s29+$0xA900];
	_ =	sdelay $0x1  }
.Ltmp26:
0x19e: {  	(pc) =	sbr.rel @p0 .LBB2_54-.Ltmp26, $3  }
0x19f: {  	_ =	sdelay $0x1  }
0x1a0: {  	v1 =	vadd.s32 $0x152000, v1  }
0x1a1: {  	[tilespmem:s29+$0xA900] =	vst v1;
	s29 =	sshra.s32 s14, $0x2;
	s14 =	sadd.s32 $0x40, s14  }
0x1a2: {  	v1 =	vld [tilespmem:s29+$0xA900];
	_ =	sdelay $0x4  }
0x1a3: {  	v1 =	vadd.s32 $0x152000, v1  }
0x1a4: {  	[tilespmem:s29+$0xA900] =	vst v1  }
0x1a5: {  	[tilespmem:s26], [sflag:$0x1] =	stream.indirect.gather.add.f32 [hbm:s3], $0x20, s25, s5, $0xb8;
	[tilespmem:$0x17F80] =	vst v63  }
0x1a6: {  	_ =	swait.ge [sflag:s12], $0xD000  }
0x1a7: {  	[sflag:s12] =	ssyncset.done $0x0  }
0x1a8: {  	[sflag:s12] =	ssyncadd.s32 $0xFFFF3000  }
0x1a9: {  	_ =	swait.ge [sflag:s12], $0xD000  }
0x1aa: {  	[sflag:s12] =	ssyncset.done $0x0  }
0x1ab: {  	[sflag:s12] =	ssyncadd.s32 $0xFFFF3000  }
0x1ac: {  	_ =	swait.ge [sflag:s12], $0xD000  }
0x1ad: {  	[sflag:s12] =	ssyncset.done $0x0  }
0x1ae: {  	[sflag:s12] =	ssyncadd.s32 $0xFFFF3000  }
0x1af: {  	_ =	swait.ge [sflag:s12], $0xD000  }
0x1b0: {  	[sflag:s12] =	ssyncset.done $0x0  }
0x1b1: {  	[sflag:s12] =	ssyncadd.s32 $0xFFFF3000  }
0x1b2: {  	_ =	swait.ge [sflag:s12], $0xD000  }
0x1b3: {  	[sflag:s12] =	ssyncset.done $0x0  }
0x1b4: {  	[sflag:s12] =	ssyncadd.s32 $0xFFFF3000  }
0x1b5: {  	_ =	swait.ge [sflag:s12], $0xD000  }
0x1b6: {  	[sflag:s12] =	ssyncset.done $0x0  }
0x1b7: {  	[sflag:s12] =	ssyncadd.s32 $0xFFFF3000  }
0x1b8: {  	_ =	swait.ge [sflag:s12], $0xD000  }
0x1b9: {  	[sflag:s12] =	ssyncset.done $0x0  }
0x1ba: {  	[sflag:s12] =	ssyncadd.s32 $0xFFFF3000  }
0x1bb: {  	_ =	swait.ge [sflag:s12], $0xD000  }
0x1bc: {  	[sflag:s12] =	ssyncset.done $0x0  }
0x1bd: {  	[sflag:s12] =	ssyncadd.s32 $0xFFFF3000  }
0x1be: {  	_ =	swait.ge [sflag:s12], $0xD000  }
0x1bf: {  	[sflag:s12] =	ssyncset.done $0x0  }
0x1c0: {  	[sflag:s12] =	ssyncadd.s32 $0xFFFF3000  }
0x1c1: {  	_ =	swait.ge [sflag:s12], $0xD000  }
0x1c2: {  	[sflag:s12] =	ssyncset.done $0x0  }
0x1c3: {  	[sflag:s12] =	ssyncadd.s32 $0xFFFF3000  }
0x1c4: {  	_ =	swait.ge [sflag:s12], $0xD000  }
0x1c5: {  	[sflag:s12] =	ssyncset.done $0x0  }
0x1c6: {  	[sflag:s12] =	ssyncadd.s32 $0xFFFF3000  }
0x1c7: {  	_ =	swait.ge [sflag:s12], $0xD000  }
0x1c8: {  	[sflag:s12] =	ssyncset.done $0x0  }
0x1c9: {  	[sflag:s12] =	ssyncadd.s32 $0xFFFF3000  }
0x1ca: {  	_ =	swait.ge [sflag:s12], $0xD000  }
0x1cb: {  	[sflag:s12] =	ssyncset.done $0x0  }
0x1cc: {  	[sflag:s12] =	ssyncadd.s32 $0xFFFF3000  }
0x1cd: {  	_ =	swait.ge [sflag:s12], $0xD000  }
0x1ce: {  	[sflag:s12] =	ssyncset.done $0x0  }
0x1cf: {  	[sflag:s12] =	ssyncadd.s32 $0xFFFF3000  }
0x1d0: {  	_ =	swait.ge [sflag:s12], $0xD000  }
0x1d1: {  	[sflag:s12] =	ssyncset.done $0x0  }
0x1d2: {  	[sflag:s12] =	ssyncadd.s32 $0xFFFF3000  }
0x1d3: {  	_ =	swait.ge [sflag:s12], $0xD000  }
0x1d4: {  	[sflag:s12] =	ssyncset.done $0x0  }
0x1d5: {  	[sflag:s12] =	ssyncadd.s32 $0xFFFF3000  }
0x1d6: {  	_ =	swait.ge [sflag:s12], $0xD000  }
0x1d7: {  	[sflag:s12] =	ssyncset.done $0x0  }
0x1d8: {  	[sflag:s12] =	ssyncadd.s32 $0xFFFF3000  }
0x1d9: {  	_ =	swait.ge [sflag:s12], $0xD000  }
0x1da: {  	[sflag:s12] =	ssyncset.done $0x0  }
0x1db: {  	[sflag:s12] =	ssyncadd.s32 $0xFFFF3000  }
0x1dc: {  	_ =	swait.ge [sflag:s12], $0xD000  }
0x1dd: {  	[sflag:s12] =	ssyncset.done $0x0  }
0x1de: {  	[sflag:s12] =	ssyncadd.s32 $0xFFFF3000  }
0x1df: {  	_ =	swait.ge [sflag:s12], $0xD000  }
0x1e0: {  	[sflag:s12] =	ssyncset.done $0x0  }
0x1e1: {  	[sflag:s12] =	ssyncadd.s32 $0xFFFF3000  }
0x1e2: {  	_ =	swait.ge [sflag:s12], $0xD000  }
0x1e3: {  	[sflag:s12] =	ssyncset.done $0x0  }
0x1e4: {  	[sflag:s12] =	ssyncadd.s32 $0xFFFF3000  }
0x1e5: {  	_ =	swait.ge [sflag:s12], $0xD000  }
0x1e6: {  	[sflag:s12] =	ssyncset.done $0x0  }
0x1e7: {  	[sflag:s12] =	ssyncadd.s32 $0xFFFF3000  }
0x1e8: {  	_ =	swait.ge [sflag:s12], $0xD000  }
0x1e9: {  	[sflag:s12] =	ssyncset.done $0x0  }
0x1ea: {  	[sflag:s12] =	ssyncadd.s32 $0xFFFF3000  }
0x1eb: {  	_ =	swait.ge [sflag:s12], $0xD000  }
0x1ec: {  	[sflag:s12] =	ssyncset.done $0x0  }
0x1ed: {  	[sflag:s12] =	ssyncadd.s32 $0xFFFF3000  }
0x1ee: {  	_ =	swait.ge [sflag:s12], $0xD000  }
0x1ef: {  	[sflag:s12] =	ssyncset.done $0x0  }
0x1f0: {  	[sflag:s12] =	ssyncadd.s32 $0xFFFF3000  }
0x1f1: {  	_ =	swait.ge [sflag:s12], $0xD000  }
0x1f2: {  	[sflag:s12] =	ssyncset.done $0x0  }
0x1f3: {  	[sflag:s12] =	ssyncadd.s32 $0xFFFF3000  }
0x1f4: {  	_ =	swait.ge [sflag:s12], $0xD000  }
0x1f5: {  	[sflag:s12] =	ssyncset.done $0x0  }
0x1f6: {  	s14 =	rddreg [dreg:$0x16];
	[sflag:s12] =	ssyncadd.s32 $0xFFFF3000  }
0x1f7: {  	[hbm4b:s14+s2] =	stream.linear.scatter [tilespmem:s26], [sflag:$0x3], $0xD000, $0x38;
	[tilespmem:$0x17F80] =	vst v63  }
0x1f8: {  	_ =	swait.ge [sflag:s28], $0xD000  }
0x1f9: {  	s13 =	sadd.s32 $0x1, s13;
	s29 =	rddreg [dreg:$0x17]  }
0x1fa: {  	p0 =	sne.s32 s13, s29  }
.Ltmp27:
0x1fb: {  	_ = 	snop;
	(pc) =	sbr.rel @p0 .LBB2_1-.Ltmp27, $3  }
0x1fc: {  	_ =	sdelay $0x1  }
0x1fd: {  	[sflag:s28] =	ssyncset.done $0x0  }
0x1fe: {  	[sflag:s28] =	ssyncadd.s32 $0xFFFF3000  }
0x1ff: {  	_ =	sfence.sel $0x180000  }
0x200: {  	[bflag:$0x0] =	sbarrier.arrive $0xFFFF  }
0x201: {  	_ =	strace $0x90000047  }
0x202: {  	s0 =	stileid.u32;
	[bflag:$0x2] =	sbarrier.arrive $0xFFFF  }
0x203: {  	p0 =	sne.s32 s0, $0x0;
	s0 =	rddreg [dreg:$0x2]  }
0x204: {  	s0 =	sadd.s32 @!p0 $0x100000, s0  }
0x205: {  	[sflag:s0] =	ssyncadd.tile.s32 @!p0 $0x1;
	_ =	shalt  }
.Lfunc_end2:
_tile_overlayer_lowered:
.L_overlay_start_2:
0x206: {  	(tag) =	ssettag $0x2  }
0x207: {  	s0 =	rddreg [dreg:$0x0];
	s2 =	stileid.u32  }
0x208: {  	s1 =	rddreg [dreg:$0x1];
	p0 =	sne.s32 s2, $0x0  }
0x209: {  	s3 =	rddreg [dreg:$0x2];
	[bflag:$0x3] =	sbarrier.arrive $0xFFFF;
	s2 =	simm.s32 @!p0 $0x1C03  }
0x20a: {  	[timem:s3], [sflag:s2] =	dma.local @!p0 [hbm:s0], s1  }
0x20b: {  	s0 =	simm.s32 @!p0 $0x3  }
0x20c: {  	_ =	swait.ge @!p0 [sflag:s0], s1  }
0x20d: {  	s1 =	ssub.s32 @!p0 $0x0, s1;
	[sflag:s0] =	ssyncset.done @!p0 $0x0  }
0x20e: {  	[sflag:s0] =	ssyncadd.s32 @!p0 s1  }
0x20f: {  	[bflag:$0x3] =	sbarrier.arrive $0xFFFF  }
0x210: {  	_ =	shalt  }

</sc_bundles>
